<compile_context>
chip_gen: v7x
topology: tpu7x:2x2x1
jax: 0.10.2.dev20260603
libtpu: 0.0.44.dev20260713+nightly
codegen_flags: <defaults>
</compile_context>

<pallas_src>
import functools

import jax
import jax.numpy as jnp
from jax import lax
from jax.experimental import pallas as pl
from jax.experimental.pallas import tpu as pltpu
from jax.experimental.pallas import tpu_sc as plsc

L = 16
KC_BLK = 2048


def _kc_of_body(At_ref, out_ref):
    a = At_ref[...]
    ramp = lax.broadcasted_iota(jnp.int32, a.shape, 0).astype(jnp.float32)
    out_ref[...] = jnp.sum(a * ramp, axis=0).astype(jnp.int32)


def _compute_kc_of(At):
    K, V = At.shape
    grid = (pl.cdiv(V, KC_BLK),)
    return pl.pallas_call(
        _kc_of_body,
        grid=grid,
        in_specs=[pl.BlockSpec((K, KC_BLK), lambda i: (0, i))],
        out_specs=pl.BlockSpec((KC_BLK,), lambda i: (i,)),
        out_shape=jax.ShapeDtypeStruct((V,), jnp.int32),
    )(At)


def _sc_gather_ids(table, idx):
    N = idx.shape[0]
    V = table.shape[0]
    info = plsc.get_sparse_core_info()
    nw = info.num_cores * info.num_subcores
    n_per_w = N // nw
    mesh = plsc.VectorSubcoreMesh(core_axis_name="c", subcore_axis_name="s")

    @functools.partial(
        pl.kernel,
        mesh=mesh,
        out_type=jax.ShapeDtypeStruct((N,), jnp.int32),
        compiler_params=pltpu.CompilerParams(needs_layout_passes=False),
        scratch_types=[
            pltpu.VMEM((V,), jnp.int32),
            pltpu.VMEM((n_per_w,), jnp.int32),
            pltpu.VMEM((n_per_w,), jnp.int32),
        ],
    )
    def k(table_hbm, idx_hbm, out_hbm, table_v, idx_v, out_v):
        wid = lax.axis_index("s") * info.num_cores + lax.axis_index("c")
        base = wid * n_per_w
        pltpu.sync_copy(table_hbm, table_v)
        pltpu.sync_copy(idx_hbm.at[pl.ds(base, n_per_w)], idx_v)
        for i in range(n_per_w // L):
            ivec = idx_v[pl.ds(i * L, L)]
            out_v[pl.ds(i * L, L)] = plsc.load_gather(table_v, [ivec])
        pltpu.sync_copy(out_v, out_hbm.at[pl.ds(base, n_per_w)])

    return k(table, idx)


def _bkt_body(ids_ref, pcor_ref, Wt_ref, At_ref, probs_ref, state_ref):
    T = pcor_ref.shape[0]
    blk = pcor_ref.shape[1]
    K = Wt_ref.shape[1]
    i = pl.program_id(0)
    B2 = ids_ref.shape[0] // T
    sw = jax.nn.sigmoid(Wt_ref[...].T)
    ramp = lax.broadcasted_iota(jnp.int32, (K, blk), 0)

    def row(base):
        return ids_ref[pl.ds(pl.multiple_of(base, blk), blk)].reshape(1, blk)

    def wsel(oh, c):
        return jnp.sum(oh * sw[:, c:c + 1], axis=0, keepdims=True)

    state = jnp.broadcast_to(sw[:, 4:5], (K, blk))
    for t in range(T):
        oc = (ramp == row(t * B2 + B2 // 2 + i * blk)).astype(jnp.float32)
        c2 = wsel(oc, 2)
        c3 = wsel(oc, 3)
        if t > 0:
            opb = ramp == row(t * B2 + i * blk)
            op = opb.astype(jnp.float32)
            p0 = wsel(op, 0)
            p1 = wsel(op, 1)
            p2 = wsel(op, 2)
            p3 = wsel(op, 3)
            pcor = pcor_ref[t:t + 1, :]
            ss = jnp.sum(state * op, axis=0, keepdims=True)
            po0 = jnp.where(pcor > 0.5, p2, 1.0 - p2)
            po1 = jnp.where(pcor > 0.5, p3, 1.0 - p3)
            filt = po1 * ss / (po0 * (1.0 - ss) + po1 * ss)
            pred = p0 * (1.0 - filt) + (1.0 - p1) * filt
            state = jnp.where(opb, pred, state)
        cs = jnp.sum(state * oc, axis=0, keepdims=True)
        probs_ref[t:t + 1, :] = c2 * (1.0 - cs) + c3 * cs
    state_ref[...] = jax.lax.dot_general(
        At_ref[...], state, (((0,), (0,)), ((), ())),
        preferred_element_type=jnp.float32)


def kernel(prev_kc, curr_kc, prev_corr, A, W):
    B, T = prev_kc.shape
    V, K = A.shape
    At = A.T

    kc_of = _compute_kc_of(At)
    idx = jnp.concatenate(
        [prev_kc, curr_kc], axis=0).T.reshape(-1).astype(jnp.int32)
    ids = _sc_gather_ids(kc_of, idx)

    blk = 256
    probsT, stateT = pl.pallas_call(
        _bkt_body,
        grid=(B // blk,),
        in_specs=[
            pl.BlockSpec((2 * B * T,), lambda i: (0,)),
            pl.BlockSpec((T, blk), lambda i: (0, i)),
            pl.BlockSpec((5, K), lambda i: (0, 0)),
            pl.BlockSpec((K, V), lambda i: (0, 0)),
        ],
        out_specs=[
            pl.BlockSpec((T, blk), lambda i: (0, i)),
            pl.BlockSpec((V, blk), lambda i: (0, i)),
        ],
        out_shape=[
            jax.ShapeDtypeStruct((T, B), jnp.float32),
            jax.ShapeDtypeStruct((V, B), jnp.float32),
        ],
        compiler_params=pltpu.CompilerParams(
            fuse_transposed_lhs_in_matmul=True),
    )(ids, prev_corr.T, W.T, At)
    return probsT.T, stateT.T

# --- scband reference (transcript-rebuilt; emitter-appended) ---
"""Pipeline reference for scband-bktmodel-64690797412665 (READ-ONLY COPY).

The authoritative reference and input builder live on the scoring server;
editing this copy changes nothing except your own understanding.
"""

import jax, jax.numpy as jnp
import numpy as np

N_KCS = 50
N_OBS = 10000
B = 1024
T = 20


def setup_inputs(seed: int = 0) -> dict:
    key = jax.random.key(seed)
    k1, k2, k3, k4, k5, k6 = jax.random.split(key, 6)
    prev_kc = jax.random.randint(k1, (B, T), 0, N_OBS)
    curr_kc = jax.random.randint(k2, (B, T), 0, N_OBS)
    prev_corr = jax.random.randint(k3, (B, T), 0, 2).astype(jnp.float32)
    # kc_logits.weight ~ Normal(0, 0.1), shape [n_kcs, 5]
    W = (jax.random.normal(k4, (N_KCS, 5)) * 0.1).astype(jnp.float32)
    # assignment matrix A sampled via hard gumbel-softmax over membership logits
    memb = jax.random.normal(k5, (N_OBS, N_KCS)).astype(jnp.float32) * float(np.sqrt(2.0 / (N_OBS + N_KCS)))
    u = jax.random.uniform(k6, (N_OBS, N_KCS), minval=1e-6, maxval=1.0 - 1e-6)
    g = -jnp.log(-jnp.log(u))
    A = jax.nn.one_hot(jnp.argmax(memb + g, axis=1), N_KCS, dtype=jnp.float32)
    return {"prev_kc": prev_kc, "curr_kc": curr_kc, "prev_corr": prev_corr, "A": A, "W": W}


def reference(prev_kc, curr_kc, prev_corr, A, W):
    n_batch = prev_kc.shape[0]
    n_t = prev_kc.shape[1]
    bix = jnp.arange(n_batch)
    # forward_first_trial: state from logits[:, 4]
    logits_all = A @ W  # [n_obs_kcs, 5]
    state = jnp.tile(jax.nn.sigmoid(logits_all[:, 4])[None, :], (n_batch, 1))  # [B, n_obs_kcs]
    ck0 = curr_kc[:, 0]
    curr_probs = jax.nn.sigmoid(logits_all[ck0, :])
    curr_state = state[bix, ck0]
    pc = curr_probs[:, 2] * (1.0 - curr_state) + curr_probs[:, 3] * curr_state
    outputs = [pc]
    for i in range(1, n_t):
        pkc = prev_kc[:, i]
        ckc = curr_kc[:, i]
        pcor = prev_corr[:, i]
        prev_A = A[pkc, :]  # [B, n_kcs] gather
        prev_probs = jax.nn.sigmoid(prev_A @ W)  # [B, 5]
        curr_A = A[ckc, :]
        curr_probs = jax.nn.sigmoid(curr_A @ W)
        p_correct_given_h = prev_probs[:, 2:4]  # cols [2,3]
        p_output_given_h = jnp.power(p_correct_given_h, pcor[:, None]) * jnp.power(1.0 - p_correct_given_h, 1.0 - pcor[:, None])
        skill_state = state[bix, pkc]
        filtering = p_output_given_h[:, 1] * skill_state / (p_output_given_h[:, 0] * (1.0 - skill_state) + p_output_given_h[:, 1] * skill_state)
        p_learning = prev_probs[:, 0]
        p_forgetting = prev_probs[:, 1]
        predictive = p_learning * (1.0 - filtering) + (1.0 - p_forgetting) * filtering
        states_to_update = prev_A @ A.T  # [B, n_obs_kcs]
        state = state * (1.0 - states_to_update) + states_to_update * predictive[:, None]
        curr_state = state[bix, ckc]
        p_correct_given_curr_h = curr_probs[:, 2:4]
        pc = p_correct_given_curr_h[:, 0] * (1.0 - curr_state) + p_correct_given_curr_h[:, 1] * curr_state
        outputs.append(pc)
    probs = jnp.stack(outputs).T  # [B, T]
    return (probs, state)

if __name__ == "__main__":
    import jax
    _d = setup_inputs()
    print(jax.jit(kernel)(*tuple(_d.values())))

</pallas_src>

<mosaic_0001>
#map = affine_map<(d0, d1) -> (0)>
module attributes {stable_mosaic.version = 14 : i64} {
  func.func @k(%arg0: i32, %arg1: i32, %arg2: memref<10000xi32, #tpu.memory_space<hbm>>, %arg3: memref<40960xi32, #tpu.memory_space<hbm>>, %arg4: memref<40960xi32, #tpu.memory_space<hbm>>, %arg5: memref<10000xi32, #tpu.memory_space<vmem>>, %arg6: memref<1280xi32, #tpu.memory_space<vmem>>, %arg7: memref<1280xi32, #tpu.memory_space<vmem>>) attributes {dimension_semantics = [#tpu.dimension_semantics<core_parallel>, #tpu.dimension_semantics<subcore_parallel>], iteration_bounds = array<i64: 2, 16>, scalar_prefetch = 0 : i64, scratch_operands = 3 : i64, tpu.core_type = #tpu.core_type<sc_vector_subcore>, window_params = [{transform_indices = #map}, {transform_indices = #map}, {transform_indices = #map}]} {
    %mul3A = arith.constant 2 : i32
    %mul3A_0 = arith.muli %arg1, %mul3A : i32
    %add3A = arith.addi %mul3A_0, %arg0 : i32
    %mul3A_1 = arith.constant 1280 : i32
    %mul3A_2 = arith.muli %add3A, %mul3A_1 : i32
    "tpu.region"() ({
      %run_scoped3A = tpu.sem_alloc : memref<!tpu.dma_semaphore, #tpu.memory_space<semaphore_mem>>
      tpu.enqueue_dma source(%arg2 : memref<10000xi32, #tpu.memory_space<hbm>>) target(%arg5 : memref<10000xi32, #tpu.memory_space<vmem>>) target_semaphore(%run_scoped3A : memref<!tpu.dma_semaphore, #tpu.memory_space<semaphore_mem>>)
      tpu.wait_dma2 semaphore(%run_scoped3A : memref<!tpu.dma_semaphore, #tpu.memory_space<semaphore_mem>>) src(%arg2 : memref<10000xi32, #tpu.memory_space<hbm>>) dst(%arg5 : memref<10000xi32, #tpu.memory_space<vmem>>)
      tpu.yield
    }) : () -> ()
    "tpu.region"() ({
      %run_scoped3A = tpu.sem_alloc : memref<!tpu.dma_semaphore, #tpu.memory_space<semaphore_mem>>
      %dma_start3A = tpu.memref_slice %arg3[%mul3A_2] : memref<40960xi32, #tpu.memory_space<hbm>> -> memref<1280xi32, #tpu.memory_space<hbm>>
      %dma_start3A_400 = tpu.memref_slice %arg3[%mul3A_2] : memref<40960xi32, #tpu.memory_space<hbm>> -> memref<1280xi32, #tpu.memory_space<hbm>>
      tpu.enqueue_dma source(%dma_start3A_400 : memref<1280xi32, #tpu.memory_space<hbm>>) target(%arg6 : memref<1280xi32, #tpu.memory_space<vmem>>) target_semaphore(%run_scoped3A : memref<!tpu.dma_semaphore, #tpu.memory_space<semaphore_mem>>)
      %dma_wait3A = tpu.memref_slice %arg3[%mul3A_2] : memref<40960xi32, #tpu.memory_space<hbm>> -> memref<1280xi32, #tpu.memory_space<hbm>>
      %dma_wait3A_401 = tpu.memref_slice %arg3[%mul3A_2] : memref<40960xi32, #tpu.memory_space<hbm>> -> memref<1280xi32, #tpu.memory_space<hbm>>
      tpu.wait_dma2 semaphore(%run_scoped3A : memref<!tpu.dma_semaphore, #tpu.memory_space<semaphore_mem>>) src(%dma_wait3A_401 : memref<1280xi32, #tpu.memory_space<hbm>>) dst(%arg6 : memref<1280xi32, #tpu.memory_space<vmem>>)
      tpu.yield
    }) : () -> ()
    %get3A = arith.constant 0 : index
    %get3A_3 = tpu.vector_load %arg6[%get3A] {strides = array<i32>} : memref<1280xi32, #tpu.memory_space<vmem>>, vector<16xi32>,
    %gather3A = tpu.vector_load_idx %arg5[%get3A_3] : memref<10000xi32, #tpu.memory_space<vmem>>[vector<16xi32>], vector<16xi32>,
    %swap3A = arith.constant 0 : index
    %swap3A_4 = tpu.vector_load %arg7[%swap3A] {strides = array<i32>} : memref<1280xi32, #tpu.memory_space<vmem>>, vector<16xi32>,
    tpu.vector_store %arg7[%swap3A], %gather3A {strides = array<i32>} : memref<1280xi32, #tpu.memory_space<vmem>>, vector<16xi32>,
    %get3A_5 = arith.constant 16 : index
    %get3A_6 = tpu.vector_load %arg6[%get3A_5] {strides = array<i32>} : memref<1280xi32, #tpu.memory_space<vmem>>, vector<16xi32>,
    %gather3A_7 = tpu.vector_load_idx %arg5[%get3A_6] : memref<10000xi32, #tpu.memory_space<vmem>>[vector<16xi32>], vector<16xi32>,
    %swap3A_8 = arith.constant 16 : index
    %swap3A_9 = tpu.vector_load %arg7[%swap3A_8] {strides = array<i32>} : memref<1280xi32, #tpu.memory_space<vmem>>, vector<16xi32>,
    tpu.vector_store %arg7[%swap3A_8], %gather3A_7 {strides = array<i32>} : memref<1280xi32, #tpu.memory_space<vmem>>, vector<16xi32>,
    %get3A_10 = arith.constant 32 : index
    %get3A_11 = tpu.vector_load %arg6[%get3A_10] {strides = array<i32>} : memref<1280xi32, #tpu.memory_space<vmem>>, vector<16xi32>,
    %gather3A_12 = tpu.vector_load_idx %arg5[%get3A_11] : memref<10000xi32, #tpu.memory_space<vmem>>[vector<16xi32>], vector<16xi32>,
    %swap3A_13 = arith.constant 32 : index
    %swap3A_14 = tpu.vector_load %arg7[%swap3A_13] {strides = array<i32>} : memref<1280xi32, #tpu.memory_space<vmem>>, vector<16xi32>,
    tpu.vector_store %arg7[%swap3A_13], %gather3A_12 {strides = array<i32>} : memref<1280xi32, #tpu.memory_space<vmem>>, vector<16xi32>,
    %get3A_15 = arith.constant 48 : index
    %get3A_16 = tpu.vector_load %arg6[%get3A_15] {strides = array<i32>} : memref<1280xi32, #tpu.memory_space<vmem>>, vector<16xi32>,
    %gather3A_17 = tpu.vector_load_idx %arg5[%get3A_16] : memref<10000xi32, #tpu.memory_space<vmem>>[vector<16xi32>], vector<16xi32>,
    %swap3A_18 = arith.constant 48 : index
    %swap3A_19 = tpu.vector_load %arg7[%swap3A_18] {strides = array<i32>} : memref<1280xi32, #tpu.memory_space<vmem>>, vector<16xi32>,
    tpu.vector_store %arg7[%swap3A_18], %gather3A_17 {strides = array<i32>} : memref<1280xi32, #tpu.memory_space<vmem>>, vector<16xi32>,
    %get3A_20 = arith.constant 64 : index
    %get3A_21 = tpu.vector_load %arg6[%get3A_20] {strides = array<i32>} : memref<1280xi32, #tpu.memory_space<vmem>>, vector<16xi32>,
    %gather3A_22 = tpu.vector_load_idx %arg5[%get3A_21] : memref<10000xi32, #tpu.memory_space<vmem>>[vector<16xi32>], vector<16xi32>,
    %swap3A_23 = arith.constant 64 : index
    %swap3A_24 = tpu.vector_load %arg7[%swap3A_23] {strides = array<i32>} : memref<1280xi32, #tpu.memory_space<vmem>>, vector<16xi32>,
    tpu.vector_store %arg7[%swap3A_23], %gather3A_22 {strides = array<i32>} : memref<1280xi32, #tpu.memory_space<vmem>>, vector<16xi32>,
    %get3A_25 = arith.constant 80 : index
    %get3A_26 = tpu.vector_load %arg6[%get3A_25] {strides = array<i32>} : memref<1280xi32, #tpu.memory_space<vmem>>, vector<16xi32>,
    %gather3A_27 = tpu.vector_load_idx %arg5[%get3A_26] : memref<10000xi32, #tpu.memory_space<vmem>>[vector<16xi32>], vector<16xi32>,
    %swap3A_28 = arith.constant 80 : index
    %swap3A_29 = tpu.vector_load %arg7[%swap3A_28] {strides = array<i32>} : memref<1280xi32, #tpu.memory_space<vmem>>, vector<16xi32>,
    tpu.vector_store %arg7[%swap3A_28], %gather3A_27 {strides = array<i32>} : memref<1280xi32, #tpu.memory_space<vmem>>, vector<16xi32>,
    %get3A_30 = arith.constant 96 : index
    %get3A_31 = tpu.vector_load %arg6[%get3A_30] {strides = array<i32>} : memref<1280xi32, #tpu.memory_space<vmem>>, vector<16xi32>,
    %gather3A_32 = tpu.vector_load_idx %arg5[%get3A_31] : memref<10000xi32, #tpu.memory_space<vmem>>[vector<16xi32>], vector<16xi32>,
    %swap3A_33 = arith.constant 96 : index
    %swap3A_34 = tpu.vector_load %arg7[%swap3A_33] {strides = array<i32>} : memref<1280xi32, #tpu.memory_space<vmem>>, vector<16xi32>,
    tpu.vector_store %arg7[%swap3A_33], %gather3A_32 {strides = array<i32>} : memref<1280xi32, #tpu.memory_space<vmem>>, vector<16xi32>,
    %get3A_35 = arith.constant 112 : index
    %get3A_36 = tpu.vector_load %arg6[%get3A_35] {strides = array<i32>} : memref<1280xi32, #tpu.memory_space<vmem>>, vector<16xi32>,
    %gather3A_37 = tpu.vector_load_idx %arg5[%get3A_36] : memref<10000xi32, #tpu.memory_space<vmem>>[vector<16xi32>], vector<16xi32>,
    %swap3A_38 = arith.constant 112 : index
    %swap3A_39 = tpu.vector_load %arg7[%swap3A_38] {strides = array<i32>} : memref<1280xi32, #tpu.memory_space<vmem>>, vector<16xi32>,
    tpu.vector_store %arg7[%swap3A_38], %gather3A_37 {strides = array<i32>} : memref<1280xi32, #tpu.memory_space<vmem>>, vector<16xi32>,
    %get3A_40 = arith.constant 128 : index
    %get3A_41 = tpu.vector_load %arg6[%get3A_40] {strides = array<i32>} : memref<1280xi32, #tpu.memory_space<vmem>>, vector<16xi32>,
    %gather3A_42 = tpu.vector_load_idx %arg5[%get3A_41] : memref<10000xi32, #tpu.memory_space<vmem>>[vector<16xi32>], vector<16xi32>,
    %swap3A_43 = arith.constant 128 : index
    %swap3A_44 = tpu.vector_load %arg7[%swap3A_43] {strides = array<i32>} : memref<1280xi32, #tpu.memory_space<vmem>>, vector<16xi32>,
    tpu.vector_store %arg7[%swap3A_43], %gather3A_42 {strides = array<i32>} : memref<1280xi32, #tpu.memory_space<vmem>>, vector<16xi32>,
    %get3A_45 = arith.constant 144 : index
    %get3A_46 = tpu.vector_load %arg6[%get3A_45] {strides = array<i32>} : memref<1280xi32, #tpu.memory_space<vmem>>, vector<16xi32>,
    %gather3A_47 = tpu.vector_load_idx %arg5[%get3A_46] : memref<10000xi32, #tpu.memory_space<vmem>>[vector<16xi32>], vector<16xi32>,
    %swap3A_48 = arith.constant 144 : index
    %swap3A_49 = tpu.vector_load %arg7[%swap3A_48] {strides = array<i32>} : memref<1280xi32, #tpu.memory_space<vmem>>, vector<16xi32>,
    tpu.vector_store %arg7[%swap3A_48], %gather3A_47 {strides = array<i32>} : memref<1280xi32, #tpu.memory_space<vmem>>, vector<16xi32>,
    %get3A_50 = arith.constant 160 : index
    %get3A_51 = tpu.vector_load %arg6[%get3A_50] {strides = array<i32>} : memref<1280xi32, #tpu.memory_space<vmem>>, vector<16xi32>,
    %gather3A_52 = tpu.vector_load_idx %arg5[%get3A_51] : memref<10000xi32, #tpu.memory_space<vmem>>[vector<16xi32>], vector<16xi32>,
    %swap3A_53 = arith.constant 160 : index
    %swap3A_54 = tpu.vector_load %arg7[%swap3A_53] {strides = array<i32>} : memref<1280xi32, #tpu.memory_space<vmem>>, vector<16xi32>,
    tpu.vector_store %arg7[%swap3A_53], %gather3A_52 {strides = array<i32>} : memref<1280xi32, #tpu.memory_space<vmem>>, vector<16xi32>,
    %get3A_55 = arith.constant 176 : index
    %get3A_56 = tpu.vector_load %arg6[%get3A_55] {strides = array<i32>} : memref<1280xi32, #tpu.memory_space<vmem>>, vector<16xi32>,
    %gather3A_57 = tpu.vector_load_idx %arg5[%get3A_56] : memref<10000xi32, #tpu.memory_space<vmem>>[vector<16xi32>], vector<16xi32>,
    %swap3A_58 = arith.constant 176 : index
    %swap3A_59 = tpu.vector_load %arg7[%swap3A_58] {strides = array<i32>} : memref<1280xi32, #tpu.memory_space<vmem>>, vector<16xi32>,
    tpu.vector_store %arg7[%swap3A_58], %gather3A_57 {strides = array<i32>} : memref<1280xi32, #tpu.memory_space<vmem>>, vector<16xi32>,
    %get3A_60 = arith.constant 192 : index
    %get3A_61 = tpu.vector_load %arg6[%get3A_60] {strides = array<i32>} : memref<1280xi32, #tpu.memory_space<vmem>>, vector<16xi32>,
    %gather3A_62 = tpu.vector_load_idx %arg5[%get3A_61] : memref<10000xi32, #tpu.memory_space<vmem>>[vector<16xi32>], vector<16xi32>,
    %swap3A_63 = arith.constant 192 : index
    %swap3A_64 = tpu.vector_load %arg7[%swap3A_63] {strides = array<i32>} : memref<1280xi32, #tpu.memory_space<vmem>>, vector<16xi32>,
    tpu.vector_store %arg7[%swap3A_63], %gather3A_62 {strides = array<i32>} : memref<1280xi32, #tpu.memory_space<vmem>>, vector<16xi32>,
    %get3A_65 = arith.constant 208 : index
    %get3A_66 = tpu.vector_load %arg6[%get3A_65] {strides = array<i32>} : memref<1280xi32, #tpu.memory_space<vmem>>, vector<16xi32>,
    %gather3A_67 = tpu.vector_load_idx %arg5[%get3A_66] : memref<10000xi32, #tpu.memory_space<vmem>>[vector<16xi32>], vector<16xi32>,
    %swap3A_68 = arith.constant 208 : index
    %swap3A_69 = tpu.vector_load %arg7[%swap3A_68] {strides = array<i32>} : memref<1280xi32, #tpu.memory_space<vmem>>, vector<16xi32>,
    tpu.vector_store %arg7[%swap3A_68], %gather3A_67 {strides = array<i32>} : memref<1280xi32, #tpu.memory_space<vmem>>, vector<16xi32>,
    %get3A_70 = arith.constant 224 : index
    %get3A_71 = tpu.vector_load %arg6[%get3A_70] {strides = array<i32>} : memref<1280xi32, #tpu.memory_space<vmem>>, vector<16xi32>,
    %gather3A_72 = tpu.vector_load_idx %arg5[%get3A_71] : memref<10000xi32, #tpu.memory_space<vmem>>[vector<16xi32>], vector<16xi32>,
    %swap3A_73 = arith.constant 224 : index
    %swap3A_74 = tpu.vector_load %arg7[%swap3A_73] {strides = array<i32>} : memref<1280xi32, #tpu.memory_space<vmem>>, vector<16xi32>,
    tpu.vector_store %arg7[%swap3A_73], %gather3A_72 {strides = array<i32>} : memref<1280xi32, #tpu.memory_space<vmem>>, vector<16xi32>,
    %get3A_75 = arith.constant 240 : index
    %get3A_76 = tpu.vector_load %arg6[%get3A_75] {strides = array<i32>} : memref<1280xi32, #tpu.memory_space<vmem>>, vector<16xi32>,
    %gather3A_77 = tpu.vector_load_idx %arg5[%get3A_76] : memref<10000xi32, #tpu.memory_space<vmem>>[vector<16xi32>], vector<16xi32>,
    %swap3A_78 = arith.constant 240 : index
    %swap3A_79 = tpu.vector_load %arg7[%swap3A_78] {strides = array<i32>} : memref<1280xi32, #tpu.memory_space<vmem>>, vector<16xi32>,
    tpu.vector_store %arg7[%swap3A_78], %gather3A_77 {strides = array<i32>} : memref<1280xi32, #tpu.memory_space<vmem>>, vector<16xi32>,
    %get3A_80 = arith.constant 256 : index
    %get3A_81 = tpu.vector_load %arg6[%get3A_80] {strides = array<i32>} : memref<1280xi32, #tpu.memory_space<vmem>>, vector<16xi32>,
    %gather3A_82 = tpu.vector_load_idx %arg5[%get3A_81] : memref<10000xi32, #tpu.memory_space<vmem>>[vector<16xi32>], vector<16xi32>,
    %swap3A_83 = arith.constant 256 : index
    %swap3A_84 = tpu.vector_load %arg7[%swap3A_83] {strides = array<i32>} : memref<1280xi32, #tpu.memory_space<vmem>>, vector<16xi32>,
    tpu.vector_store %arg7[%swap3A_83], %gather3A_82 {strides = array<i32>} : memref<1280xi32, #tpu.memory_space<vmem>>, vector<16xi32>,
    %get3A_85 = arith.constant 272 : index
    %get3A_86 = tpu.vector_load %arg6[%get3A_85] {strides = array<i32>} : memref<1280xi32, #tpu.memory_space<vmem>>, vector<16xi32>,
    %gather3A_87 = tpu.vector_load_idx %arg5[%get3A_86] : memref<10000xi32, #tpu.memory_space<vmem>>[vector<16xi32>], vector<16xi32>,
    %swap3A_88 = arith.constant 272 : index
    %swap3A_89 = tpu.vector_load %arg7[%swap3A_88] {strides = array<i32>} : memref<1280xi32, #tpu.memory_space<vmem>>, vector<16xi32>,
    tpu.vector_store %arg7[%swap3A_88], %gather3A_87 {strides = array<i32>} : memref<1280xi32, #tpu.memory_space<vmem>>, vector<16xi32>,
    %get3A_90 = arith.constant 288 : index
    %get3A_91 = tpu.vector_load %arg6[%get3A_90] {strides = array<i32>} : memref<1280xi32, #tpu.memory_space<vmem>>, vector<16xi32>,
    %gather3A_92 = tpu.vector_load_idx %arg5[%get3A_91] : memref<10000xi32, #tpu.memory_space<vmem>>[vector<16xi32>], vector<16xi32>,
    %swap3A_93 = arith.constant 288 : index
    %swap3A_94 = tpu.vector_load %arg7[%swap3A_93] {strides = array<i32>} : memref<1280xi32, #tpu.memory_space<vmem>>, vector<16xi32>,
    tpu.vector_store %arg7[%swap3A_93], %gather3A_92 {strides = array<i32>} : memref<1280xi32, #tpu.memory_space<vmem>>, vector<16xi32>,
    %get3A_95 = arith.constant 304 : index
    %get3A_96 = tpu.vector_load %arg6[%get3A_95] {strides = array<i32>} : memref<1280xi32, #tpu.memory_space<vmem>>, vector<16xi32>,
    %gather3A_97 = tpu.vector_load_idx %arg5[%get3A_96] : memref<10000xi32, #tpu.memory_space<vmem>>[vector<16xi32>], vector<16xi32>,
    %swap3A_98 = arith.constant 304 : index
    %swap3A_99 = tpu.vector_load %arg7[%swap3A_98] {strides = array<i32>} : memref<1280xi32, #tpu.memory_space<vmem>>, vector<16xi32>,
    tpu.vector_store %arg7[%swap3A_98], %gather3A_97 {strides = array<i32>} : memref<1280xi32, #tpu.memory_space<vmem>>, vector<16xi32>,
    %get3A_100 = arith.constant 320 : index
    %get3A_101 = tpu.vector_load %arg6[%get3A_100] {strides = array<i32>} : memref<1280xi32, #tpu.memory_space<vmem>>, vector<16xi32>,
    %gather3A_102 = tpu.vector_load_idx %arg5[%get3A_101] : memref<10000xi32, #tpu.memory_space<vmem>>[vector<16xi32>], vector<16xi32>,
    %swap3A_103 = arith.constant 320 : index
    %swap3A_104 = tpu.vector_load %arg7[%swap3A_103] {strides = array<i32>} : memref<1280xi32, #tpu.memory_space<vmem>>, vector<16xi32>,
    tpu.vector_store %arg7[%swap3A_103], %gather3A_102 {strides = array<i32>} : memref<1280xi32, #tpu.memory_space<vmem>>, vector<16xi32>,
    %get3A_105 = arith.constant 336 : index
    %get3A_106 = tpu.vector_load %arg6[%get3A_105] {strides = array<i32>} : memref<1280xi32, #tpu.memory_space<vmem>>, vector<16xi32>,
    %gather3A_107 = tpu.vector_load_idx %arg5[%get3A_106] : memref<10000xi32, #tpu.memory_space<vmem>>[vector<16xi32>], vector<16xi32>,
    %swap3A_108 = arith.constant 336 : index
    %swap3A_109 = tpu.vector_load %arg7[%swap3A_108] {strides = array<i32>} : memref<1280xi32, #tpu.memory_space<vmem>>, vector<16xi32>,
    tpu.vector_store %arg7[%swap3A_108], %gather3A_107 {strides = array<i32>} : memref<1280xi32, #tpu.memory_space<vmem>>, vector<16xi32>,
    %get3A_110 = arith.constant 352 : index
    %get3A_111 = tpu.vector_load %arg6[%get3A_110] {strides = array<i32>} : memref<1280xi32, #tpu.memory_space<vmem>>, vector<16xi32>,
    %gather3A_112 = tpu.vector_load_idx %arg5[%get3A_111] : memref<10000xi32, #tpu.memory_space<vmem>>[vector<16xi32>], vector<16xi32>,
    %swap3A_113 = arith.constant 352 : index
    %swap3A_114 = tpu.vector_load %arg7[%swap3A_113] {strides = array<i32>} : memref<1280xi32, #tpu.memory_space<vmem>>, vector<16xi32>,
    tpu.vector_store %arg7[%swap3A_113], %gather3A_112 {strides = array<i32>} : memref<1280xi32, #tpu.memory_space<vmem>>, vector<16xi32>,
    %get3A_115 = arith.constant 368 : index
    %get3A_116 = tpu.vector_load %arg6[%get3A_115] {strides = array<i32>} : memref<1280xi32, #tpu.memory_space<vmem>>, vector<16xi32>,
    %gather3A_117 = tpu.vector_load_idx %arg5[%get3A_116] : memref<10000xi32, #tpu.memory_space<vmem>>[vector<16xi32>], vector<16xi32>,
    %swap3A_118 = arith.constant 368 : index
    %swap3A_119 = tpu.vector_load %arg7[%swap3A_118] {strides = array<i32>} : memref<1280xi32, #tpu.memory_space<vmem>>, vector<16xi32>,
    tpu.vector_store %arg7[%swap3A_118], %gather3A_117 {strides = array<i32>} : memref<1280xi32, #tpu.memory_space<vmem>>, vector<16xi32>,
    %get3A_120 = arith.constant 384 : index
    %get3A_121 = tpu.vector_load %arg6[%get3A_120] {strides = array<i32>} : memref<1280xi32, #tpu.memory_space<vmem>>, vector<16xi32>,
    %gather3A_122 = tpu.vector_load_idx %arg5[%get3A_121] : memref<10000xi32, #tpu.memory_space<vmem>>[vector<16xi32>], vector<16xi32>,
    %swap3A_123 = arith.constant 384 : index
    %swap3A_124 = tpu.vector_load %arg7[%swap3A_123] {strides = array<i32>} : memref<1280xi32, #tpu.memory_space<vmem>>, vector<16xi32>,
    tpu.vector_store %arg7[%swap3A_123], %gather3A_122 {strides = array<i32>} : memref<1280xi32, #tpu.memory_space<vmem>>, vector<16xi32>,
    %get3A_125 = arith.constant 400 : index
    %get3A_126 = tpu.vector_load %arg6[%get3A_125] {strides = array<i32>} : memref<1280xi32, #tpu.memory_space<vmem>>, vector<16xi32>,
    %gather3A_127 = tpu.vector_load_idx %arg5[%get3A_126] : memref<10000xi32, #tpu.memory_space<vmem>>[vector<16xi32>], vector<16xi32>,
    %swap3A_128 = arith.constant 400 : index
    %swap3A_129 = tpu.vector_load %arg7[%swap3A_128] {strides = array<i32>} : memref<1280xi32, #tpu.memory_space<vmem>>, vector<16xi32>,
    tpu.vector_store %arg7[%swap3A_128], %gather3A_127 {strides = array<i32>} : memref<1280xi32, #tpu.memory_space<vmem>>, vector<16xi32>,
    %get3A_130 = arith.constant 416 : index
    %get3A_131 = tpu.vector_load %arg6[%get3A_130] {strides = array<i32>} : memref<1280xi32, #tpu.memory_space<vmem>>, vector<16xi32>,
    %gather3A_132 = tpu.vector_load_idx %arg5[%get3A_131] : memref<10000xi32, #tpu.memory_space<vmem>>[vector<16xi32>], vector<16xi32>,
    %swap3A_133 = arith.constant 416 : index
    %swap3A_134 = tpu.vector_load %arg7[%swap3A_133] {strides = array<i32>} : memref<1280xi32, #tpu.memory_space<vmem>>, vector<16xi32>,
    tpu.vector_store %arg7[%swap3A_133], %gather3A_132 {strides = array<i32>} : memref<1280xi32, #tpu.memory_space<vmem>>, vector<16xi32>,
    %get3A_135 = arith.constant 432 : index
    %get3A_136 = tpu.vector_load %arg6[%get3A_135] {strides = array<i32>} : memref<1280xi32, #tpu.memory_space<vmem>>, vector<16xi32>,
    %gather3A_137 = tpu.vector_load_idx %arg5[%get3A_136] : memref<10000xi32, #tpu.memory_space<vmem>>[vector<16xi32>], vector<16xi32>,
    %swap3A_138 = arith.constant 432 : index
    %swap3A_139 = tpu.vector_load %arg7[%swap3A_138] {strides = array<i32>} : memref<1280xi32, #tpu.memory_space<vmem>>, vector<16xi32>,
    tpu.vector_store %arg7[%swap3A_138], %gather3A_137 {strides = array<i32>} : memref<1280xi32, #tpu.memory_space<vmem>>, vector<16xi32>,
    %get3A_140 = arith.constant 448 : index
    %get3A_141 = tpu.vector_load %arg6[%get3A_140] {strides = array<i32>} : memref<1280xi32, #tpu.memory_space<vmem>>, vector<16xi32>,
    %gather3A_142 = tpu.vector_load_idx %arg5[%get3A_141] : memref<10000xi32, #tpu.memory_space<vmem>>[vector<16xi32>], vector<16xi32>,
    %swap3A_143 = arith.constant 448 : index
    %swap3A_144 = tpu.vector_load %arg7[%swap3A_143] {strides = array<i32>} : memref<1280xi32, #tpu.memory_space<vmem>>, vector<16xi32>,
    tpu.vector_store %arg7[%swap3A_143], %gather3A_142 {strides = array<i32>} : memref<1280xi32, #tpu.memory_space<vmem>>, vector<16xi32>,
    %get3A_145 = arith.constant 464 : index
    %get3A_146 = tpu.vector_load %arg6[%get3A_145] {strides = array<i32>} : memref<1280xi32, #tpu.memory_space<vmem>>, vector<16xi32>,
    %gather3A_147 = tpu.vector_load_idx %arg5[%get3A_146] : memref<10000xi32, #tpu.memory_space<vmem>>[vector<16xi32>], vector<16xi32>,
    %swap3A_148 = arith.constant 464 : index
    %swap3A_149 = tpu.vector_load %arg7[%swap3A_148] {strides = array<i32>} : memref<1280xi32, #tpu.memory_space<vmem>>, vector<16xi32>,
    tpu.vector_store %arg7[%swap3A_148], %gather3A_147 {strides = array<i32>} : memref<1280xi32, #tpu.memory_space<vmem>>, vector<16xi32>,
    %get3A_150 = arith.constant 480 : index
    %get3A_151 = tpu.vector_load %arg6[%get3A_150] {strides = array<i32>} : memref<1280xi32, #tpu.memory_space<vmem>>, vector<16xi32>,
    %gather3A_152 = tpu.vector_load_idx %arg5[%get3A_151] : memref<10000xi32, #tpu.memory_space<vmem>>[vector<16xi32>], vector<16xi32>,
    %swap3A_153 = arith.constant 480 : index
    %swap3A_154 = tpu.vector_load %arg7[%swap3A_153] {strides = array<i32>} : memref<1280xi32, #tpu.memory_space<vmem>>, vector<16xi32>,
    tpu.vector_store %arg7[%swap3A_153], %gather3A_152 {strides = array<i32>} : memref<1280xi32, #tpu.memory_space<vmem>>, vector<16xi32>,
    %get3A_155 = arith.constant 496 : index
    %get3A_156 = tpu.vector_load %arg6[%get3A_155] {strides = array<i32>} : memref<1280xi32, #tpu.memory_space<vmem>>, vector<16xi32>,
    %gather3A_157 = tpu.vector_load_idx %arg5[%get3A_156] : memref<10000xi32, #tpu.memory_space<vmem>>[vector<16xi32>], vector<16xi32>,
    %swap3A_158 = arith.constant 496 : index
    %swap3A_159 = tpu.vector_load %arg7[%swap3A_158] {strides = array<i32>} : memref<1280xi32, #tpu.memory_space<vmem>>, vector<16xi32>,
    tpu.vector_store %arg7[%swap3A_158], %gather3A_157 {strides = array<i32>} : memref<1280xi32, #tpu.memory_space<vmem>>, vector<16xi32>,
    %get3A_160 = arith.constant 512 : index
    %get3A_161 = tpu.vector_load %arg6[%get3A_160] {strides = array<i32>} : memref<1280xi32, #tpu.memory_space<vmem>>, vector<16xi32>,
    %gather3A_162 = tpu.vector_load_idx %arg5[%get3A_161] : memref<10000xi32, #tpu.memory_space<vmem>>[vector<16xi32>], vector<16xi32>,
    %swap3A_163 = arith.constant 512 : index
    %swap3A_164 = tpu.vector_load %arg7[%swap3A_163] {strides = array<i32>} : memref<1280xi32, #tpu.memory_space<vmem>>, vector<16xi32>,
    tpu.vector_store %arg7[%swap3A_163], %gather3A_162 {strides = array<i32>} : memref<1280xi32, #tpu.memory_space<vmem>>, vector<16xi32>,
    %get3A_165 = arith.constant 528 : index
    %get3A_166 = tpu.vector_load %arg6[%get3A_165] {strides = array<i32>} : memref<1280xi32, #tpu.memory_space<vmem>>, vector<16xi32>,
    %gather3A_167 = tpu.vector_load_idx %arg5[%get3A_166] : memref<10000xi32, #tpu.memory_space<vmem>>[vector<16xi32>], vector<16xi32>,
    %swap3A_168 = arith.constant 528 : index
    %swap3A_169 = tpu.vector_load %arg7[%swap3A_168] {strides = array<i32>} : memref<1280xi32, #tpu.memory_space<vmem>>, vector<16xi32>,
    tpu.vector_store %arg7[%swap3A_168], %gather3A_167 {strides = array<i32>} : memref<1280xi32, #tpu.memory_space<vmem>>, vector<16xi32>,
    %get3A_170 = arith.constant 544 : index
    %get3A_171 = tpu.vector_load %arg6[%get3A_170] {strides = array<i32>} : memref<1280xi32, #tpu.memory_space<vmem>>, vector<16xi32>,
    %gather3A_172 = tpu.vector_load_idx %arg5[%get3A_171] : memref<10000xi32, #tpu.memory_space<vmem>>[vector<16xi32>], vector<16xi32>,
    %swap3A_173 = arith.constant 544 : index
    %swap3A_174 = tpu.vector_load %arg7[%swap3A_173] {strides = array<i32>} : memref<1280xi32, #tpu.memory_space<vmem>>, vector<16xi32>,
    tpu.vector_store %arg7[%swap3A_173], %gather3A_172 {strides = array<i32>} : memref<1280xi32, #tpu.memory_space<vmem>>, vector<16xi32>,
    %get3A_175 = arith.constant 560 : index
    %get3A_176 = tpu.vector_load %arg6[%get3A_175] {strides = array<i32>} : memref<1280xi32, #tpu.memory_space<vmem>>, vector<16xi32>,
    %gather3A_177 = tpu.vector_load_idx %arg5[%get3A_176] : memref<10000xi32, #tpu.memory_space<vmem>>[vector<16xi32>], vector<16xi32>,
    %swap3A_178 = arith.constant 560 : index
    %swap3A_179 = tpu.vector_load %arg7[%swap3A_178] {strides = array<i32>} : memref<1280xi32, #tpu.memory_space<vmem>>, vector<16xi32>,
    tpu.vector_store %arg7[%swap3A_178], %gather3A_177 {strides = array<i32>} : memref<1280xi32, #tpu.memory_space<vmem>>, vector<16xi32>,
    %get3A_180 = arith.constant 576 : index
    %get3A_181 = tpu.vector_load %arg6[%get3A_180] {strides = array<i32>} : memref<1280xi32, #tpu.memory_space<vmem>>, vector<16xi32>,
    %gather3A_182 = tpu.vector_load_idx %arg5[%get3A_181] : memref<10000xi32, #tpu.memory_space<vmem>>[vector<16xi32>], vector<16xi32>,
    %swap3A_183 = arith.constant 576 : index
    %swap3A_184 = tpu.vector_load %arg7[%swap3A_183] {strides = array<i32>} : memref<1280xi32, #tpu.memory_space<vmem>>, vector<16xi32>,
    tpu.vector_store %arg7[%swap3A_183], %gather3A_182 {strides = array<i32>} : memref<1280xi32, #tpu.memory_space<vmem>>, vector<16xi32>,
    %get3A_185 = arith.constant 592 : index
    %get3A_186 = tpu.vector_load %arg6[%get3A_185] {strides = array<i32>} : memref<1280xi32, #tpu.memory_space<vmem>>, vector<16xi32>,
    %gather3A_187 = tpu.vector_load_idx %arg5[%get3A_186] : memref<10000xi32, #tpu.memory_space<vmem>>[vector<16xi32>], vector<16xi32>,
    %swap3A_188 = arith.constant 592 : index
    %swap3A_189 = tpu.vector_load %arg7[%swap3A_188] {strides = array<i32>} : memref<1280xi32, #tpu.memory_space<vmem>>, vector<16xi32>,
    tpu.vector_store %arg7[%swap3A_188], %gather3A_187 {strides = array<i32>} : memref<1280xi32, #tpu.memory_space<vmem>>, vector<16xi32>,
    %get3A_190 = arith.constant 608 : index
    %get3A_191 = tpu.vector_load %arg6[%get3A_190] {strides = array<i32>} : memref<1280xi32, #tpu.memory_space<vmem>>, vector<16xi32>,
    %gather3A_192 = tpu.vector_load_idx %arg5[%get3A_191] : memref<10000xi32, #tpu.memory_space<vmem>>[vector<16xi32>], vector<16xi32>,
    %swap3A_193 = arith.constant 608 : index
    %swap3A_194 = tpu.vector_load %arg7[%swap3A_193] {strides = array<i32>} : memref<1280xi32, #tpu.memory_space<vmem>>, vector<16xi32>,
    tpu.vector_store %arg7[%swap3A_193], %gather3A_192 {strides = array<i32>} : memref<1280xi32, #tpu.memory_space<vmem>>, vector<16xi32>,
    %get3A_195 = arith.constant 624 : index
    %get3A_196 = tpu.vector_load %arg6[%get3A_195] {strides = array<i32>} : memref<1280xi32, #tpu.memory_space<vmem>>, vector<16xi32>,
    %gather3A_197 = tpu.vector_load_idx %arg5[%get3A_196] : memref<10000xi32, #tpu.memory_space<vmem>>[vector<16xi32>], vector<16xi32>,
    %swap3A_198 = arith.constant 624 : index
    %swap3A_199 = tpu.vector_load %arg7[%swap3A_198] {strides = array<i32>} : memref<1280xi32, #tpu.memory_space<vmem>>, vector<16xi32>,
    tpu.vector_store %arg7[%swap3A_198], %gather3A_197 {strides = array<i32>} : memref<1280xi32, #tpu.memory_space<vmem>>, vector<16xi32>,
    %get3A_200 = arith.constant 640 : index
    %get3A_201 = tpu.vector_load %arg6[%get3A_200] {strides = array<i32>} : memref<1280xi32, #tpu.memory_space<vmem>>, vector<16xi32>,
    %gather3A_202 = tpu.vector_load_idx %arg5[%get3A_201] : memref<10000xi32, #tpu.memory_space<vmem>>[vector<16xi32>], vector<16xi32>,
    %swap3A_203 = arith.constant 640 : index
    %swap3A_204 = tpu.vector_load %arg7[%swap3A_203] {strides = array<i32>} : memref<1280xi32, #tpu.memory_space<vmem>>, vector<16xi32>,
    tpu.vector_store %arg7[%swap3A_203], %gather3A_202 {strides = array<i32>} : memref<1280xi32, #tpu.memory_space<vmem>>, vector<16xi32>,
    %get3A_205 = arith.constant 656 : index
    %get3A_206 = tpu.vector_load %arg6[%get3A_205] {strides = array<i32>} : memref<1280xi32, #tpu.memory_space<vmem>>, vector<16xi32>,
    %gather3A_207 = tpu.vector_load_idx %arg5[%get3A_206] : memref<10000xi32, #tpu.memory_space<vmem>>[vector<16xi32>], vector<16xi32>,
    %swap3A_208 = arith.constant 656 : index
    %swap3A_209 = tpu.vector_load %arg7[%swap3A_208] {strides = array<i32>} : memref<1280xi32, #tpu.memory_space<vmem>>, vector<16xi32>,
    tpu.vector_store %arg7[%swap3A_208], %gather3A_207 {strides = array<i32>} : memref<1280xi32, #tpu.memory_space<vmem>>, vector<16xi32>,
    %get3A_210 = arith.constant 672 : index
    %get3A_211 = tpu.vector_load %arg6[%get3A_210] {strides = array<i32>} : memref<1280xi32, #tpu.memory_space<vmem>>, vector<16xi32>,
    %gather3A_212 = tpu.vector_load_idx %arg5[%get3A_211] : memref<10000xi32, #tpu.memory_space<vmem>>[vector<16xi32>], vector<16xi32>,
    %swap3A_213 = arith.constant 672 : index
    %swap3A_214 = tpu.vector_load %arg7[%swap3A_213] {strides = array<i32>} : memref<1280xi32, #tpu.memory_space<vmem>>, vector<16xi32>,
    tpu.vector_store %arg7[%swap3A_213], %gather3A_212 {strides = array<i32>} : memref<1280xi32, #tpu.memory_space<vmem>>, vector<16xi32>,
    %get3A_215 = arith.constant 688 : index
    %get3A_216 = tpu.vector_load %arg6[%get3A_215] {strides = array<i32>} : memref<1280xi32, #tpu.memory_space<vmem>>, vector<16xi32>,
    %gather3A_217 = tpu.vector_load_idx %arg5[%get3A_216] : memref<10000xi32, #tpu.memory_space<vmem>>[vector<16xi32>], vector<16xi32>,
    %swap3A_218 = arith.constant 688 : index
    %swap3A_219 = tpu.vector_load %arg7[%swap3A_218] {strides = array<i32>} : memref<1280xi32, #tpu.memory_space<vmem>>, vector<16xi32>,
    tpu.vector_store %arg7[%swap3A_218], %gather3A_217 {strides = array<i32>} : memref<1280xi32, #tpu.memory_space<vmem>>, vector<16xi32>,
    %get3A_220 = arith.constant 704 : index
    %get3A_221 = tpu.vector_load %arg6[%get3A_220] {strides = array<i32>} : memref<1280xi32, #tpu.memory_space<vmem>>, vector<16xi32>,
    %gather3A_222 = tpu.vector_load_idx %arg5[%get3A_221] : memref<10000xi32, #tpu.memory_space<vmem>>[vector<16xi32>], vector<16xi32>,
    %swap3A_223 = arith.constant 704 : index
    %swap3A_224 = tpu.vector_load %arg7[%swap3A_223] {strides = array<i32>} : memref<1280xi32, #tpu.memory_space<vmem>>, vector<16xi32>,
    tpu.vector_store %arg7[%swap3A_223], %gather3A_222 {strides = array<i32>} : memref<1280xi32, #tpu.memory_space<vmem>>, vector<16xi32>,
    %get3A_225 = arith.constant 720 : index
    %get3A_226 = tpu.vector_load %arg6[%get3A_225] {strides = array<i32>} : memref<1280xi32, #tpu.memory_space<vmem>>, vector<16xi32>,
    %gather3A_227 = tpu.vector_load_idx %arg5[%get3A_226] : memref<10000xi32, #tpu.memory_space<vmem>>[vector<16xi32>], vector<16xi32>,
    %swap3A_228 = arith.constant 720 : index
    %swap3A_229 = tpu.vector_load %arg7[%swap3A_228] {strides = array<i32>} : memref<1280xi32, #tpu.memory_space<vmem>>, vector<16xi32>,
    tpu.vector_store %arg7[%swap3A_228], %gather3A_227 {strides = array<i32>} : memref<1280xi32, #tpu.memory_space<vmem>>, vector<16xi32>,
    %get3A_230 = arith.constant 736 : index
    %get3A_231 = tpu.vector_load %arg6[%get3A_230] {strides = array<i32>} : memref<1280xi32, #tpu.memory_space<vmem>>, vector<16xi32>,
    %gather3A_232 = tpu.vector_load_idx %arg5[%get3A_231] : memref<10000xi32, #tpu.memory_space<vmem>>[vector<16xi32>], vector<16xi32>,
    %swap3A_233 = arith.constant 736 : index
    %swap3A_234 = tpu.vector_load %arg7[%swap3A_233] {strides = array<i32>} : memref<1280xi32, #tpu.memory_space<vmem>>, vector<16xi32>,
    tpu.vector_store %arg7[%swap3A_233], %gather3A_232 {strides = array<i32>} : memref<1280xi32, #tpu.memory_space<vmem>>, vector<16xi32>,
    %get3A_235 = arith.constant 752 : index
    %get3A_236 = tpu.vector_load %arg6[%get3A_235] {strides = array<i32>} : memref<1280xi32, #tpu.memory_space<vmem>>, vector<16xi32>,
    %gather3A_237 = tpu.vector_load_idx %arg5[%get3A_236] : memref<10000xi32, #tpu.memory_space<vmem>>[vector<16xi32>], vector<16xi32>,
    %swap3A_238 = arith.constant 752 : index
    %swap3A_239 = tpu.vector_load %arg7[%swap3A_238] {strides = array<i32>} : memref<1280xi32, #tpu.memory_space<vmem>>, vector<16xi32>,
    tpu.vector_store %arg7[%swap3A_238], %gather3A_237 {strides = array<i32>} : memref<1280xi32, #tpu.memory_space<vmem>>, vector<16xi32>,
    %get3A_240 = arith.constant 768 : index
    %get3A_241 = tpu.vector_load %arg6[%get3A_240] {strides = array<i32>} : memref<1280xi32, #tpu.memory_space<vmem>>, vector<16xi32>,
    %gather3A_242 = tpu.vector_load_idx %arg5[%get3A_241] : memref<10000xi32, #tpu.memory_space<vmem>>[vector<16xi32>], vector<16xi32>,
    %swap3A_243 = arith.constant 768 : index
    %swap3A_244 = tpu.vector_load %arg7[%swap3A_243] {strides = array<i32>} : memref<1280xi32, #tpu.memory_space<vmem>>, vector<16xi32>,
    tpu.vector_store %arg7[%swap3A_243], %gather3A_242 {strides = array<i32>} : memref<1280xi32, #tpu.memory_space<vmem>>, vector<16xi32>,
    %get3A_245 = arith.constant 784 : index
    %get3A_246 = tpu.vector_load %arg6[%get3A_245] {strides = array<i32>} : memref<1280xi32, #tpu.memory_space<vmem>>, vector<16xi32>,
    %gather3A_247 = tpu.vector_load_idx %arg5[%get3A_246] : memref<10000xi32, #tpu.memory_space<vmem>>[vector<16xi32>], vector<16xi32>,
    %swap3A_248 = arith.constant 784 : index
    %swap3A_249 = tpu.vector_load %arg7[%swap3A_248] {strides = array<i32>} : memref<1280xi32, #tpu.memory_space<vmem>>, vector<16xi32>,
    tpu.vector_store %arg7[%swap3A_248], %gather3A_247 {strides = array<i32>} : memref<1280xi32, #tpu.memory_space<vmem>>, vector<16xi32>,
    %get3A_250 = arith.constant 800 : index
    %get3A_251 = tpu.vector_load %arg6[%get3A_250] {strides = array<i32>} : memref<1280xi32, #tpu.memory_space<vmem>>, vector<16xi32>,
    %gather3A_252 = tpu.vector_load_idx %arg5[%get3A_251] : memref<10000xi32, #tpu.memory_space<vmem>>[vector<16xi32>], vector<16xi32>,
    %swap3A_253 = arith.constant 800 : index
    %swap3A_254 = tpu.vector_load %arg7[%swap3A_253] {strides = array<i32>} : memref<1280xi32, #tpu.memory_space<vmem>>, vector<16xi32>,
    tpu.vector_store %arg7[%swap3A_253], %gather3A_252 {strides = array<i32>} : memref<1280xi32, #tpu.memory_space<vmem>>, vector<16xi32>,
    %get3A_255 = arith.constant 816 : index
    %get3A_256 = tpu.vector_load %arg6[%get3A_255] {strides = array<i32>} : memref<1280xi32, #tpu.memory_space<vmem>>, vector<16xi32>,
    %gather3A_257 = tpu.vector_load_idx %arg5[%get3A_256] : memref<10000xi32, #tpu.memory_space<vmem>>[vector<16xi32>], vector<16xi32>,
    %swap3A_258 = arith.constant 816 : index
    %swap3A_259 = tpu.vector_load %arg7[%swap3A_258] {strides = array<i32>} : memref<1280xi32, #tpu.memory_space<vmem>>, vector<16xi32>,
    tpu.vector_store %arg7[%swap3A_258], %gather3A_257 {strides = array<i32>} : memref<1280xi32, #tpu.memory_space<vmem>>, vector<16xi32>,
    %get3A_260 = arith.constant 832 : index
    %get3A_261 = tpu.vector_load %arg6[%get3A_260] {strides = array<i32>} : memref<1280xi32, #tpu.memory_space<vmem>>, vector<16xi32>,
    %gather3A_262 = tpu.vector_load_idx %arg5[%get3A_261] : memref<10000xi32, #tpu.memory_space<vmem>>[vector<16xi32>], vector<16xi32>,
    %swap3A_263 = arith.constant 832 : index
    %swap3A_264 = tpu.vector_load %arg7[%swap3A_263] {strides = array<i32>} : memref<1280xi32, #tpu.memory_space<vmem>>, vector<16xi32>,
    tpu.vector_store %arg7[%swap3A_263], %gather3A_262 {strides = array<i32>} : memref<1280xi32, #tpu.memory_space<vmem>>, vector<16xi32>,
    %get3A_265 = arith.constant 848 : index
    %get3A_266 = tpu.vector_load %arg6[%get3A_265] {strides = array<i32>} : memref<1280xi32, #tpu.memory_space<vmem>>, vector<16xi32>,
    %gather3A_267 = tpu.vector_load_idx %arg5[%get3A_266] : memref<10000xi32, #tpu.memory_space<vmem>>[vector<16xi32>], vector<16xi32>,
    %swap3A_268 = arith.constant 848 : index
    %swap3A_269 = tpu.vector_load %arg7[%swap3A_268] {strides = array<i32>} : memref<1280xi32, #tpu.memory_space<vmem>>, vector<16xi32>,
    tpu.vector_store %arg7[%swap3A_268], %gather3A_267 {strides = array<i32>} : memref<1280xi32, #tpu.memory_space<vmem>>, vector<16xi32>,
    %get3A_270 = arith.constant 864 : index
    %get3A_271 = tpu.vector_load %arg6[%get3A_270] {strides = array<i32>} : memref<1280xi32, #tpu.memory_space<vmem>>, vector<16xi32>,
    %gather3A_272 = tpu.vector_load_idx %arg5[%get3A_271] : memref<10000xi32, #tpu.memory_space<vmem>>[vector<16xi32>], vector<16xi32>,
    %swap3A_273 = arith.constant 864 : index
    %swap3A_274 = tpu.vector_load %arg7[%swap3A_273] {strides = array<i32>} : memref<1280xi32, #tpu.memory_space<vmem>>, vector<16xi32>,
    tpu.vector_store %arg7[%swap3A_273], %gather3A_272 {strides = array<i32>} : memref<1280xi32, #tpu.memory_space<vmem>>, vector<16xi32>,
    %get3A_275 = arith.constant 880 : index
    %get3A_276 = tpu.vector_load %arg6[%get3A_275] {strides = array<i32>} : memref<1280xi32, #tpu.memory_space<vmem>>, vector<16xi32>,
    %gather3A_277 = tpu.vector_load_idx %arg5[%get3A_276] : memref<10000xi32, #tpu.memory_space<vmem>>[vector<16xi32>], vector<16xi32>,
    %swap3A_278 = arith.constant 880 : index
    %swap3A_279 = tpu.vector_load %arg7[%swap3A_278] {strides = array<i32>} : memref<1280xi32, #tpu.memory_space<vmem>>, vector<16xi32>,
    tpu.vector_store %arg7[%swap3A_278], %gather3A_277 {strides = array<i32>} : memref<1280xi32, #tpu.memory_space<vmem>>, vector<16xi32>,
    %get3A_280 = arith.constant 896 : index
    %get3A_281 = tpu.vector_load %arg6[%get3A_280] {strides = array<i32>} : memref<1280xi32, #tpu.memory_space<vmem>>, vector<16xi32>,
    %gather3A_282 = tpu.vector_load_idx %arg5[%get3A_281] : memref<10000xi32, #tpu.memory_space<vmem>>[vector<16xi32>], vector<16xi32>,
    %swap3A_283 = arith.constant 896 : index
    %swap3A_284 = tpu.vector_load %arg7[%swap3A_283] {strides = array<i32>} : memref<1280xi32, #tpu.memory_space<vmem>>, vector<16xi32>,
    tpu.vector_store %arg7[%swap3A_283], %gather3A_282 {strides = array<i32>} : memref<1280xi32, #tpu.memory_space<vmem>>, vector<16xi32>,
    %get3A_285 = arith.constant 912 : index
    %get3A_286 = tpu.vector_load %arg6[%get3A_285] {strides = array<i32>} : memref<1280xi32, #tpu.memory_space<vmem>>, vector<16xi32>,
    %gather3A_287 = tpu.vector_load_idx %arg5[%get3A_286] : memref<10000xi32, #tpu.memory_space<vmem>>[vector<16xi32>], vector<16xi32>,
    %swap3A_288 = arith.constant 912 : index
    %swap3A_289 = tpu.vector_load %arg7[%swap3A_288] {strides = array<i32>} : memref<1280xi32, #tpu.memory_space<vmem>>, vector<16xi32>,
    tpu.vector_store %arg7[%swap3A_288], %gather3A_287 {strides = array<i32>} : memref<1280xi32, #tpu.memory_space<vmem>>, vector<16xi32>,
    %get3A_290 = arith.constant 928 : index
    %get3A_291 = tpu.vector_load %arg6[%get3A_290] {strides = array<i32>} : memref<1280xi32, #tpu.memory_space<vmem>>, vector<16xi32>,
    %gather3A_292 = tpu.vector_load_idx %arg5[%get3A_291] : memref<10000xi32, #tpu.memory_space<vmem>>[vector<16xi32>], vector<16xi32>,
    %swap3A_293 = arith.constant 928 : index
    %swap3A_294 = tpu.vector_load %arg7[%swap3A_293] {strides = array<i32>} : memref<1280xi32, #tpu.memory_space<vmem>>, vector<16xi32>,
    tpu.vector_store %arg7[%swap3A_293], %gather3A_292 {strides = array<i32>} : memref<1280xi32, #tpu.memory_space<vmem>>, vector<16xi32>,
    %get3A_295 = arith.constant 944 : index
    %get3A_296 = tpu.vector_load %arg6[%get3A_295] {strides = array<i32>} : memref<1280xi32, #tpu.memory_space<vmem>>, vector<16xi32>,
    %gather3A_297 = tpu.vector_load_idx %arg5[%get3A_296] : memref<10000xi32, #tpu.memory_space<vmem>>[vector<16xi32>], vector<16xi32>,
    %swap3A_298 = arith.constant 944 : index
    %swap3A_299 = tpu.vector_load %arg7[%swap3A_298] {strides = array<i32>} : memref<1280xi32, #tpu.memory_space<vmem>>, vector<16xi32>,
    tpu.vector_store %arg7[%swap3A_298], %gather3A_297 {strides = array<i32>} : memref<1280xi32, #tpu.memory_space<vmem>>, vector<16xi32>,
    %get3A_300 = arith.constant 960 : index
    %get3A_301 = tpu.vector_load %arg6[%get3A_300] {strides = array<i32>} : memref<1280xi32, #tpu.memory_space<vmem>>, vector<16xi32>,
    %gather3A_302 = tpu.vector_load_idx %arg5[%get3A_301] : memref<10000xi32, #tpu.memory_space<vmem>>[vector<16xi32>], vector<16xi32>,
    %swap3A_303 = arith.constant 960 : index
    %swap3A_304 = tpu.vector_load %arg7[%swap3A_303] {strides = array<i32>} : memref<1280xi32, #tpu.memory_space<vmem>>, vector<16xi32>,
    tpu.vector_store %arg7[%swap3A_303], %gather3A_302 {strides = array<i32>} : memref<1280xi32, #tpu.memory_space<vmem>>, vector<16xi32>,
    %get3A_305 = arith.constant 976 : index
    %get3A_306 = tpu.vector_load %arg6[%get3A_305] {strides = array<i32>} : memref<1280xi32, #tpu.memory_space<vmem>>, vector<16xi32>,
    %gather3A_307 = tpu.vector_load_idx %arg5[%get3A_306] : memref<10000xi32, #tpu.memory_space<vmem>>[vector<16xi32>], vector<16xi32>,
    %swap3A_308 = arith.constant 976 : index
    %swap3A_309 = tpu.vector_load %arg7[%swap3A_308] {strides = array<i32>} : memref<1280xi32, #tpu.memory_space<vmem>>, vector<16xi32>,
    tpu.vector_store %arg7[%swap3A_308], %gather3A_307 {strides = array<i32>} : memref<1280xi32, #tpu.memory_space<vmem>>, vector<16xi32>,
    %get3A_310 = arith.constant 992 : index
    %get3A_311 = tpu.vector_load %arg6[%get3A_310] {strides = array<i32>} : memref<1280xi32, #tpu.memory_space<vmem>>, vector<16xi32>,
    %gather3A_312 = tpu.vector_load_idx %arg5[%get3A_311] : memref<10000xi32, #tpu.memory_space<vmem>>[vector<16xi32>], vector<16xi32>,
    %swap3A_313 = arith.constant 992 : index
    %swap3A_314 = tpu.vector_load %arg7[%swap3A_313] {strides = array<i32>} : memref<1280xi32, #tpu.memory_space<vmem>>, vector<16xi32>,
    tpu.vector_store %arg7[%swap3A_313], %gather3A_312 {strides = array<i32>} : memref<1280xi32, #tpu.memory_space<vmem>>, vector<16xi32>,
    %get3A_315 = arith.constant 1008 : index
    %get3A_316 = tpu.vector_load %arg6[%get3A_315] {strides = array<i32>} : memref<1280xi32, #tpu.memory_space<vmem>>, vector<16xi32>,
    %gather3A_317 = tpu.vector_load_idx %arg5[%get3A_316] : memref<10000xi32, #tpu.memory_space<vmem>>[vector<16xi32>], vector<16xi32>,
    %swap3A_318 = arith.constant 1008 : index
    %swap3A_319 = tpu.vector_load %arg7[%swap3A_318] {strides = array<i32>} : memref<1280xi32, #tpu.memory_space<vmem>>, vector<16xi32>,
    tpu.vector_store %arg7[%swap3A_318], %gather3A_317 {strides = array<i32>} : memref<1280xi32, #tpu.memory_space<vmem>>, vector<16xi32>,
    %get3A_320 = arith.constant 1024 : index
    %get3A_321 = tpu.vector_load %arg6[%get3A_320] {strides = array<i32>} : memref<1280xi32, #tpu.memory_space<vmem>>, vector<16xi32>,
    %gather3A_322 = tpu.vector_load_idx %arg5[%get3A_321] : memref<10000xi32, #tpu.memory_space<vmem>>[vector<16xi32>], vector<16xi32>,
    %swap3A_323 = arith.constant 1024 : index
    %swap3A_324 = tpu.vector_load %arg7[%swap3A_323] {strides = array<i32>} : memref<1280xi32, #tpu.memory_space<vmem>>, vector<16xi32>,
    tpu.vector_store %arg7[%swap3A_323], %gather3A_322 {strides = array<i32>} : memref<1280xi32, #tpu.memory_space<vmem>>, vector<16xi32>,
    %get3A_325 = arith.constant 1040 : index
    %get3A_326 = tpu.vector_load %arg6[%get3A_325] {strides = array<i32>} : memref<1280xi32, #tpu.memory_space<vmem>>, vector<16xi32>,
    %gather3A_327 = tpu.vector_load_idx %arg5[%get3A_326] : memref<10000xi32, #tpu.memory_space<vmem>>[vector<16xi32>], vector<16xi32>,
    %swap3A_328 = arith.constant 1040 : index
    %swap3A_329 = tpu.vector_load %arg7[%swap3A_328] {strides = array<i32>} : memref<1280xi32, #tpu.memory_space<vmem>>, vector<16xi32>,
    tpu.vector_store %arg7[%swap3A_328], %gather3A_327 {strides = array<i32>} : memref<1280xi32, #tpu.memory_space<vmem>>, vector<16xi32>,
    %get3A_330 = arith.constant 1056 : index
    %get3A_331 = tpu.vector_load %arg6[%get3A_330] {strides = array<i32>} : memref<1280xi32, #tpu.memory_space<vmem>>, vector<16xi32>,
    %gather3A_332 = tpu.vector_load_idx %arg5[%get3A_331] : memref<10000xi32, #tpu.memory_space<vmem>>[vector<16xi32>], vector<16xi32>,
    %swap3A_333 = arith.constant 1056 : index
    %swap3A_334 = tpu.vector_load %arg7[%swap3A_333] {strides = array<i32>} : memref<1280xi32, #tpu.memory_space<vmem>>, vector<16xi32>,
    tpu.vector_store %arg7[%swap3A_333], %gather3A_332 {strides = array<i32>} : memref<1280xi32, #tpu.memory_space<vmem>>, vector<16xi32>,
    %get3A_335 = arith.constant 1072 : index
    %get3A_336 = tpu.vector_load %arg6[%get3A_335] {strides = array<i32>} : memref<1280xi32, #tpu.memory_space<vmem>>, vector<16xi32>,
    %gather3A_337 = tpu.vector_load_idx %arg5[%get3A_336] : memref<10000xi32, #tpu.memory_space<vmem>>[vector<16xi32>], vector<16xi32>,
    %swap3A_338 = arith.constant 1072 : index
    %swap3A_339 = tpu.vector_load %arg7[%swap3A_338] {strides = array<i32>} : memref<1280xi32, #tpu.memory_space<vmem>>, vector<16xi32>,
    tpu.vector_store %arg7[%swap3A_338], %gather3A_337 {strides = array<i32>} : memref<1280xi32, #tpu.memory_space<vmem>>, vector<16xi32>,
    %get3A_340 = arith.constant 1088 : index
    %get3A_341 = tpu.vector_load %arg6[%get3A_340] {strides = array<i32>} : memref<1280xi32, #tpu.memory_space<vmem>>, vector<16xi32>,
    %gather3A_342 = tpu.vector_load_idx %arg5[%get3A_341] : memref<10000xi32, #tpu.memory_space<vmem>>[vector<16xi32>], vector<16xi32>,
    %swap3A_343 = arith.constant 1088 : index
    %swap3A_344 = tpu.vector_load %arg7[%swap3A_343] {strides = array<i32>} : memref<1280xi32, #tpu.memory_space<vmem>>, vector<16xi32>,
    tpu.vector_store %arg7[%swap3A_343], %gather3A_342 {strides = array<i32>} : memref<1280xi32, #tpu.memory_space<vmem>>, vector<16xi32>,
    %get3A_345 = arith.constant 1104 : index
    %get3A_346 = tpu.vector_load %arg6[%get3A_345] {strides = array<i32>} : memref<1280xi32, #tpu.memory_space<vmem>>, vector<16xi32>,
    %gather3A_347 = tpu.vector_load_idx %arg5[%get3A_346] : memref<10000xi32, #tpu.memory_space<vmem>>[vector<16xi32>], vector<16xi32>,
    %swap3A_348 = arith.constant 1104 : index
    %swap3A_349 = tpu.vector_load %arg7[%swap3A_348] {strides = array<i32>} : memref<1280xi32, #tpu.memory_space<vmem>>, vector<16xi32>,
    tpu.vector_store %arg7[%swap3A_348], %gather3A_347 {strides = array<i32>} : memref<1280xi32, #tpu.memory_space<vmem>>, vector<16xi32>,
    %get3A_350 = arith.constant 1120 : index
    %get3A_351 = tpu.vector_load %arg6[%get3A_350] {strides = array<i32>} : memref<1280xi32, #tpu.memory_space<vmem>>, vector<16xi32>,
    %gather3A_352 = tpu.vector_load_idx %arg5[%get3A_351] : memref<10000xi32, #tpu.memory_space<vmem>>[vector<16xi32>], vector<16xi32>,
    %swap3A_353 = arith.constant 1120 : index
    %swap3A_354 = tpu.vector_load %arg7[%swap3A_353] {strides = array<i32>} : memref<1280xi32, #tpu.memory_space<vmem>>, vector<16xi32>,
    tpu.vector_store %arg7[%swap3A_353], %gather3A_352 {strides = array<i32>} : memref<1280xi32, #tpu.memory_space<vmem>>, vector<16xi32>,
    %get3A_355 = arith.constant 1136 : index
    %get3A_356 = tpu.vector_load %arg6[%get3A_355] {strides = array<i32>} : memref<1280xi32, #tpu.memory_space<vmem>>, vector<16xi32>,
    %gather3A_357 = tpu.vector_load_idx %arg5[%get3A_356] : memref<10000xi32, #tpu.memory_space<vmem>>[vector<16xi32>], vector<16xi32>,
    %swap3A_358 = arith.constant 1136 : index
    %swap3A_359 = tpu.vector_load %arg7[%swap3A_358] {strides = array<i32>} : memref<1280xi32, #tpu.memory_space<vmem>>, vector<16xi32>,
    tpu.vector_store %arg7[%swap3A_358], %gather3A_357 {strides = array<i32>} : memref<1280xi32, #tpu.memory_space<vmem>>, vector<16xi32>,
    %get3A_360 = arith.constant 1152 : index
    %get3A_361 = tpu.vector_load %arg6[%get3A_360] {strides = array<i32>} : memref<1280xi32, #tpu.memory_space<vmem>>, vector<16xi32>,
    %gather3A_362 = tpu.vector_load_idx %arg5[%get3A_361] : memref<10000xi32, #tpu.memory_space<vmem>>[vector<16xi32>], vector<16xi32>,
    %swap3A_363 = arith.constant 1152 : index
    %swap3A_364 = tpu.vector_load %arg7[%swap3A_363] {strides = array<i32>} : memref<1280xi32, #tpu.memory_space<vmem>>, vector<16xi32>,
    tpu.vector_store %arg7[%swap3A_363], %gather3A_362 {strides = array<i32>} : memref<1280xi32, #tpu.memory_space<vmem>>, vector<16xi32>,
    %get3A_365 = arith.constant 1168 : index
    %get3A_366 = tpu.vector_load %arg6[%get3A_365] {strides = array<i32>} : memref<1280xi32, #tpu.memory_space<vmem>>, vector<16xi32>,
    %gather3A_367 = tpu.vector_load_idx %arg5[%get3A_366] : memref<10000xi32, #tpu.memory_space<vmem>>[vector<16xi32>], vector<16xi32>,
    %swap3A_368 = arith.constant 1168 : index
    %swap3A_369 = tpu.vector_load %arg7[%swap3A_368] {strides = array<i32>} : memref<1280xi32, #tpu.memory_space<vmem>>, vector<16xi32>,
    tpu.vector_store %arg7[%swap3A_368], %gather3A_367 {strides = array<i32>} : memref<1280xi32, #tpu.memory_space<vmem>>, vector<16xi32>,
    %get3A_370 = arith.constant 1184 : index
    %get3A_371 = tpu.vector_load %arg6[%get3A_370] {strides = array<i32>} : memref<1280xi32, #tpu.memory_space<vmem>>, vector<16xi32>,
    %gather3A_372 = tpu.vector_load_idx %arg5[%get3A_371] : memref<10000xi32, #tpu.memory_space<vmem>>[vector<16xi32>], vector<16xi32>,
    %swap3A_373 = arith.constant 1184 : index
    %swap3A_374 = tpu.vector_load %arg7[%swap3A_373] {strides = array<i32>} : memref<1280xi32, #tpu.memory_space<vmem>>, vector<16xi32>,
    tpu.vector_store %arg7[%swap3A_373], %gather3A_372 {strides = array<i32>} : memref<1280xi32, #tpu.memory_space<vmem>>, vector<16xi32>,
    %get3A_375 = arith.constant 1200 : index
    %get3A_376 = tpu.vector_load %arg6[%get3A_375] {strides = array<i32>} : memref<1280xi32, #tpu.memory_space<vmem>>, vector<16xi32>,
    %gather3A_377 = tpu.vector_load_idx %arg5[%get3A_376] : memref<10000xi32, #tpu.memory_space<vmem>>[vector<16xi32>], vector<16xi32>,
    %swap3A_378 = arith.constant 1200 : index
    %swap3A_379 = tpu.vector_load %arg7[%swap3A_378] {strides = array<i32>} : memref<1280xi32, #tpu.memory_space<vmem>>, vector<16xi32>,
    tpu.vector_store %arg7[%swap3A_378], %gather3A_377 {strides = array<i32>} : memref<1280xi32, #tpu.memory_space<vmem>>, vector<16xi32>,
    %get3A_380 = arith.constant 1216 : index
    %get3A_381 = tpu.vector_load %arg6[%get3A_380] {strides = array<i32>} : memref<1280xi32, #tpu.memory_space<vmem>>, vector<16xi32>,
    %gather3A_382 = tpu.vector_load_idx %arg5[%get3A_381] : memref<10000xi32, #tpu.memory_space<vmem>>[vector<16xi32>], vector<16xi32>,
    %swap3A_383 = arith.constant 1216 : index
    %swap3A_384 = tpu.vector_load %arg7[%swap3A_383] {strides = array<i32>} : memref<1280xi32, #tpu.memory_space<vmem>>, vector<16xi32>,
    tpu.vector_store %arg7[%swap3A_383], %gather3A_382 {strides = array<i32>} : memref<1280xi32, #tpu.memory_space<vmem>>, vector<16xi32>,
    %get3A_385 = arith.constant 1232 : index
    %get3A_386 = tpu.vector_load %arg6[%get3A_385] {strides = array<i32>} : memref<1280xi32, #tpu.memory_space<vmem>>, vector<16xi32>,
    %gather3A_387 = tpu.vector_load_idx %arg5[%get3A_386] : memref<10000xi32, #tpu.memory_space<vmem>>[vector<16xi32>], vector<16xi32>,
    %swap3A_388 = arith.constant 1232 : index
    %swap3A_389 = tpu.vector_load %arg7[%swap3A_388] {strides = array<i32>} : memref<1280xi32, #tpu.memory_space<vmem>>, vector<16xi32>,
    tpu.vector_store %arg7[%swap3A_388], %gather3A_387 {strides = array<i32>} : memref<1280xi32, #tpu.memory_space<vmem>>, vector<16xi32>,
    %get3A_390 = arith.constant 1248 : index
    %get3A_391 = tpu.vector_load %arg6[%get3A_390] {strides = array<i32>} : memref<1280xi32, #tpu.memory_space<vmem>>, vector<16xi32>,
    %gather3A_392 = tpu.vector_load_idx %arg5[%get3A_391] : memref<10000xi32, #tpu.memory_space<vmem>>[vector<16xi32>], vector<16xi32>,
    %swap3A_393 = arith.constant 1248 : index
    %swap3A_394 = tpu.vector_load %arg7[%swap3A_393] {strides = array<i32>} : memref<1280xi32, #tpu.memory_space<vmem>>, vector<16xi32>,
    tpu.vector_store %arg7[%swap3A_393], %gather3A_392 {strides = array<i32>} : memref<1280xi32, #tpu.memory_space<vmem>>, vector<16xi32>,
    %get3A_395 = arith.constant 1264 : index
    %get3A_396 = tpu.vector_load %arg6[%get3A_395] {strides = array<i32>} : memref<1280xi32, #tpu.memory_space<vmem>>, vector<16xi32>,
    %gather3A_397 = tpu.vector_load_idx %arg5[%get3A_396] : memref<10000xi32, #tpu.memory_space<vmem>>[vector<16xi32>], vector<16xi32>,
    %swap3A_398 = arith.constant 1264 : index
    %swap3A_399 = tpu.vector_load %arg7[%swap3A_398] {strides = array<i32>} : memref<1280xi32, #tpu.memory_space<vmem>>, vector<16xi32>,
    tpu.vector_store %arg7[%swap3A_398], %gather3A_397 {strides = array<i32>} : memref<1280xi32, #tpu.memory_space<vmem>>, vector<16xi32>,
    "tpu.region"() ({
      %run_scoped3A = tpu.sem_alloc : memref<!tpu.dma_semaphore, #tpu.memory_space<semaphore_mem>>
      %dma_start3A = tpu.memref_slice %arg4[%mul3A_2] : memref<40960xi32, #tpu.memory_space<hbm>> -> memref<1280xi32, #tpu.memory_space<hbm>>
      %dma_start3A_400 = tpu.memref_slice %arg4[%mul3A_2] : memref<40960xi32, #tpu.memory_space<hbm>> -> memref<1280xi32, #tpu.memory_space<hbm>>
      tpu.enqueue_dma source(%arg7 : memref<1280xi32, #tpu.memory_space<vmem>>) target(%dma_start3A_400 : memref<1280xi32, #tpu.memory_space<hbm>>) target_semaphore(%run_scoped3A : memref<!tpu.dma_semaphore, #tpu.memory_space<semaphore_mem>>)
      %dma_wait3A = tpu.memref_slice %arg4[%mul3A_2] : memref<40960xi32, #tpu.memory_space<hbm>> -> memref<1280xi32, #tpu.memory_space<hbm>>
      %dma_wait3A_401 = tpu.memref_slice %arg4[%mul3A_2] : memref<40960xi32, #tpu.memory_space<hbm>> -> memref<1280xi32, #tpu.memory_space<hbm>>
      tpu.wait_dma2 semaphore(%run_scoped3A : memref<!tpu.dma_semaphore, #tpu.memory_space<semaphore_mem>>) src(%arg7 : memref<1280xi32, #tpu.memory_space<vmem>>) dst(%dma_wait3A_401 : memref<1280xi32, #tpu.memory_space<hbm>>)
      tpu.yield
    }) : () -> ()
    return
  }
}

module attributes {stable_mosaic.version = 14 : i64} {
  func.func @_kc_of_body(%arg0: i32, %arg1: memref<50x2048xf32, #tpu.memory_space<vmem>>, %arg2: memref<2048xi32, #tpu.memory_space<vmem>>) attributes {dimension_semantics = [#tpu.dimension_semantics<arbitrary>], iteration_bounds = array<i64: 5>, scalar_prefetch = 0 : i64, scratch_operands = 0 : i64, tpu.core_type = #tpu.core_type<tc>, window_params = [{transform_indices = @transform_0, window_bounds = array<i64: 50, 2048>}, {transform_indices = @transform_1, window_bounds = array<i64: 2048>}]} {
    %get3A = arith.constant 0 : index
    %get3A_0 = arith.constant 0 : index
    %get3A_1 = vector.load %arg1[%get3A, %get3A_0] : memref<50x2048xf32, #tpu.memory_space<vmem>>, vector<50x2048xf32>
    %iota3A = tpu.iota {dimensions = array<i32: 0>} : vector<50x2048xi32>
    %convert_element_type3A = arith.sitofp %iota3A : vector<50x2048xi32> to vector<50x2048xf32>
    %mul3A = arith.mulf %get3A_1, %convert_element_type3A : vector<50x2048xf32>
    %reduce_sum3A = arith.constant dense<0.000000e+00> : vector<2048xf32>
    %reduce_sum3A_2 = vector.multi_reduction <add>, %mul3A, %reduce_sum3A [0] : vector<50x2048xf32> to vector<2048xf32>
    %convert_element_type3A_3 = arith.fptosi %reduce_sum3A_2 : vector<2048xf32> to vector<2048xi32>
    %swap3A = arith.constant 0 : index
    %swap3A_4 = vector.load %arg2[%swap3A] : memref<2048xi32, #tpu.memory_space<vmem>>, vector<2048xi32>
    tpu.vector_store %arg2[%swap3A], %convert_element_type3A_3 {strides = array<i32>} : memref<2048xi32, #tpu.memory_space<vmem>>, vector<2048xi32>,
    return
  }
  func.func @transform_0(%arg0: i32) -> (i32, i32) {
    %c0_i32 = arith.constant 0 : i32
    %c0_i32_0 = arith.constant 0 : i32
    return %c0_i32, %arg0 : i32, i32
  }
  func.func @transform_1(%arg0: i32) -> i32 {
    %c0_i32 = arith.constant 0 : i32
    return %arg0 : i32
  }
}

module attributes {stable_mosaic.version = 14 : i64} {
  func.func @_bkt_body(%arg0: i32, %arg1: memref<40960xi32, #tpu.memory_space<vmem>>, %arg2: memref<20x256xf32, #tpu.memory_space<vmem>>, %arg3: memref<5x50xf32, #tpu.memory_space<vmem>>, %arg4: memref<50x10000xf32, #tpu.memory_space<vmem>>, %arg5: memref<20x256xf32, #tpu.memory_space<vmem>>, %arg6: memref<10000x256xf32, #tpu.memory_space<vmem>>) attributes {dimension_semantics = [#tpu.dimension_semantics<arbitrary>], iteration_bounds = array<i64: 4>, scalar_prefetch = 0 : i64, scratch_operands = 0 : i64, tpu.core_type = #tpu.core_type<tc>, window_params = [{pipeline_mode = #tpu.pipeline_mode<synchronous>, transform_indices = @transform_0, window_bounds = array<i64: 40960>}, {transform_indices = @transform_1, window_bounds = array<i64: 20, 256>}, {pipeline_mode = #tpu.pipeline_mode<synchronous>, transform_indices = @transform_2, window_bounds = array<i64: 5, 50>}, {pipeline_mode = #tpu.pipeline_mode<synchronous>, transform_indices = @transform_3, window_bounds = array<i64: 50, 10000>}, {transform_indices = @transform_4, window_bounds = array<i64: 20, 256>}, {transform_indices = @transform_5, window_bounds = array<i64: 10000, 256>}]} {
    %get3A = arith.constant 0 : index
    %get3A_0 = arith.constant 0 : index
    %get3A_1 = vector.load %arg3[%get3A, %get3A_0] : memref<5x50xf32, #tpu.memory_space<vmem>>, vector<5x50xf32>
    %transpose3A = tpu.transpose %get3A_1, [1, 0] : vector<5x50xf32> -> vector<50x5xf32>
    %logistic3A = arith.negf %transpose3A : vector<50x5xf32>
    %logistic3A_2 = math.exp %logistic3A : vector<50x5xf32>
    %logistic3A_3 = arith.constant 1.000000e+00 : f32
    %logistic3A_4 = vector.broadcast %logistic3A_3 : f32 to vector<50x5xf32>
    %logistic3A_5 = arith.addf %logistic3A_4, %logistic3A_2 : vector<50x5xf32>
    %logistic3A_6 = arith.divf %logistic3A_4, %logistic3A_5 : vector<50x5xf32>
    %iota3A = tpu.iota {dimensions = array<i32: 0>} : vector<50x256xi32>
    %slice3A = vector.extract_strided_slice %logistic3A_6 {offsets = [0, 4], sizes = [50, 1], strides = [1, 1]} : vector<50x5xf32> to vector<50x1xf32>
    %broadcast_in_dim3A = vector.shape_cast %slice3A : vector<50x1xf32> to vector<50x1xf32>
    %broadcast_in_dim3A_7 = vector.broadcast %broadcast_in_dim3A : vector<50x1xf32> to vector<50x256xf32>
    %mul3A = arith.constant 256 : i32
    %mul3A_8 = arith.muli %arg0, %mul3A : i32
    %add3A = arith.constant 1024 : i32
    %add3A_9 = arith.addi %add3A, %mul3A_8 : i32
    %multiple_of3A = tpu.assume_multiple %add3A_9, 256 : i32
    %get3A_10 = arith.index_cast %multiple_of3A : i32 to index
    %get3A_11 = vector.load %arg1[%get3A_10] : memref<40960xi32, #tpu.memory_space<vmem>>, vector<256xi32>
    %reshape3A = vector.shape_cast %get3A_11 : vector<256xi32> to vector<1x256xi32>
    %eq3A = vector.broadcast %reshape3A : vector<1x256xi32> to vector<50x256xi32>
    %eq3A_12 = arith.cmpi eq, %iota3A, %eq3A : vector<50x256xi32>
    %convert_element_type3A = arith.extui %eq3A_12 : vector<50x256xi1> to vector<50x256xi32>
    %convert_element_type3A_13 = arith.sitofp %convert_element_type3A : vector<50x256xi32> to vector<50x256xf32>
    %slice3A_14 = vector.extract_strided_slice %logistic3A_6 {offsets = [0, 2], sizes = [50, 1], strides = [1, 1]} : vector<50x5xf32> to vector<50x1xf32>
    %mul3A_15 = vector.broadcast %slice3A_14 : vector<50x1xf32> to vector<50x256xf32>
    %mul3A_16 = arith.mulf %convert_element_type3A_13, %mul3A_15 : vector<50x256xf32>
    %reduce_sum3A = arith.constant dense<0.000000e+00> : vector<256xf32>
    %reduce_sum3A_17 = vector.multi_reduction <add>, %mul3A_16, %reduce_sum3A [0] : vector<50x256xf32> to vector<256xf32>
    %broadcast_in_dim3A_18 = vector.shape_cast %reduce_sum3A_17 : vector<256xf32> to vector<1x256xf32>
    %slice3A_19 = vector.extract_strided_slice %logistic3A_6 {offsets = [0, 3], sizes = [50, 1], strides = [1, 1]} : vector<50x5xf32> to vector<50x1xf32>
    %mul3A_20 = vector.broadcast %slice3A_19 : vector<50x1xf32> to vector<50x256xf32>
    %mul3A_21 = arith.mulf %convert_element_type3A_13, %mul3A_20 : vector<50x256xf32>
    %reduce_sum3A_22 = arith.constant dense<0.000000e+00> : vector<256xf32>
    %reduce_sum3A_23 = vector.multi_reduction <add>, %mul3A_21, %reduce_sum3A_22 [0] : vector<50x256xf32> to vector<256xf32>
    %broadcast_in_dim3A_24 = vector.shape_cast %reduce_sum3A_23 : vector<256xf32> to vector<1x256xf32>
    %mul3A_25 = arith.mulf %broadcast_in_dim3A_7, %convert_element_type3A_13 : vector<50x256xf32>
    %reduce_sum3A_26 = arith.constant dense<0.000000e+00> : vector<256xf32>
    %reduce_sum3A_27 = vector.multi_reduction <add>, %mul3A_25, %reduce_sum3A_26 [0] : vector<50x256xf32> to vector<256xf32>
    %broadcast_in_dim3A_28 = vector.shape_cast %reduce_sum3A_27 : vector<256xf32> to vector<1x256xf32>
    %sub3A = arith.constant 1.000000e+00 : f32
    %sub3A_29 = vector.broadcast %sub3A : f32 to vector<1x256xf32>
    %sub3A_30 = arith.subf %sub3A_29, %broadcast_in_dim3A_28 : vector<1x256xf32>
    %mul3A_31 = arith.mulf %broadcast_in_dim3A_18, %sub3A_30 : vector<1x256xf32>
    %mul3A_32 = arith.mulf %broadcast_in_dim3A_24, %broadcast_in_dim3A_28 : vector<1x256xf32>
    %add3A_33 = arith.addf %mul3A_31, %mul3A_32 : vector<1x256xf32>
    %swap3A = arith.constant 0 : index
    %swap3A_34 = arith.constant 0 : index
    %swap3A_35 = vector.load %arg5[%swap3A, %swap3A_34] : memref<20x256xf32, #tpu.memory_space<vmem>>, vector<1x256xf32>
    tpu.vector_store %arg5[%swap3A, %swap3A_34], %add3A_33 {strides = array<i32>} : memref<20x256xf32, #tpu.memory_space<vmem>>, vector<1x256xf32>,
    %mul3A_36 = arith.constant 256 : i32
    %mul3A_37 = arith.muli %arg0, %mul3A_36 : i32
    %add3A_38 = arith.constant 3072 : i32
    %add3A_39 = arith.addi %add3A_38, %mul3A_37 : i32
    %multiple_of3A_40 = tpu.assume_multiple %add3A_39, 256 : i32
    %get3A_41 = arith.index_cast %multiple_of3A_40 : i32 to index
    %get3A_42 = vector.load %arg1[%get3A_41] : memref<40960xi32, #tpu.memory_space<vmem>>, vector<256xi32>
    %reshape3A_43 = vector.shape_cast %get3A_42 : vector<256xi32> to vector<1x256xi32>
    %eq3A_44 = vector.broadcast %reshape3A_43 : vector<1x256xi32> to vector<50x256xi32>
    %eq3A_45 = arith.cmpi eq, %iota3A, %eq3A_44 : vector<50x256xi32>
    %convert_element_type3A_46 = arith.extui %eq3A_45 : vector<50x256xi1> to vector<50x256xi32>
    %convert_element_type3A_47 = arith.sitofp %convert_element_type3A_46 : vector<50x256xi32> to vector<50x256xf32>
    %slice3A_48 = vector.extract_strided_slice %logistic3A_6 {offsets = [0, 2], sizes = [50, 1], strides = [1, 1]} : vector<50x5xf32> to vector<50x1xf32>
    %mul3A_49 = vector.broadcast %slice3A_48 : vector<50x1xf32> to vector<50x256xf32>
    %mul3A_50 = arith.mulf %convert_element_type3A_47, %mul3A_49 : vector<50x256xf32>
    %reduce_sum3A_51 = arith.constant dense<0.000000e+00> : vector<256xf32>
    %reduce_sum3A_52 = vector.multi_reduction <add>, %mul3A_50, %reduce_sum3A_51 [0] : vector<50x256xf32> to vector<256xf32>
    %broadcast_in_dim3A_53 = vector.shape_cast %reduce_sum3A_52 : vector<256xf32> to vector<1x256xf32>
    %slice3A_54 = vector.extract_strided_slice %logistic3A_6 {offsets = [0, 3], sizes = [50, 1], strides = [1, 1]} : vector<50x5xf32> to vector<50x1xf32>
    %mul3A_55 = vector.broadcast %slice3A_54 : vector<50x1xf32> to vector<50x256xf32>
    %mul3A_56 = arith.mulf %convert_element_type3A_47, %mul3A_55 : vector<50x256xf32>
    %reduce_sum3A_57 = arith.constant dense<0.000000e+00> : vector<256xf32>
    %reduce_sum3A_58 = vector.multi_reduction <add>, %mul3A_56, %reduce_sum3A_57 [0] : vector<50x256xf32> to vector<256xf32>
    %broadcast_in_dim3A_59 = vector.shape_cast %reduce_sum3A_58 : vector<256xf32> to vector<1x256xf32>
    %mul3A_60 = arith.constant 256 : i32
    %mul3A_61 = arith.muli %arg0, %mul3A_60 : i32
    %add3A_62 = arith.constant 2048 : i32
    %add3A_63 = arith.addi %add3A_62, %mul3A_61 : i32
    %multiple_of3A_64 = tpu.assume_multiple %add3A_63, 256 : i32
    %get3A_65 = arith.index_cast %multiple_of3A_64 : i32 to index
    %get3A_66 = vector.load %arg1[%get3A_65] : memref<40960xi32, #tpu.memory_space<vmem>>, vector<256xi32>
    %reshape3A_67 = vector.shape_cast %get3A_66 : vector<256xi32> to vector<1x256xi32>
    %eq3A_68 = vector.broadcast %reshape3A_67 : vector<1x256xi32> to vector<50x256xi32>
    %eq3A_69 = arith.cmpi eq, %iota3A, %eq3A_68 : vector<50x256xi32>
    %convert_element_type3A_70 = arith.extui %eq3A_69 : vector<50x256xi1> to vector<50x256xi32>
    %convert_element_type3A_71 = arith.sitofp %convert_element_type3A_70 : vector<50x256xi32> to vector<50x256xf32>
    %slice3A_72 = vector.extract_strided_slice %logistic3A_6 {offsets = [0, 0], sizes = [50, 1], strides = [1, 1]} : vector<50x5xf32> to vector<50x1xf32>
    %mul3A_73 = vector.broadcast %slice3A_72 : vector<50x1xf32> to vector<50x256xf32>
    %mul3A_74 = arith.mulf %convert_element_type3A_71, %mul3A_73 : vector<50x256xf32>
    %reduce_sum3A_75 = arith.constant dense<0.000000e+00> : vector<256xf32>
    %reduce_sum3A_76 = vector.multi_reduction <add>, %mul3A_74, %reduce_sum3A_75 [0] : vector<50x256xf32> to vector<256xf32>
    %broadcast_in_dim3A_77 = vector.shape_cast %reduce_sum3A_76 : vector<256xf32> to vector<1x256xf32>
    %slice3A_78 = vector.extract_strided_slice %logistic3A_6 {offsets = [0, 1], sizes = [50, 1], strides = [1, 1]} : vector<50x5xf32> to vector<50x1xf32>
    %mul3A_79 = vector.broadcast %slice3A_78 : vector<50x1xf32> to vector<50x256xf32>
    %mul3A_80 = arith.mulf %convert_element_type3A_71, %mul3A_79 : vector<50x256xf32>
    %reduce_sum3A_81 = arith.constant dense<0.000000e+00> : vector<256xf32>
    %reduce_sum3A_82 = vector.multi_reduction <add>, %mul3A_80, %reduce_sum3A_81 [0] : vector<50x256xf32> to vector<256xf32>
    %broadcast_in_dim3A_83 = vector.shape_cast %reduce_sum3A_82 : vector<256xf32> to vector<1x256xf32>
    %slice3A_84 = vector.extract_strided_slice %logistic3A_6 {offsets = [0, 2], sizes = [50, 1], strides = [1, 1]} : vector<50x5xf32> to vector<50x1xf32>
    %mul3A_85 = vector.broadcast %slice3A_84 : vector<50x1xf32> to vector<50x256xf32>
    %mul3A_86 = arith.mulf %convert_element_type3A_71, %mul3A_85 : vector<50x256xf32>
    %reduce_sum3A_87 = arith.constant dense<0.000000e+00> : vector<256xf32>
    %reduce_sum3A_88 = vector.multi_reduction <add>, %mul3A_86, %reduce_sum3A_87 [0] : vector<50x256xf32> to vector<256xf32>
    %broadcast_in_dim3A_89 = vector.shape_cast %reduce_sum3A_88 : vector<256xf32> to vector<1x256xf32>
    %slice3A_90 = vector.extract_strided_slice %logistic3A_6 {offsets = [0, 3], sizes = [50, 1], strides = [1, 1]} : vector<50x5xf32> to vector<50x1xf32>
    %mul3A_91 = vector.broadcast %slice3A_90 : vector<50x1xf32> to vector<50x256xf32>
    %mul3A_92 = arith.mulf %convert_element_type3A_71, %mul3A_91 : vector<50x256xf32>
    %reduce_sum3A_93 = arith.constant dense<0.000000e+00> : vector<256xf32>
    %reduce_sum3A_94 = vector.multi_reduction <add>, %mul3A_92, %reduce_sum3A_93 [0] : vector<50x256xf32> to vector<256xf32>
    %broadcast_in_dim3A_95 = vector.shape_cast %reduce_sum3A_94 : vector<256xf32> to vector<1x256xf32>
    %get3A_96 = arith.constant 1 : index
    %get3A_97 = arith.constant 0 : index
    %get3A_98 = vector.load %arg2[%get3A_96, %get3A_97] : memref<20x256xf32, #tpu.memory_space<vmem>>, vector<1x256xf32>
    %mul3A_99 = arith.mulf %broadcast_in_dim3A_7, %convert_element_type3A_71 : vector<50x256xf32>
    %reduce_sum3A_100 = arith.constant dense<0.000000e+00> : vector<256xf32>
    %reduce_sum3A_101 = vector.multi_reduction <add>, %mul3A_99, %reduce_sum3A_100 [0] : vector<50x256xf32> to vector<256xf32>
    %broadcast_in_dim3A_102 = vector.shape_cast %reduce_sum3A_101 : vector<256xf32> to vector<1x256xf32>
    %gt3A = arith.constant 5.000000e-01 : f32
    %gt3A_103 = vector.broadcast %gt3A : f32 to vector<1x256xf32>
    %gt3A_104 = arith.cmpf ogt, %get3A_98, %gt3A_103 : vector<1x256xf32>
    %sub3A_105 = arith.constant 1.000000e+00 : f32
    %sub3A_106 = vector.broadcast %sub3A_105 : f32 to vector<1x256xf32>
    %sub3A_107 = arith.subf %sub3A_106, %broadcast_in_dim3A_89 : vector<1x256xf32>
    %select_n3A = arith.select %gt3A_104, %broadcast_in_dim3A_89, %sub3A_107 : vector<1x256xi1>, vector<1x256xf32>
    %gt3A_108 = arith.constant 5.000000e-01 : f32
    %gt3A_109 = vector.broadcast %gt3A_108 : f32 to vector<1x256xf32>
    %gt3A_110 = arith.cmpf ogt, %get3A_98, %gt3A_109 : vector<1x256xf32>
    %sub3A_111 = arith.constant 1.000000e+00 : f32
    %sub3A_112 = vector.broadcast %sub3A_111 : f32 to vector<1x256xf32>
    %sub3A_113 = arith.subf %sub3A_112, %broadcast_in_dim3A_95 : vector<1x256xf32>
    %select_n3A_114 = arith.select %gt3A_110, %broadcast_in_dim3A_95, %sub3A_113 : vector<1x256xi1>, vector<1x256xf32>
    %mul3A_115 = arith.mulf %select_n3A_114, %broadcast_in_dim3A_102 : vector<1x256xf32>
    %sub3A_116 = arith.constant 1.000000e+00 : f32
    %sub3A_117 = vector.broadcast %sub3A_116 : f32 to vector<1x256xf32>
    %sub3A_118 = arith.subf %sub3A_117, %broadcast_in_dim3A_102 : vector<1x256xf32>
    %mul3A_119 = arith.mulf %select_n3A, %sub3A_118 : vector<1x256xf32>
    %mul3A_120 = arith.mulf %select_n3A_114, %broadcast_in_dim3A_102 : vector<1x256xf32>
    %add3A_121 = arith.addf %mul3A_119, %mul3A_120 : vector<1x256xf32>
    %div3A = arith.divf %mul3A_115, %add3A_121 : vector<1x256xf32>
    %sub3A_122 = arith.constant 1.000000e+00 : f32
    %sub3A_123 = vector.broadcast %sub3A_122 : f32 to vector<1x256xf32>
    %sub3A_124 = arith.subf %sub3A_123, %div3A : vector<1x256xf32>
    %mul3A_125 = arith.mulf %broadcast_in_dim3A_77, %sub3A_124 : vector<1x256xf32>
    %sub3A_126 = arith.constant 1.000000e+00 : f32
    %sub3A_127 = vector.broadcast %sub3A_126 : f32 to vector<1x256xf32>
    %sub3A_128 = arith.subf %sub3A_127, %broadcast_in_dim3A_83 : vector<1x256xf32>
    %mul3A_129 = arith.mulf %sub3A_128, %div3A : vector<1x256xf32>
    %add3A_130 = arith.addf %mul3A_125, %mul3A_129 : vector<1x256xf32>
    %broadcast_in_dim3A_131 = vector.shape_cast %add3A_130 : vector<1x256xf32> to vector<1x256xf32>
    %broadcast_in_dim3A_132 = vector.broadcast %broadcast_in_dim3A_131 : vector<1x256xf32> to vector<50x256xf32>
    %select_n3A_133 = arith.select %eq3A_69, %broadcast_in_dim3A_132, %broadcast_in_dim3A_7 : vector<50x256xi1>, vector<50x256xf32>
    %mul3A_134 = arith.mulf %select_n3A_133, %convert_element_type3A_47 : vector<50x256xf32>
    %reduce_sum3A_135 = arith.constant dense<0.000000e+00> : vector<256xf32>
    %reduce_sum3A_136 = vector.multi_reduction <add>, %mul3A_134, %reduce_sum3A_135 [0] : vector<50x256xf32> to vector<256xf32>
    %broadcast_in_dim3A_137 = vector.shape_cast %reduce_sum3A_136 : vector<256xf32> to vector<1x256xf32>
    %sub3A_138 = arith.constant 1.000000e+00 : f32
    %sub3A_139 = vector.broadcast %sub3A_138 : f32 to vector<1x256xf32>
    %sub3A_140 = arith.subf %sub3A_139, %broadcast_in_dim3A_137 : vector<1x256xf32>
    %mul3A_141 = arith.mulf %broadcast_in_dim3A_53, %sub3A_140 : vector<1x256xf32>
    %mul3A_142 = arith.mulf %broadcast_in_dim3A_59, %broadcast_in_dim3A_137 : vector<1x256xf32>
    %add3A_143 = arith.addf %mul3A_141, %mul3A_142 : vector<1x256xf32>
    %swap3A_144 = arith.constant 1 : index
    %swap3A_145 = arith.constant 0 : index
    %swap3A_146 = vector.load %arg5[%swap3A_144, %swap3A_145] : memref<20x256xf32, #tpu.memory_space<vmem>>, vector<1x256xf32>
    tpu.vector_store %arg5[%swap3A_144, %swap3A_145], %add3A_143 {strides = array<i32>} : memref<20x256xf32, #tpu.memory_space<vmem>>, vector<1x256xf32>,
    %mul3A_147 = arith.constant 256 : i32
    %mul3A_148 = arith.muli %arg0, %mul3A_147 : i32
    %add3A_149 = arith.constant 5120 : i32
    %add3A_150 = arith.addi %add3A_149, %mul3A_148 : i32
    %multiple_of3A_151 = tpu.assume_multiple %add3A_150, 256 : i32
    %get3A_152 = arith.index_cast %multiple_of3A_151 : i32 to index
    %get3A_153 = vector.load %arg1[%get3A_152] : memref<40960xi32, #tpu.memory_space<vmem>>, vector<256xi32>
    %reshape3A_154 = vector.shape_cast %get3A_153 : vector<256xi32> to vector<1x256xi32>
    %eq3A_155 = vector.broadcast %reshape3A_154 : vector<1x256xi32> to vector<50x256xi32>
    %eq3A_156 = arith.cmpi eq, %iota3A, %eq3A_155 : vector<50x256xi32>
    %convert_element_type3A_157 = arith.extui %eq3A_156 : vector<50x256xi1> to vector<50x256xi32>
    %convert_element_type3A_158 = arith.sitofp %convert_element_type3A_157 : vector<50x256xi32> to vector<50x256xf32>
    %slice3A_159 = vector.extract_strided_slice %logistic3A_6 {offsets = [0, 2], sizes = [50, 1], strides = [1, 1]} : vector<50x5xf32> to vector<50x1xf32>
    %mul3A_160 = vector.broadcast %slice3A_159 : vector<50x1xf32> to vector<50x256xf32>
    %mul3A_161 = arith.mulf %convert_element_type3A_158, %mul3A_160 : vector<50x256xf32>
    %reduce_sum3A_162 = arith.constant dense<0.000000e+00> : vector<256xf32>
    %reduce_sum3A_163 = vector.multi_reduction <add>, %mul3A_161, %reduce_sum3A_162 [0] : vector<50x256xf32> to vector<256xf32>
    %broadcast_in_dim3A_164 = vector.shape_cast %reduce_sum3A_163 : vector<256xf32> to vector<1x256xf32>
    %slice3A_165 = vector.extract_strided_slice %logistic3A_6 {offsets = [0, 3], sizes = [50, 1], strides = [1, 1]} : vector<50x5xf32> to vector<50x1xf32>
    %mul3A_166 = vector.broadcast %slice3A_165 : vector<50x1xf32> to vector<50x256xf32>
    %mul3A_167 = arith.mulf %convert_element_type3A_158, %mul3A_166 : vector<50x256xf32>
    %reduce_sum3A_168 = arith.constant dense<0.000000e+00> : vector<256xf32>
    %reduce_sum3A_169 = vector.multi_reduction <add>, %mul3A_167, %reduce_sum3A_168 [0] : vector<50x256xf32> to vector<256xf32>
    %broadcast_in_dim3A_170 = vector.shape_cast %reduce_sum3A_169 : vector<256xf32> to vector<1x256xf32>
    %mul3A_171 = arith.constant 256 : i32
    %mul3A_172 = arith.muli %arg0, %mul3A_171 : i32
    %add3A_173 = arith.constant 4096 : i32
    %add3A_174 = arith.addi %add3A_173, %mul3A_172 : i32
    %multiple_of3A_175 = tpu.assume_multiple %add3A_174, 256 : i32
    %get3A_176 = arith.index_cast %multiple_of3A_175 : i32 to index
    %get3A_177 = vector.load %arg1[%get3A_176] : memref<40960xi32, #tpu.memory_space<vmem>>, vector<256xi32>
    %reshape3A_178 = vector.shape_cast %get3A_177 : vector<256xi32> to vector<1x256xi32>
    %eq3A_179 = vector.broadcast %reshape3A_178 : vector<1x256xi32> to vector<50x256xi32>
    %eq3A_180 = arith.cmpi eq, %iota3A, %eq3A_179 : vector<50x256xi32>
    %convert_element_type3A_181 = arith.extui %eq3A_180 : vector<50x256xi1> to vector<50x256xi32>
    %convert_element_type3A_182 = arith.sitofp %convert_element_type3A_181 : vector<50x256xi32> to vector<50x256xf32>
    %slice3A_183 = vector.extract_strided_slice %logistic3A_6 {offsets = [0, 0], sizes = [50, 1], strides = [1, 1]} : vector<50x5xf32> to vector<50x1xf32>
    %mul3A_184 = vector.broadcast %slice3A_183 : vector<50x1xf32> to vector<50x256xf32>
    %mul3A_185 = arith.mulf %convert_element_type3A_182, %mul3A_184 : vector<50x256xf32>
    %reduce_sum3A_186 = arith.constant dense<0.000000e+00> : vector<256xf32>
    %reduce_sum3A_187 = vector.multi_reduction <add>, %mul3A_185, %reduce_sum3A_186 [0] : vector<50x256xf32> to vector<256xf32>
    %broadcast_in_dim3A_188 = vector.shape_cast %reduce_sum3A_187 : vector<256xf32> to vector<1x256xf32>
    %slice3A_189 = vector.extract_strided_slice %logistic3A_6 {offsets = [0, 1], sizes = [50, 1], strides = [1, 1]} : vector<50x5xf32> to vector<50x1xf32>
    %mul3A_190 = vector.broadcast %slice3A_189 : vector<50x1xf32> to vector<50x256xf32>
    %mul3A_191 = arith.mulf %convert_element_type3A_182, %mul3A_190 : vector<50x256xf32>
    %reduce_sum3A_192 = arith.constant dense<0.000000e+00> : vector<256xf32>
    %reduce_sum3A_193 = vector.multi_reduction <add>, %mul3A_191, %reduce_sum3A_192 [0] : vector<50x256xf32> to vector<256xf32>
    %broadcast_in_dim3A_194 = vector.shape_cast %reduce_sum3A_193 : vector<256xf32> to vector<1x256xf32>
    %slice3A_195 = vector.extract_strided_slice %logistic3A_6 {offsets = [0, 2], sizes = [50, 1], strides = [1, 1]} : vector<50x5xf32> to vector<50x1xf32>
    %mul3A_196 = vector.broadcast %slice3A_195 : vector<50x1xf32> to vector<50x256xf32>
    %mul3A_197 = arith.mulf %convert_element_type3A_182, %mul3A_196 : vector<50x256xf32>
    %reduce_sum3A_198 = arith.constant dense<0.000000e+00> : vector<256xf32>
    %reduce_sum3A_199 = vector.multi_reduction <add>, %mul3A_197, %reduce_sum3A_198 [0] : vector<50x256xf32> to vector<256xf32>
    %broadcast_in_dim3A_200 = vector.shape_cast %reduce_sum3A_199 : vector<256xf32> to vector<1x256xf32>
    %slice3A_201 = vector.extract_strided_slice %logistic3A_6 {offsets = [0, 3], sizes = [50, 1], strides = [1, 1]} : vector<50x5xf32> to vector<50x1xf32>
    %mul3A_202 = vector.broadcast %slice3A_201 : vector<50x1xf32> to vector<50x256xf32>
    %mul3A_203 = arith.mulf %convert_element_type3A_182, %mul3A_202 : vector<50x256xf32>
    %reduce_sum3A_204 = arith.constant dense<0.000000e+00> : vector<256xf32>
    %reduce_sum3A_205 = vector.multi_reduction <add>, %mul3A_203, %reduce_sum3A_204 [0] : vector<50x256xf32> to vector<256xf32>
    %broadcast_in_dim3A_206 = vector.shape_cast %reduce_sum3A_205 : vector<256xf32> to vector<1x256xf32>
    %get3A_207 = arith.constant 2 : index
    %get3A_208 = arith.constant 0 : index
    %get3A_209 = vector.load %arg2[%get3A_207, %get3A_208] : memref<20x256xf32, #tpu.memory_space<vmem>>, vector<1x256xf32>
    %mul3A_210 = arith.mulf %select_n3A_133, %convert_element_type3A_182 : vector<50x256xf32>
    %reduce_sum3A_211 = arith.constant dense<0.000000e+00> : vector<256xf32>
    %reduce_sum3A_212 = vector.multi_reduction <add>, %mul3A_210, %reduce_sum3A_211 [0] : vector<50x256xf32> to vector<256xf32>
    %broadcast_in_dim3A_213 = vector.shape_cast %reduce_sum3A_212 : vector<256xf32> to vector<1x256xf32>
    %gt3A_214 = arith.constant 5.000000e-01 : f32
    %gt3A_215 = vector.broadcast %gt3A_214 : f32 to vector<1x256xf32>
    %gt3A_216 = arith.cmpf ogt, %get3A_209, %gt3A_215 : vector<1x256xf32>
    %sub3A_217 = arith.constant 1.000000e+00 : f32
    %sub3A_218 = vector.broadcast %sub3A_217 : f32 to vector<1x256xf32>
    %sub3A_219 = arith.subf %sub3A_218, %broadcast_in_dim3A_200 : vector<1x256xf32>
    %select_n3A_220 = arith.select %gt3A_216, %broadcast_in_dim3A_200, %sub3A_219 : vector<1x256xi1>, vector<1x256xf32>
    %gt3A_221 = arith.constant 5.000000e-01 : f32
    %gt3A_222 = vector.broadcast %gt3A_221 : f32 to vector<1x256xf32>
    %gt3A_223 = arith.cmpf ogt, %get3A_209, %gt3A_222 : vector<1x256xf32>
    %sub3A_224 = arith.constant 1.000000e+00 : f32
    %sub3A_225 = vector.broadcast %sub3A_224 : f32 to vector<1x256xf32>
    %sub3A_226 = arith.subf %sub3A_225, %broadcast_in_dim3A_206 : vector<1x256xf32>
    %select_n3A_227 = arith.select %gt3A_223, %broadcast_in_dim3A_206, %sub3A_226 : vector<1x256xi1>, vector<1x256xf32>
    %mul3A_228 = arith.mulf %select_n3A_227, %broadcast_in_dim3A_213 : vector<1x256xf32>
    %sub3A_229 = arith.constant 1.000000e+00 : f32
    %sub3A_230 = vector.broadcast %sub3A_229 : f32 to vector<1x256xf32>
    %sub3A_231 = arith.subf %sub3A_230, %broadcast_in_dim3A_213 : vector<1x256xf32>
    %mul3A_232 = arith.mulf %select_n3A_220, %sub3A_231 : vector<1x256xf32>
    %mul3A_233 = arith.mulf %select_n3A_227, %broadcast_in_dim3A_213 : vector<1x256xf32>
    %add3A_234 = arith.addf %mul3A_232, %mul3A_233 : vector<1x256xf32>
    %div3A_235 = arith.divf %mul3A_228, %add3A_234 : vector<1x256xf32>
    %sub3A_236 = arith.constant 1.000000e+00 : f32
    %sub3A_237 = vector.broadcast %sub3A_236 : f32 to vector<1x256xf32>
    %sub3A_238 = arith.subf %sub3A_237, %div3A_235 : vector<1x256xf32>
    %mul3A_239 = arith.mulf %broadcast_in_dim3A_188, %sub3A_238 : vector<1x256xf32>
    %sub3A_240 = arith.constant 1.000000e+00 : f32
    %sub3A_241 = vector.broadcast %sub3A_240 : f32 to vector<1x256xf32>
    %sub3A_242 = arith.subf %sub3A_241, %broadcast_in_dim3A_194 : vector<1x256xf32>
    %mul3A_243 = arith.mulf %sub3A_242, %div3A_235 : vector<1x256xf32>
    %add3A_244 = arith.addf %mul3A_239, %mul3A_243 : vector<1x256xf32>
    %broadcast_in_dim3A_245 = vector.shape_cast %add3A_244 : vector<1x256xf32> to vector<1x256xf32>
    %broadcast_in_dim3A_246 = vector.broadcast %broadcast_in_dim3A_245 : vector<1x256xf32> to vector<50x256xf32>
    %select_n3A_247 = arith.select %eq3A_180, %broadcast_in_dim3A_246, %select_n3A_133 : vector<50x256xi1>, vector<50x256xf32>
    %mul3A_248 = arith.mulf %select_n3A_247, %convert_element_type3A_158 : vector<50x256xf32>
    %reduce_sum3A_249 = arith.constant dense<0.000000e+00> : vector<256xf32>
    %reduce_sum3A_250 = vector.multi_reduction <add>, %mul3A_248, %reduce_sum3A_249 [0] : vector<50x256xf32> to vector<256xf32>
    %broadcast_in_dim3A_251 = vector.shape_cast %reduce_sum3A_250 : vector<256xf32> to vector<1x256xf32>
    %sub3A_252 = arith.constant 1.000000e+00 : f32
    %sub3A_253 = vector.broadcast %sub3A_252 : f32 to vector<1x256xf32>
    %sub3A_254 = arith.subf %sub3A_253, %broadcast_in_dim3A_251 : vector<1x256xf32>
    %mul3A_255 = arith.mulf %broadcast_in_dim3A_164, %sub3A_254 : vector<1x256xf32>
    %mul3A_256 = arith.mulf %broadcast_in_dim3A_170, %broadcast_in_dim3A_251 : vector<1x256xf32>
    %add3A_257 = arith.addf %mul3A_255, %mul3A_256 : vector<1x256xf32>
    %swap3A_258 = arith.constant 2 : index
    %swap3A_259 = arith.constant 0 : index
    %swap3A_260 = vector.load %arg5[%swap3A_258, %swap3A_259] : memref<20x256xf32, #tpu.memory_space<vmem>>, vector<1x256xf32>
    tpu.vector_store %arg5[%swap3A_258, %swap3A_259], %add3A_257 {strides = array<i32>} : memref<20x256xf32, #tpu.memory_space<vmem>>, vector<1x256xf32>,
    %mul3A_261 = arith.constant 256 : i32
    %mul3A_262 = arith.muli %arg0, %mul3A_261 : i32
    %add3A_263 = arith.constant 7168 : i32
    %add3A_264 = arith.addi %add3A_263, %mul3A_262 : i32
    %multiple_of3A_265 = tpu.assume_multiple %add3A_264, 256 : i32
    %get3A_266 = arith.index_cast %multiple_of3A_265 : i32 to index
    %get3A_267 = vector.load %arg1[%get3A_266] : memref<40960xi32, #tpu.memory_space<vmem>>, vector<256xi32>
    %reshape3A_268 = vector.shape_cast %get3A_267 : vector<256xi32> to vector<1x256xi32>
    %eq3A_269 = vector.broadcast %reshape3A_268 : vector<1x256xi32> to vector<50x256xi32>
    %eq3A_270 = arith.cmpi eq, %iota3A, %eq3A_269 : vector<50x256xi32>
    %convert_element_type3A_271 = arith.extui %eq3A_270 : vector<50x256xi1> to vector<50x256xi32>
    %convert_element_type3A_272 = arith.sitofp %convert_element_type3A_271 : vector<50x256xi32> to vector<50x256xf32>
    %slice3A_273 = vector.extract_strided_slice %logistic3A_6 {offsets = [0, 2], sizes = [50, 1], strides = [1, 1]} : vector<50x5xf32> to vector<50x1xf32>
    %mul3A_274 = vector.broadcast %slice3A_273 : vector<50x1xf32> to vector<50x256xf32>
    %mul3A_275 = arith.mulf %convert_element_type3A_272, %mul3A_274 : vector<50x256xf32>
    %reduce_sum3A_276 = arith.constant dense<0.000000e+00> : vector<256xf32>
    %reduce_sum3A_277 = vector.multi_reduction <add>, %mul3A_275, %reduce_sum3A_276 [0] : vector<50x256xf32> to vector<256xf32>
    %broadcast_in_dim3A_278 = vector.shape_cast %reduce_sum3A_277 : vector<256xf32> to vector<1x256xf32>
    %slice3A_279 = vector.extract_strided_slice %logistic3A_6 {offsets = [0, 3], sizes = [50, 1], strides = [1, 1]} : vector<50x5xf32> to vector<50x1xf32>
    %mul3A_280 = vector.broadcast %slice3A_279 : vector<50x1xf32> to vector<50x256xf32>
    %mul3A_281 = arith.mulf %convert_element_type3A_272, %mul3A_280 : vector<50x256xf32>
    %reduce_sum3A_282 = arith.constant dense<0.000000e+00> : vector<256xf32>
    %reduce_sum3A_283 = vector.multi_reduction <add>, %mul3A_281, %reduce_sum3A_282 [0] : vector<50x256xf32> to vector<256xf32>
    %broadcast_in_dim3A_284 = vector.shape_cast %reduce_sum3A_283 : vector<256xf32> to vector<1x256xf32>
    %mul3A_285 = arith.constant 256 : i32
    %mul3A_286 = arith.muli %arg0, %mul3A_285 : i32
    %add3A_287 = arith.constant 6144 : i32
    %add3A_288 = arith.addi %add3A_287, %mul3A_286 : i32
    %multiple_of3A_289 = tpu.assume_multiple %add3A_288, 256 : i32
    %get3A_290 = arith.index_cast %multiple_of3A_289 : i32 to index
    %get3A_291 = vector.load %arg1[%get3A_290] : memref<40960xi32, #tpu.memory_space<vmem>>, vector<256xi32>
    %reshape3A_292 = vector.shape_cast %get3A_291 : vector<256xi32> to vector<1x256xi32>
    %eq3A_293 = vector.broadcast %reshape3A_292 : vector<1x256xi32> to vector<50x256xi32>
    %eq3A_294 = arith.cmpi eq, %iota3A, %eq3A_293 : vector<50x256xi32>
    %convert_element_type3A_295 = arith.extui %eq3A_294 : vector<50x256xi1> to vector<50x256xi32>
    %convert_element_type3A_296 = arith.sitofp %convert_element_type3A_295 : vector<50x256xi32> to vector<50x256xf32>
    %slice3A_297 = vector.extract_strided_slice %logistic3A_6 {offsets = [0, 0], sizes = [50, 1], strides = [1, 1]} : vector<50x5xf32> to vector<50x1xf32>
    %mul3A_298 = vector.broadcast %slice3A_297 : vector<50x1xf32> to vector<50x256xf32>
    %mul3A_299 = arith.mulf %convert_element_type3A_296, %mul3A_298 : vector<50x256xf32>
    %reduce_sum3A_300 = arith.constant dense<0.000000e+00> : vector<256xf32>
    %reduce_sum3A_301 = vector.multi_reduction <add>, %mul3A_299, %reduce_sum3A_300 [0] : vector<50x256xf32> to vector<256xf32>
    %broadcast_in_dim3A_302 = vector.shape_cast %reduce_sum3A_301 : vector<256xf32> to vector<1x256xf32>
    %slice3A_303 = vector.extract_strided_slice %logistic3A_6 {offsets = [0, 1], sizes = [50, 1], strides = [1, 1]} : vector<50x5xf32> to vector<50x1xf32>
    %mul3A_304 = vector.broadcast %slice3A_303 : vector<50x1xf32> to vector<50x256xf32>
    %mul3A_305 = arith.mulf %convert_element_type3A_296, %mul3A_304 : vector<50x256xf32>
    %reduce_sum3A_306 = arith.constant dense<0.000000e+00> : vector<256xf32>
    %reduce_sum3A_307 = vector.multi_reduction <add>, %mul3A_305, %reduce_sum3A_306 [0] : vector<50x256xf32> to vector<256xf32>
    %broadcast_in_dim3A_308 = vector.shape_cast %reduce_sum3A_307 : vector<256xf32> to vector<1x256xf32>
    %slice3A_309 = vector.extract_strided_slice %logistic3A_6 {offsets = [0, 2], sizes = [50, 1], strides = [1, 1]} : vector<50x5xf32> to vector<50x1xf32>
    %mul3A_310 = vector.broadcast %slice3A_309 : vector<50x1xf32> to vector<50x256xf32>
    %mul3A_311 = arith.mulf %convert_element_type3A_296, %mul3A_310 : vector<50x256xf32>
    %reduce_sum3A_312 = arith.constant dense<0.000000e+00> : vector<256xf32>
    %reduce_sum3A_313 = vector.multi_reduction <add>, %mul3A_311, %reduce_sum3A_312 [0] : vector<50x256xf32> to vector<256xf32>
    %broadcast_in_dim3A_314 = vector.shape_cast %reduce_sum3A_313 : vector<256xf32> to vector<1x256xf32>
    %slice3A_315 = vector.extract_strided_slice %logistic3A_6 {offsets = [0, 3], sizes = [50, 1], strides = [1, 1]} : vector<50x5xf32> to vector<50x1xf32>
    %mul3A_316 = vector.broadcast %slice3A_315 : vector<50x1xf32> to vector<50x256xf32>
    %mul3A_317 = arith.mulf %convert_element_type3A_296, %mul3A_316 : vector<50x256xf32>
    %reduce_sum3A_318 = arith.constant dense<0.000000e+00> : vector<256xf32>
    %reduce_sum3A_319 = vector.multi_reduction <add>, %mul3A_317, %reduce_sum3A_318 [0] : vector<50x256xf32> to vector<256xf32>
    %broadcast_in_dim3A_320 = vector.shape_cast %reduce_sum3A_319 : vector<256xf32> to vector<1x256xf32>
    %get3A_321 = arith.constant 3 : index
    %get3A_322 = arith.constant 0 : index
    %get3A_323 = vector.load %arg2[%get3A_321, %get3A_322] : memref<20x256xf32, #tpu.memory_space<vmem>>, vector<1x256xf32>
    %mul3A_324 = arith.mulf %select_n3A_247, %convert_element_type3A_296 : vector<50x256xf32>
    %reduce_sum3A_325 = arith.constant dense<0.000000e+00> : vector<256xf32>
    %reduce_sum3A_326 = vector.multi_reduction <add>, %mul3A_324, %reduce_sum3A_325 [0] : vector<50x256xf32> to vector<256xf32>
    %broadcast_in_dim3A_327 = vector.shape_cast %reduce_sum3A_326 : vector<256xf32> to vector<1x256xf32>
    %gt3A_328 = arith.constant 5.000000e-01 : f32
    %gt3A_329 = vector.broadcast %gt3A_328 : f32 to vector<1x256xf32>
    %gt3A_330 = arith.cmpf ogt, %get3A_323, %gt3A_329 : vector<1x256xf32>
    %sub3A_331 = arith.constant 1.000000e+00 : f32
    %sub3A_332 = vector.broadcast %sub3A_331 : f32 to vector<1x256xf32>
    %sub3A_333 = arith.subf %sub3A_332, %broadcast_in_dim3A_314 : vector<1x256xf32>
    %select_n3A_334 = arith.select %gt3A_330, %broadcast_in_dim3A_314, %sub3A_333 : vector<1x256xi1>, vector<1x256xf32>
    %gt3A_335 = arith.constant 5.000000e-01 : f32
    %gt3A_336 = vector.broadcast %gt3A_335 : f32 to vector<1x256xf32>
    %gt3A_337 = arith.cmpf ogt, %get3A_323, %gt3A_336 : vector<1x256xf32>
    %sub3A_338 = arith.constant 1.000000e+00 : f32
    %sub3A_339 = vector.broadcast %sub3A_338 : f32 to vector<1x256xf32>
    %sub3A_340 = arith.subf %sub3A_339, %broadcast_in_dim3A_320 : vector<1x256xf32>
    %select_n3A_341 = arith.select %gt3A_337, %broadcast_in_dim3A_320, %sub3A_340 : vector<1x256xi1>, vector<1x256xf32>
    %mul3A_342 = arith.mulf %select_n3A_341, %broadcast_in_dim3A_327 : vector<1x256xf32>
    %sub3A_343 = arith.constant 1.000000e+00 : f32
    %sub3A_344 = vector.broadcast %sub3A_343 : f32 to vector<1x256xf32>
    %sub3A_345 = arith.subf %sub3A_344, %broadcast_in_dim3A_327 : vector<1x256xf32>
    %mul3A_346 = arith.mulf %select_n3A_334, %sub3A_345 : vector<1x256xf32>
    %mul3A_347 = arith.mulf %select_n3A_341, %broadcast_in_dim3A_327 : vector<1x256xf32>
    %add3A_348 = arith.addf %mul3A_346, %mul3A_347 : vector<1x256xf32>
    %div3A_349 = arith.divf %mul3A_342, %add3A_348 : vector<1x256xf32>
    %sub3A_350 = arith.constant 1.000000e+00 : f32
    %sub3A_351 = vector.broadcast %sub3A_350 : f32 to vector<1x256xf32>
    %sub3A_352 = arith.subf %sub3A_351, %div3A_349 : vector<1x256xf32>
    %mul3A_353 = arith.mulf %broadcast_in_dim3A_302, %sub3A_352 : vector<1x256xf32>
    %sub3A_354 = arith.constant 1.000000e+00 : f32
    %sub3A_355 = vector.broadcast %sub3A_354 : f32 to vector<1x256xf32>
    %sub3A_356 = arith.subf %sub3A_355, %broadcast_in_dim3A_308 : vector<1x256xf32>
    %mul3A_357 = arith.mulf %sub3A_356, %div3A_349 : vector<1x256xf32>
    %add3A_358 = arith.addf %mul3A_353, %mul3A_357 : vector<1x256xf32>
    %broadcast_in_dim3A_359 = vector.shape_cast %add3A_358 : vector<1x256xf32> to vector<1x256xf32>
    %broadcast_in_dim3A_360 = vector.broadcast %broadcast_in_dim3A_359 : vector<1x256xf32> to vector<50x256xf32>
    %select_n3A_361 = arith.select %eq3A_294, %broadcast_in_dim3A_360, %select_n3A_247 : vector<50x256xi1>, vector<50x256xf32>
    %mul3A_362 = arith.mulf %select_n3A_361, %convert_element_type3A_272 : vector<50x256xf32>
    %reduce_sum3A_363 = arith.constant dense<0.000000e+00> : vector<256xf32>
    %reduce_sum3A_364 = vector.multi_reduction <add>, %mul3A_362, %reduce_sum3A_363 [0] : vector<50x256xf32> to vector<256xf32>
    %broadcast_in_dim3A_365 = vector.shape_cast %reduce_sum3A_364 : vector<256xf32> to vector<1x256xf32>
    %sub3A_366 = arith.constant 1.000000e+00 : f32
    %sub3A_367 = vector.broadcast %sub3A_366 : f32 to vector<1x256xf32>
    %sub3A_368 = arith.subf %sub3A_367, %broadcast_in_dim3A_365 : vector<1x256xf32>
    %mul3A_369 = arith.mulf %broadcast_in_dim3A_278, %sub3A_368 : vector<1x256xf32>
    %mul3A_370 = arith.mulf %broadcast_in_dim3A_284, %broadcast_in_dim3A_365 : vector<1x256xf32>
    %add3A_371 = arith.addf %mul3A_369, %mul3A_370 : vector<1x256xf32>
    %swap3A_372 = arith.constant 3 : index
    %swap3A_373 = arith.constant 0 : index
    %swap3A_374 = vector.load %arg5[%swap3A_372, %swap3A_373] : memref<20x256xf32, #tpu.memory_space<vmem>>, vector<1x256xf32>
    tpu.vector_store %arg5[%swap3A_372, %swap3A_373], %add3A_371 {strides = array<i32>} : memref<20x256xf32, #tpu.memory_space<vmem>>, vector<1x256xf32>,
    %mul3A_375 = arith.constant 256 : i32
    %mul3A_376 = arith.muli %arg0, %mul3A_375 : i32
    %add3A_377 = arith.constant 9216 : i32
    %add3A_378 = arith.addi %add3A_377, %mul3A_376 : i32
    %multiple_of3A_379 = tpu.assume_multiple %add3A_378, 256 : i32
    %get3A_380 = arith.index_cast %multiple_of3A_379 : i32 to index
    %get3A_381 = vector.load %arg1[%get3A_380] : memref<40960xi32, #tpu.memory_space<vmem>>, vector<256xi32>
    %reshape3A_382 = vector.shape_cast %get3A_381 : vector<256xi32> to vector<1x256xi32>
    %eq3A_383 = vector.broadcast %reshape3A_382 : vector<1x256xi32> to vector<50x256xi32>
    %eq3A_384 = arith.cmpi eq, %iota3A, %eq3A_383 : vector<50x256xi32>
    %convert_element_type3A_385 = arith.extui %eq3A_384 : vector<50x256xi1> to vector<50x256xi32>
    %convert_element_type3A_386 = arith.sitofp %convert_element_type3A_385 : vector<50x256xi32> to vector<50x256xf32>
    %slice3A_387 = vector.extract_strided_slice %logistic3A_6 {offsets = [0, 2], sizes = [50, 1], strides = [1, 1]} : vector<50x5xf32> to vector<50x1xf32>
    %mul3A_388 = vector.broadcast %slice3A_387 : vector<50x1xf32> to vector<50x256xf32>
    %mul3A_389 = arith.mulf %convert_element_type3A_386, %mul3A_388 : vector<50x256xf32>
    %reduce_sum3A_390 = arith.constant dense<0.000000e+00> : vector<256xf32>
    %reduce_sum3A_391 = vector.multi_reduction <add>, %mul3A_389, %reduce_sum3A_390 [0] : vector<50x256xf32> to vector<256xf32>
    %broadcast_in_dim3A_392 = vector.shape_cast %reduce_sum3A_391 : vector<256xf32> to vector<1x256xf32>
    %slice3A_393 = vector.extract_strided_slice %logistic3A_6 {offsets = [0, 3], sizes = [50, 1], strides = [1, 1]} : vector<50x5xf32> to vector<50x1xf32>
    %mul3A_394 = vector.broadcast %slice3A_393 : vector<50x1xf32> to vector<50x256xf32>
    %mul3A_395 = arith.mulf %convert_element_type3A_386, %mul3A_394 : vector<50x256xf32>
    %reduce_sum3A_396 = arith.constant dense<0.000000e+00> : vector<256xf32>
    %reduce_sum3A_397 = vector.multi_reduction <add>, %mul3A_395, %reduce_sum3A_396 [0] : vector<50x256xf32> to vector<256xf32>
    %broadcast_in_dim3A_398 = vector.shape_cast %reduce_sum3A_397 : vector<256xf32> to vector<1x256xf32>
    %mul3A_399 = arith.constant 256 : i32
    %mul3A_400 = arith.muli %arg0, %mul3A_399 : i32
    %add3A_401 = arith.constant 8192 : i32
    %add3A_402 = arith.addi %add3A_401, %mul3A_400 : i32
    %multiple_of3A_403 = tpu.assume_multiple %add3A_402, 256 : i32
    %get3A_404 = arith.index_cast %multiple_of3A_403 : i32 to index
    %get3A_405 = vector.load %arg1[%get3A_404] : memref<40960xi32, #tpu.memory_space<vmem>>, vector<256xi32>
    %reshape3A_406 = vector.shape_cast %get3A_405 : vector<256xi32> to vector<1x256xi32>
    %eq3A_407 = vector.broadcast %reshape3A_406 : vector<1x256xi32> to vector<50x256xi32>
    %eq3A_408 = arith.cmpi eq, %iota3A, %eq3A_407 : vector<50x256xi32>
    %convert_element_type3A_409 = arith.extui %eq3A_408 : vector<50x256xi1> to vector<50x256xi32>
    %convert_element_type3A_410 = arith.sitofp %convert_element_type3A_409 : vector<50x256xi32> to vector<50x256xf32>
    %slice3A_411 = vector.extract_strided_slice %logistic3A_6 {offsets = [0, 0], sizes = [50, 1], strides = [1, 1]} : vector<50x5xf32> to vector<50x1xf32>
    %mul3A_412 = vector.broadcast %slice3A_411 : vector<50x1xf32> to vector<50x256xf32>
    %mul3A_413 = arith.mulf %convert_element_type3A_410, %mul3A_412 : vector<50x256xf32>
    %reduce_sum3A_414 = arith.constant dense<0.000000e+00> : vector<256xf32>
    %reduce_sum3A_415 = vector.multi_reduction <add>, %mul3A_413, %reduce_sum3A_414 [0] : vector<50x256xf32> to vector<256xf32>
    %broadcast_in_dim3A_416 = vector.shape_cast %reduce_sum3A_415 : vector<256xf32> to vector<1x256xf32>
    %slice3A_417 = vector.extract_strided_slice %logistic3A_6 {offsets = [0, 1], sizes = [50, 1], strides = [1, 1]} : vector<50x5xf32> to vector<50x1xf32>
    %mul3A_418 = vector.broadcast %slice3A_417 : vector<50x1xf32> to vector<50x256xf32>
    %mul3A_419 = arith.mulf %convert_element_type3A_410, %mul3A_418 : vector<50x256xf32>
    %reduce_sum3A_420 = arith.constant dense<0.000000e+00> : vector<256xf32>
    %reduce_sum3A_421 = vector.multi_reduction <add>, %mul3A_419, %reduce_sum3A_420 [0] : vector<50x256xf32> to vector<256xf32>
    %broadcast_in_dim3A_422 = vector.shape_cast %reduce_sum3A_421 : vector<256xf32> to vector<1x256xf32>
    %slice3A_423 = vector.extract_strided_slice %logistic3A_6 {offsets = [0, 2], sizes = [50, 1], strides = [1, 1]} : vector<50x5xf32> to vector<50x1xf32>
    %mul3A_424 = vector.broadcast %slice3A_423 : vector<50x1xf32> to vector<50x256xf32>
    %mul3A_425 = arith.mulf %convert_element_type3A_410, %mul3A_424 : vector<50x256xf32>
    %reduce_sum3A_426 = arith.constant dense<0.000000e+00> : vector<256xf32>
    %reduce_sum3A_427 = vector.multi_reduction <add>, %mul3A_425, %reduce_sum3A_426 [0] : vector<50x256xf32> to vector<256xf32>
    %broadcast_in_dim3A_428 = vector.shape_cast %reduce_sum3A_427 : vector<256xf32> to vector<1x256xf32>
    %slice3A_429 = vector.extract_strided_slice %logistic3A_6 {offsets = [0, 3], sizes = [50, 1], strides = [1, 1]} : vector<50x5xf32> to vector<50x1xf32>
    %mul3A_430 = vector.broadcast %slice3A_429 : vector<50x1xf32> to vector<50x256xf32>
    %mul3A_431 = arith.mulf %convert_element_type3A_410, %mul3A_430 : vector<50x256xf32>
    %reduce_sum3A_432 = arith.constant dense<0.000000e+00> : vector<256xf32>
    %reduce_sum3A_433 = vector.multi_reduction <add>, %mul3A_431, %reduce_sum3A_432 [0] : vector<50x256xf32> to vector<256xf32>
    %broadcast_in_dim3A_434 = vector.shape_cast %reduce_sum3A_433 : vector<256xf32> to vector<1x256xf32>
    %get3A_435 = arith.constant 4 : index
    %get3A_436 = arith.constant 0 : index
    %get3A_437 = vector.load %arg2[%get3A_435, %get3A_436] : memref<20x256xf32, #tpu.memory_space<vmem>>, vector<1x256xf32>
    %mul3A_438 = arith.mulf %select_n3A_361, %convert_element_type3A_410 : vector<50x256xf32>
    %reduce_sum3A_439 = arith.constant dense<0.000000e+00> : vector<256xf32>
    %reduce_sum3A_440 = vector.multi_reduction <add>, %mul3A_438, %reduce_sum3A_439 [0] : vector<50x256xf32> to vector<256xf32>
    %broadcast_in_dim3A_441 = vector.shape_cast %reduce_sum3A_440 : vector<256xf32> to vector<1x256xf32>
    %gt3A_442 = arith.constant 5.000000e-01 : f32
    %gt3A_443 = vector.broadcast %gt3A_442 : f32 to vector<1x256xf32>
    %gt3A_444 = arith.cmpf ogt, %get3A_437, %gt3A_443 : vector<1x256xf32>
    %sub3A_445 = arith.constant 1.000000e+00 : f32
    %sub3A_446 = vector.broadcast %sub3A_445 : f32 to vector<1x256xf32>
    %sub3A_447 = arith.subf %sub3A_446, %broadcast_in_dim3A_428 : vector<1x256xf32>
    %select_n3A_448 = arith.select %gt3A_444, %broadcast_in_dim3A_428, %sub3A_447 : vector<1x256xi1>, vector<1x256xf32>
    %gt3A_449 = arith.constant 5.000000e-01 : f32
    %gt3A_450 = vector.broadcast %gt3A_449 : f32 to vector<1x256xf32>
    %gt3A_451 = arith.cmpf ogt, %get3A_437, %gt3A_450 : vector<1x256xf32>
    %sub3A_452 = arith.constant 1.000000e+00 : f32
    %sub3A_453 = vector.broadcast %sub3A_452 : f32 to vector<1x256xf32>
    %sub3A_454 = arith.subf %sub3A_453, %broadcast_in_dim3A_434 : vector<1x256xf32>
    %select_n3A_455 = arith.select %gt3A_451, %broadcast_in_dim3A_434, %sub3A_454 : vector<1x256xi1>, vector<1x256xf32>
    %mul3A_456 = arith.mulf %select_n3A_455, %broadcast_in_dim3A_441 : vector<1x256xf32>
    %sub3A_457 = arith.constant 1.000000e+00 : f32
    %sub3A_458 = vector.broadcast %sub3A_457 : f32 to vector<1x256xf32>
    %sub3A_459 = arith.subf %sub3A_458, %broadcast_in_dim3A_441 : vector<1x256xf32>
    %mul3A_460 = arith.mulf %select_n3A_448, %sub3A_459 : vector<1x256xf32>
    %mul3A_461 = arith.mulf %select_n3A_455, %broadcast_in_dim3A_441 : vector<1x256xf32>
    %add3A_462 = arith.addf %mul3A_460, %mul3A_461 : vector<1x256xf32>
    %div3A_463 = arith.divf %mul3A_456, %add3A_462 : vector<1x256xf32>
    %sub3A_464 = arith.constant 1.000000e+00 : f32
    %sub3A_465 = vector.broadcast %sub3A_464 : f32 to vector<1x256xf32>
    %sub3A_466 = arith.subf %sub3A_465, %div3A_463 : vector<1x256xf32>
    %mul3A_467 = arith.mulf %broadcast_in_dim3A_416, %sub3A_466 : vector<1x256xf32>
    %sub3A_468 = arith.constant 1.000000e+00 : f32
    %sub3A_469 = vector.broadcast %sub3A_468 : f32 to vector<1x256xf32>
    %sub3A_470 = arith.subf %sub3A_469, %broadcast_in_dim3A_422 : vector<1x256xf32>
    %mul3A_471 = arith.mulf %sub3A_470, %div3A_463 : vector<1x256xf32>
    %add3A_472 = arith.addf %mul3A_467, %mul3A_471 : vector<1x256xf32>
    %broadcast_in_dim3A_473 = vector.shape_cast %add3A_472 : vector<1x256xf32> to vector<1x256xf32>
    %broadcast_in_dim3A_474 = vector.broadcast %broadcast_in_dim3A_473 : vector<1x256xf32> to vector<50x256xf32>
    %select_n3A_475 = arith.select %eq3A_408, %broadcast_in_dim3A_474, %select_n3A_361 : vector<50x256xi1>, vector<50x256xf32>
    %mul3A_476 = arith.mulf %select_n3A_475, %convert_element_type3A_386 : vector<50x256xf32>
    %reduce_sum3A_477 = arith.constant dense<0.000000e+00> : vector<256xf32>
    %reduce_sum3A_478 = vector.multi_reduction <add>, %mul3A_476, %reduce_sum3A_477 [0] : vector<50x256xf32> to vector<256xf32>
    %broadcast_in_dim3A_479 = vector.shape_cast %reduce_sum3A_478 : vector<256xf32> to vector<1x256xf32>
    %sub3A_480 = arith.constant 1.000000e+00 : f32
    %sub3A_481 = vector.broadcast %sub3A_480 : f32 to vector<1x256xf32>
    %sub3A_482 = arith.subf %sub3A_481, %broadcast_in_dim3A_479 : vector<1x256xf32>
    %mul3A_483 = arith.mulf %broadcast_in_dim3A_392, %sub3A_482 : vector<1x256xf32>
    %mul3A_484 = arith.mulf %broadcast_in_dim3A_398, %broadcast_in_dim3A_479 : vector<1x256xf32>
    %add3A_485 = arith.addf %mul3A_483, %mul3A_484 : vector<1x256xf32>
    %swap3A_486 = arith.constant 4 : index
    %swap3A_487 = arith.constant 0 : index
    %swap3A_488 = vector.load %arg5[%swap3A_486, %swap3A_487] : memref<20x256xf32, #tpu.memory_space<vmem>>, vector<1x256xf32>
    tpu.vector_store %arg5[%swap3A_486, %swap3A_487], %add3A_485 {strides = array<i32>} : memref<20x256xf32, #tpu.memory_space<vmem>>, vector<1x256xf32>,
    %mul3A_489 = arith.constant 256 : i32
    %mul3A_490 = arith.muli %arg0, %mul3A_489 : i32
    %add3A_491 = arith.constant 11264 : i32
    %add3A_492 = arith.addi %add3A_491, %mul3A_490 : i32
    %multiple_of3A_493 = tpu.assume_multiple %add3A_492, 256 : i32
    %get3A_494 = arith.index_cast %multiple_of3A_493 : i32 to index
    %get3A_495 = vector.load %arg1[%get3A_494] : memref<40960xi32, #tpu.memory_space<vmem>>, vector<256xi32>
    %reshape3A_496 = vector.shape_cast %get3A_495 : vector<256xi32> to vector<1x256xi32>
    %eq3A_497 = vector.broadcast %reshape3A_496 : vector<1x256xi32> to vector<50x256xi32>
    %eq3A_498 = arith.cmpi eq, %iota3A, %eq3A_497 : vector<50x256xi32>
    %convert_element_type3A_499 = arith.extui %eq3A_498 : vector<50x256xi1> to vector<50x256xi32>
    %convert_element_type3A_500 = arith.sitofp %convert_element_type3A_499 : vector<50x256xi32> to vector<50x256xf32>
    %slice3A_501 = vector.extract_strided_slice %logistic3A_6 {offsets = [0, 2], sizes = [50, 1], strides = [1, 1]} : vector<50x5xf32> to vector<50x1xf32>
    %mul3A_502 = vector.broadcast %slice3A_501 : vector<50x1xf32> to vector<50x256xf32>
    %mul3A_503 = arith.mulf %convert_element_type3A_500, %mul3A_502 : vector<50x256xf32>
    %reduce_sum3A_504 = arith.constant dense<0.000000e+00> : vector<256xf32>
    %reduce_sum3A_505 = vector.multi_reduction <add>, %mul3A_503, %reduce_sum3A_504 [0] : vector<50x256xf32> to vector<256xf32>
    %broadcast_in_dim3A_506 = vector.shape_cast %reduce_sum3A_505 : vector<256xf32> to vector<1x256xf32>
    %slice3A_507 = vector.extract_strided_slice %logistic3A_6 {offsets = [0, 3], sizes = [50, 1], strides = [1, 1]} : vector<50x5xf32> to vector<50x1xf32>
    %mul3A_508 = vector.broadcast %slice3A_507 : vector<50x1xf32> to vector<50x256xf32>
    %mul3A_509 = arith.mulf %convert_element_type3A_500, %mul3A_508 : vector<50x256xf32>
    %reduce_sum3A_510 = arith.constant dense<0.000000e+00> : vector<256xf32>
    %reduce_sum3A_511 = vector.multi_reduction <add>, %mul3A_509, %reduce_sum3A_510 [0] : vector<50x256xf32> to vector<256xf32>
    %broadcast_in_dim3A_512 = vector.shape_cast %reduce_sum3A_511 : vector<256xf32> to vector<1x256xf32>
    %mul3A_513 = arith.constant 256 : i32
    %mul3A_514 = arith.muli %arg0, %mul3A_513 : i32
    %add3A_515 = arith.constant 10240 : i32
    %add3A_516 = arith.addi %add3A_515, %mul3A_514 : i32
    %multiple_of3A_517 = tpu.assume_multiple %add3A_516, 256 : i32
    %get3A_518 = arith.index_cast %multiple_of3A_517 : i32 to index
    %get3A_519 = vector.load %arg1[%get3A_518] : memref<40960xi32, #tpu.memory_space<vmem>>, vector<256xi32>
    %reshape3A_520 = vector.shape_cast %get3A_519 : vector<256xi32> to vector<1x256xi32>
    %eq3A_521 = vector.broadcast %reshape3A_520 : vector<1x256xi32> to vector<50x256xi32>
    %eq3A_522 = arith.cmpi eq, %iota3A, %eq3A_521 : vector<50x256xi32>
    %convert_element_type3A_523 = arith.extui %eq3A_522 : vector<50x256xi1> to vector<50x256xi32>
    %convert_element_type3A_524 = arith.sitofp %convert_element_type3A_523 : vector<50x256xi32> to vector<50x256xf32>
    %slice3A_525 = vector.extract_strided_slice %logistic3A_6 {offsets = [0, 0], sizes = [50, 1], strides = [1, 1]} : vector<50x5xf32> to vector<50x1xf32>
    %mul3A_526 = vector.broadcast %slice3A_525 : vector<50x1xf32> to vector<50x256xf32>
    %mul3A_527 = arith.mulf %convert_element_type3A_524, %mul3A_526 : vector<50x256xf32>
    %reduce_sum3A_528 = arith.constant dense<0.000000e+00> : vector<256xf32>
    %reduce_sum3A_529 = vector.multi_reduction <add>, %mul3A_527, %reduce_sum3A_528 [0] : vector<50x256xf32> to vector<256xf32>
    %broadcast_in_dim3A_530 = vector.shape_cast %reduce_sum3A_529 : vector<256xf32> to vector<1x256xf32>
    %slice3A_531 = vector.extract_strided_slice %logistic3A_6 {offsets = [0, 1], sizes = [50, 1], strides = [1, 1]} : vector<50x5xf32> to vector<50x1xf32>
    %mul3A_532 = vector.broadcast %slice3A_531 : vector<50x1xf32> to vector<50x256xf32>
    %mul3A_533 = arith.mulf %convert_element_type3A_524, %mul3A_532 : vector<50x256xf32>
    %reduce_sum3A_534 = arith.constant dense<0.000000e+00> : vector<256xf32>
    %reduce_sum3A_535 = vector.multi_reduction <add>, %mul3A_533, %reduce_sum3A_534 [0] : vector<50x256xf32> to vector<256xf32>
    %broadcast_in_dim3A_536 = vector.shape_cast %reduce_sum3A_535 : vector<256xf32> to vector<1x256xf32>
    %slice3A_537 = vector.extract_strided_slice %logistic3A_6 {offsets = [0, 2], sizes = [50, 1], strides = [1, 1]} : vector<50x5xf32> to vector<50x1xf32>
    %mul3A_538 = vector.broadcast %slice3A_537 : vector<50x1xf32> to vector<50x256xf32>
    %mul3A_539 = arith.mulf %convert_element_type3A_524, %mul3A_538 : vector<50x256xf32>
    %reduce_sum3A_540 = arith.constant dense<0.000000e+00> : vector<256xf32>
    %reduce_sum3A_541 = vector.multi_reduction <add>, %mul3A_539, %reduce_sum3A_540 [0] : vector<50x256xf32> to vector<256xf32>
    %broadcast_in_dim3A_542 = vector.shape_cast %reduce_sum3A_541 : vector<256xf32> to vector<1x256xf32>
    %slice3A_543 = vector.extract_strided_slice %logistic3A_6 {offsets = [0, 3], sizes = [50, 1], strides = [1, 1]} : vector<50x5xf32> to vector<50x1xf32>
    %mul3A_544 = vector.broadcast %slice3A_543 : vector<50x1xf32> to vector<50x256xf32>
    %mul3A_545 = arith.mulf %convert_element_type3A_524, %mul3A_544 : vector<50x256xf32>
    %reduce_sum3A_546 = arith.constant dense<0.000000e+00> : vector<256xf32>
    %reduce_sum3A_547 = vector.multi_reduction <add>, %mul3A_545, %reduce_sum3A_546 [0] : vector<50x256xf32> to vector<256xf32>
    %broadcast_in_dim3A_548 = vector.shape_cast %reduce_sum3A_547 : vector<256xf32> to vector<1x256xf32>
    %get3A_549 = arith.constant 5 : index
    %get3A_550 = arith.constant 0 : index
    %get3A_551 = vector.load %arg2[%get3A_549, %get3A_550] : memref<20x256xf32, #tpu.memory_space<vmem>>, vector<1x256xf32>
    %mul3A_552 = arith.mulf %select_n3A_475, %convert_element_type3A_524 : vector<50x256xf32>
    %reduce_sum3A_553 = arith.constant dense<0.000000e+00> : vector<256xf32>
    %reduce_sum3A_554 = vector.multi_reduction <add>, %mul3A_552, %reduce_sum3A_553 [0] : vector<50x256xf32> to vector<256xf32>
    %broadcast_in_dim3A_555 = vector.shape_cast %reduce_sum3A_554 : vector<256xf32> to vector<1x256xf32>
    %gt3A_556 = arith.constant 5.000000e-01 : f32
    %gt3A_557 = vector.broadcast %gt3A_556 : f32 to vector<1x256xf32>
    %gt3A_558 = arith.cmpf ogt, %get3A_551, %gt3A_557 : vector<1x256xf32>
    %sub3A_559 = arith.constant 1.000000e+00 : f32
    %sub3A_560 = vector.broadcast %sub3A_559 : f32 to vector<1x256xf32>
    %sub3A_561 = arith.subf %sub3A_560, %broadcast_in_dim3A_542 : vector<1x256xf32>
    %select_n3A_562 = arith.select %gt3A_558, %broadcast_in_dim3A_542, %sub3A_561 : vector<1x256xi1>, vector<1x256xf32>
    %gt3A_563 = arith.constant 5.000000e-01 : f32
    %gt3A_564 = vector.broadcast %gt3A_563 : f32 to vector<1x256xf32>
    %gt3A_565 = arith.cmpf ogt, %get3A_551, %gt3A_564 : vector<1x256xf32>
    %sub3A_566 = arith.constant 1.000000e+00 : f32
    %sub3A_567 = vector.broadcast %sub3A_566 : f32 to vector<1x256xf32>
    %sub3A_568 = arith.subf %sub3A_567, %broadcast_in_dim3A_548 : vector<1x256xf32>
    %select_n3A_569 = arith.select %gt3A_565, %broadcast_in_dim3A_548, %sub3A_568 : vector<1x256xi1>, vector<1x256xf32>
    %mul3A_570 = arith.mulf %select_n3A_569, %broadcast_in_dim3A_555 : vector<1x256xf32>
    %sub3A_571 = arith.constant 1.000000e+00 : f32
    %sub3A_572 = vector.broadcast %sub3A_571 : f32 to vector<1x256xf32>
    %sub3A_573 = arith.subf %sub3A_572, %broadcast_in_dim3A_555 : vector<1x256xf32>
    %mul3A_574 = arith.mulf %select_n3A_562, %sub3A_573 : vector<1x256xf32>
    %mul3A_575 = arith.mulf %select_n3A_569, %broadcast_in_dim3A_555 : vector<1x256xf32>
    %add3A_576 = arith.addf %mul3A_574, %mul3A_575 : vector<1x256xf32>
    %div3A_577 = arith.divf %mul3A_570, %add3A_576 : vector<1x256xf32>
    %sub3A_578 = arith.constant 1.000000e+00 : f32
    %sub3A_579 = vector.broadcast %sub3A_578 : f32 to vector<1x256xf32>
    %sub3A_580 = arith.subf %sub3A_579, %div3A_577 : vector<1x256xf32>
    %mul3A_581 = arith.mulf %broadcast_in_dim3A_530, %sub3A_580 : vector<1x256xf32>
    %sub3A_582 = arith.constant 1.000000e+00 : f32
    %sub3A_583 = vector.broadcast %sub3A_582 : f32 to vector<1x256xf32>
    %sub3A_584 = arith.subf %sub3A_583, %broadcast_in_dim3A_536 : vector<1x256xf32>
    %mul3A_585 = arith.mulf %sub3A_584, %div3A_577 : vector<1x256xf32>
    %add3A_586 = arith.addf %mul3A_581, %mul3A_585 : vector<1x256xf32>
    %broadcast_in_dim3A_587 = vector.shape_cast %add3A_586 : vector<1x256xf32> to vector<1x256xf32>
    %broadcast_in_dim3A_588 = vector.broadcast %broadcast_in_dim3A_587 : vector<1x256xf32> to vector<50x256xf32>
    %select_n3A_589 = arith.select %eq3A_522, %broadcast_in_dim3A_588, %select_n3A_475 : vector<50x256xi1>, vector<50x256xf32>
    %mul3A_590 = arith.mulf %select_n3A_589, %convert_element_type3A_500 : vector<50x256xf32>
    %reduce_sum3A_591 = arith.constant dense<0.000000e+00> : vector<256xf32>
    %reduce_sum3A_592 = vector.multi_reduction <add>, %mul3A_590, %reduce_sum3A_591 [0] : vector<50x256xf32> to vector<256xf32>
    %broadcast_in_dim3A_593 = vector.shape_cast %reduce_sum3A_592 : vector<256xf32> to vector<1x256xf32>
    %sub3A_594 = arith.constant 1.000000e+00 : f32
    %sub3A_595 = vector.broadcast %sub3A_594 : f32 to vector<1x256xf32>
    %sub3A_596 = arith.subf %sub3A_595, %broadcast_in_dim3A_593 : vector<1x256xf32>
    %mul3A_597 = arith.mulf %broadcast_in_dim3A_506, %sub3A_596 : vector<1x256xf32>
    %mul3A_598 = arith.mulf %broadcast_in_dim3A_512, %broadcast_in_dim3A_593 : vector<1x256xf32>
    %add3A_599 = arith.addf %mul3A_597, %mul3A_598 : vector<1x256xf32>
    %swap3A_600 = arith.constant 5 : index
    %swap3A_601 = arith.constant 0 : index
    %swap3A_602 = vector.load %arg5[%swap3A_600, %swap3A_601] : memref<20x256xf32, #tpu.memory_space<vmem>>, vector<1x256xf32>
    tpu.vector_store %arg5[%swap3A_600, %swap3A_601], %add3A_599 {strides = array<i32>} : memref<20x256xf32, #tpu.memory_space<vmem>>, vector<1x256xf32>,
    %mul3A_603 = arith.constant 256 : i32
    %mul3A_604 = arith.muli %arg0, %mul3A_603 : i32
    %add3A_605 = arith.constant 13312 : i32
    %add3A_606 = arith.addi %add3A_605, %mul3A_604 : i32
    %multiple_of3A_607 = tpu.assume_multiple %add3A_606, 256 : i32
    %get3A_608 = arith.index_cast %multiple_of3A_607 : i32 to index
    %get3A_609 = vector.load %arg1[%get3A_608] : memref<40960xi32, #tpu.memory_space<vmem>>, vector<256xi32>
    %reshape3A_610 = vector.shape_cast %get3A_609 : vector<256xi32> to vector<1x256xi32>
    %eq3A_611 = vector.broadcast %reshape3A_610 : vector<1x256xi32> to vector<50x256xi32>
    %eq3A_612 = arith.cmpi eq, %iota3A, %eq3A_611 : vector<50x256xi32>
    %convert_element_type3A_613 = arith.extui %eq3A_612 : vector<50x256xi1> to vector<50x256xi32>
    %convert_element_type3A_614 = arith.sitofp %convert_element_type3A_613 : vector<50x256xi32> to vector<50x256xf32>
    %slice3A_615 = vector.extract_strided_slice %logistic3A_6 {offsets = [0, 2], sizes = [50, 1], strides = [1, 1]} : vector<50x5xf32> to vector<50x1xf32>
    %mul3A_616 = vector.broadcast %slice3A_615 : vector<50x1xf32> to vector<50x256xf32>
    %mul3A_617 = arith.mulf %convert_element_type3A_614, %mul3A_616 : vector<50x256xf32>
    %reduce_sum3A_618 = arith.constant dense<0.000000e+00> : vector<256xf32>
    %reduce_sum3A_619 = vector.multi_reduction <add>, %mul3A_617, %reduce_sum3A_618 [0] : vector<50x256xf32> to vector<256xf32>
    %broadcast_in_dim3A_620 = vector.shape_cast %reduce_sum3A_619 : vector<256xf32> to vector<1x256xf32>
    %slice3A_621 = vector.extract_strided_slice %logistic3A_6 {offsets = [0, 3], sizes = [50, 1], strides = [1, 1]} : vector<50x5xf32> to vector<50x1xf32>
    %mul3A_622 = vector.broadcast %slice3A_621 : vector<50x1xf32> to vector<50x256xf32>
    %mul3A_623 = arith.mulf %convert_element_type3A_614, %mul3A_622 : vector<50x256xf32>
    %reduce_sum3A_624 = arith.constant dense<0.000000e+00> : vector<256xf32>
    %reduce_sum3A_625 = vector.multi_reduction <add>, %mul3A_623, %reduce_sum3A_624 [0] : vector<50x256xf32> to vector<256xf32>
    %broadcast_in_dim3A_626 = vector.shape_cast %reduce_sum3A_625 : vector<256xf32> to vector<1x256xf32>
    %mul3A_627 = arith.constant 256 : i32
    %mul3A_628 = arith.muli %arg0, %mul3A_627 : i32
    %add3A_629 = arith.constant 12288 : i32
    %add3A_630 = arith.addi %add3A_629, %mul3A_628 : i32
    %multiple_of3A_631 = tpu.assume_multiple %add3A_630, 256 : i32
    %get3A_632 = arith.index_cast %multiple_of3A_631 : i32 to index
    %get3A_633 = vector.load %arg1[%get3A_632] : memref<40960xi32, #tpu.memory_space<vmem>>, vector<256xi32>
    %reshape3A_634 = vector.shape_cast %get3A_633 : vector<256xi32> to vector<1x256xi32>
    %eq3A_635 = vector.broadcast %reshape3A_634 : vector<1x256xi32> to vector<50x256xi32>
    %eq3A_636 = arith.cmpi eq, %iota3A, %eq3A_635 : vector<50x256xi32>
    %convert_element_type3A_637 = arith.extui %eq3A_636 : vector<50x256xi1> to vector<50x256xi32>
    %convert_element_type3A_638 = arith.sitofp %convert_element_type3A_637 : vector<50x256xi32> to vector<50x256xf32>
    %slice3A_639 = vector.extract_strided_slice %logistic3A_6 {offsets = [0, 0], sizes = [50, 1], strides = [1, 1]} : vector<50x5xf32> to vector<50x1xf32>
    %mul3A_640 = vector.broadcast %slice3A_639 : vector<50x1xf32> to vector<50x256xf32>
    %mul3A_641 = arith.mulf %convert_element_type3A_638, %mul3A_640 : vector<50x256xf32>
    %reduce_sum3A_642 = arith.constant dense<0.000000e+00> : vector<256xf32>
    %reduce_sum3A_643 = vector.multi_reduction <add>, %mul3A_641, %reduce_sum3A_642 [0] : vector<50x256xf32> to vector<256xf32>
    %broadcast_in_dim3A_644 = vector.shape_cast %reduce_sum3A_643 : vector<256xf32> to vector<1x256xf32>
    %slice3A_645 = vector.extract_strided_slice %logistic3A_6 {offsets = [0, 1], sizes = [50, 1], strides = [1, 1]} : vector<50x5xf32> to vector<50x1xf32>
    %mul3A_646 = vector.broadcast %slice3A_645 : vector<50x1xf32> to vector<50x256xf32>
    %mul3A_647 = arith.mulf %convert_element_type3A_638, %mul3A_646 : vector<50x256xf32>
    %reduce_sum3A_648 = arith.constant dense<0.000000e+00> : vector<256xf32>
    %reduce_sum3A_649 = vector.multi_reduction <add>, %mul3A_647, %reduce_sum3A_648 [0] : vector<50x256xf32> to vector<256xf32>
    %broadcast_in_dim3A_650 = vector.shape_cast %reduce_sum3A_649 : vector<256xf32> to vector<1x256xf32>
    %slice3A_651 = vector.extract_strided_slice %logistic3A_6 {offsets = [0, 2], sizes = [50, 1], strides = [1, 1]} : vector<50x5xf32> to vector<50x1xf32>
    %mul3A_652 = vector.broadcast %slice3A_651 : vector<50x1xf32> to vector<50x256xf32>
    %mul3A_653 = arith.mulf %convert_element_type3A_638, %mul3A_652 : vector<50x256xf32>
    %reduce_sum3A_654 = arith.constant dense<0.000000e+00> : vector<256xf32>
    %reduce_sum3A_655 = vector.multi_reduction <add>, %mul3A_653, %reduce_sum3A_654 [0] : vector<50x256xf32> to vector<256xf32>
    %broadcast_in_dim3A_656 = vector.shape_cast %reduce_sum3A_655 : vector<256xf32> to vector<1x256xf32>
    %slice3A_657 = vector.extract_strided_slice %logistic3A_6 {offsets = [0, 3], sizes = [50, 1], strides = [1, 1]} : vector<50x5xf32> to vector<50x1xf32>
    %mul3A_658 = vector.broadcast %slice3A_657 : vector<50x1xf32> to vector<50x256xf32>
    %mul3A_659 = arith.mulf %convert_element_type3A_638, %mul3A_658 : vector<50x256xf32>
    %reduce_sum3A_660 = arith.constant dense<0.000000e+00> : vector<256xf32>
    %reduce_sum3A_661 = vector.multi_reduction <add>, %mul3A_659, %reduce_sum3A_660 [0] : vector<50x256xf32> to vector<256xf32>
    %broadcast_in_dim3A_662 = vector.shape_cast %reduce_sum3A_661 : vector<256xf32> to vector<1x256xf32>
    %get3A_663 = arith.constant 6 : index
    %get3A_664 = arith.constant 0 : index
    %get3A_665 = vector.load %arg2[%get3A_663, %get3A_664] : memref<20x256xf32, #tpu.memory_space<vmem>>, vector<1x256xf32>
    %mul3A_666 = arith.mulf %select_n3A_589, %convert_element_type3A_638 : vector<50x256xf32>
    %reduce_sum3A_667 = arith.constant dense<0.000000e+00> : vector<256xf32>
    %reduce_sum3A_668 = vector.multi_reduction <add>, %mul3A_666, %reduce_sum3A_667 [0] : vector<50x256xf32> to vector<256xf32>
    %broadcast_in_dim3A_669 = vector.shape_cast %reduce_sum3A_668 : vector<256xf32> to vector<1x256xf32>
    %gt3A_670 = arith.constant 5.000000e-01 : f32
    %gt3A_671 = vector.broadcast %gt3A_670 : f32 to vector<1x256xf32>
    %gt3A_672 = arith.cmpf ogt, %get3A_665, %gt3A_671 : vector<1x256xf32>
    %sub3A_673 = arith.constant 1.000000e+00 : f32
    %sub3A_674 = vector.broadcast %sub3A_673 : f32 to vector<1x256xf32>
    %sub3A_675 = arith.subf %sub3A_674, %broadcast_in_dim3A_656 : vector<1x256xf32>
    %select_n3A_676 = arith.select %gt3A_672, %broadcast_in_dim3A_656, %sub3A_675 : vector<1x256xi1>, vector<1x256xf32>
    %gt3A_677 = arith.constant 5.000000e-01 : f32
    %gt3A_678 = vector.broadcast %gt3A_677 : f32 to vector<1x256xf32>
    %gt3A_679 = arith.cmpf ogt, %get3A_665, %gt3A_678 : vector<1x256xf32>
    %sub3A_680 = arith.constant 1.000000e+00 : f32
    %sub3A_681 = vector.broadcast %sub3A_680 : f32 to vector<1x256xf32>
    %sub3A_682 = arith.subf %sub3A_681, %broadcast_in_dim3A_662 : vector<1x256xf32>
    %select_n3A_683 = arith.select %gt3A_679, %broadcast_in_dim3A_662, %sub3A_682 : vector<1x256xi1>, vector<1x256xf32>
    %mul3A_684 = arith.mulf %select_n3A_683, %broadcast_in_dim3A_669 : vector<1x256xf32>
    %sub3A_685 = arith.constant 1.000000e+00 : f32
    %sub3A_686 = vector.broadcast %sub3A_685 : f32 to vector<1x256xf32>
    %sub3A_687 = arith.subf %sub3A_686, %broadcast_in_dim3A_669 : vector<1x256xf32>
    %mul3A_688 = arith.mulf %select_n3A_676, %sub3A_687 : vector<1x256xf32>
    %mul3A_689 = arith.mulf %select_n3A_683, %broadcast_in_dim3A_669 : vector<1x256xf32>
    %add3A_690 = arith.addf %mul3A_688, %mul3A_689 : vector<1x256xf32>
    %div3A_691 = arith.divf %mul3A_684, %add3A_690 : vector<1x256xf32>
    %sub3A_692 = arith.constant 1.000000e+00 : f32
    %sub3A_693 = vector.broadcast %sub3A_692 : f32 to vector<1x256xf32>
    %sub3A_694 = arith.subf %sub3A_693, %div3A_691 : vector<1x256xf32>
    %mul3A_695 = arith.mulf %broadcast_in_dim3A_644, %sub3A_694 : vector<1x256xf32>
    %sub3A_696 = arith.constant 1.000000e+00 : f32
    %sub3A_697 = vector.broadcast %sub3A_696 : f32 to vector<1x256xf32>
    %sub3A_698 = arith.subf %sub3A_697, %broadcast_in_dim3A_650 : vector<1x256xf32>
    %mul3A_699 = arith.mulf %sub3A_698, %div3A_691 : vector<1x256xf32>
    %add3A_700 = arith.addf %mul3A_695, %mul3A_699 : vector<1x256xf32>
    %broadcast_in_dim3A_701 = vector.shape_cast %add3A_700 : vector<1x256xf32> to vector<1x256xf32>
    %broadcast_in_dim3A_702 = vector.broadcast %broadcast_in_dim3A_701 : vector<1x256xf32> to vector<50x256xf32>
    %select_n3A_703 = arith.select %eq3A_636, %broadcast_in_dim3A_702, %select_n3A_589 : vector<50x256xi1>, vector<50x256xf32>
    %mul3A_704 = arith.mulf %select_n3A_703, %convert_element_type3A_614 : vector<50x256xf32>
    %reduce_sum3A_705 = arith.constant dense<0.000000e+00> : vector<256xf32>
    %reduce_sum3A_706 = vector.multi_reduction <add>, %mul3A_704, %reduce_sum3A_705 [0] : vector<50x256xf32> to vector<256xf32>
    %broadcast_in_dim3A_707 = vector.shape_cast %reduce_sum3A_706 : vector<256xf32> to vector<1x256xf32>
    %sub3A_708 = arith.constant 1.000000e+00 : f32
    %sub3A_709 = vector.broadcast %sub3A_708 : f32 to vector<1x256xf32>
    %sub3A_710 = arith.subf %sub3A_709, %broadcast_in_dim3A_707 : vector<1x256xf32>
    %mul3A_711 = arith.mulf %broadcast_in_dim3A_620, %sub3A_710 : vector<1x256xf32>
    %mul3A_712 = arith.mulf %broadcast_in_dim3A_626, %broadcast_in_dim3A_707 : vector<1x256xf32>
    %add3A_713 = arith.addf %mul3A_711, %mul3A_712 : vector<1x256xf32>
    %swap3A_714 = arith.constant 6 : index
    %swap3A_715 = arith.constant 0 : index
    %swap3A_716 = vector.load %arg5[%swap3A_714, %swap3A_715] : memref<20x256xf32, #tpu.memory_space<vmem>>, vector<1x256xf32>
    tpu.vector_store %arg5[%swap3A_714, %swap3A_715], %add3A_713 {strides = array<i32>} : memref<20x256xf32, #tpu.memory_space<vmem>>, vector<1x256xf32>,
    %mul3A_717 = arith.constant 256 : i32
    %mul3A_718 = arith.muli %arg0, %mul3A_717 : i32
    %add3A_719 = arith.constant 15360 : i32
    %add3A_720 = arith.addi %add3A_719, %mul3A_718 : i32
    %multiple_of3A_721 = tpu.assume_multiple %add3A_720, 256 : i32
    %get3A_722 = arith.index_cast %multiple_of3A_721 : i32 to index
    %get3A_723 = vector.load %arg1[%get3A_722] : memref<40960xi32, #tpu.memory_space<vmem>>, vector<256xi32>
    %reshape3A_724 = vector.shape_cast %get3A_723 : vector<256xi32> to vector<1x256xi32>
    %eq3A_725 = vector.broadcast %reshape3A_724 : vector<1x256xi32> to vector<50x256xi32>
    %eq3A_726 = arith.cmpi eq, %iota3A, %eq3A_725 : vector<50x256xi32>
    %convert_element_type3A_727 = arith.extui %eq3A_726 : vector<50x256xi1> to vector<50x256xi32>
    %convert_element_type3A_728 = arith.sitofp %convert_element_type3A_727 : vector<50x256xi32> to vector<50x256xf32>
    %slice3A_729 = vector.extract_strided_slice %logistic3A_6 {offsets = [0, 2], sizes = [50, 1], strides = [1, 1]} : vector<50x5xf32> to vector<50x1xf32>
    %mul3A_730 = vector.broadcast %slice3A_729 : vector<50x1xf32> to vector<50x256xf32>
    %mul3A_731 = arith.mulf %convert_element_type3A_728, %mul3A_730 : vector<50x256xf32>
    %reduce_sum3A_732 = arith.constant dense<0.000000e+00> : vector<256xf32>
    %reduce_sum3A_733 = vector.multi_reduction <add>, %mul3A_731, %reduce_sum3A_732 [0] : vector<50x256xf32> to vector<256xf32>
    %broadcast_in_dim3A_734 = vector.shape_cast %reduce_sum3A_733 : vector<256xf32> to vector<1x256xf32>
    %slice3A_735 = vector.extract_strided_slice %logistic3A_6 {offsets = [0, 3], sizes = [50, 1], strides = [1, 1]} : vector<50x5xf32> to vector<50x1xf32>
    %mul3A_736 = vector.broadcast %slice3A_735 : vector<50x1xf32> to vector<50x256xf32>
    %mul3A_737 = arith.mulf %convert_element_type3A_728, %mul3A_736 : vector<50x256xf32>
    %reduce_sum3A_738 = arith.constant dense<0.000000e+00> : vector<256xf32>
    %reduce_sum3A_739 = vector.multi_reduction <add>, %mul3A_737, %reduce_sum3A_738 [0] : vector<50x256xf32> to vector<256xf32>
    %broadcast_in_dim3A_740 = vector.shape_cast %reduce_sum3A_739 : vector<256xf32> to vector<1x256xf32>
    %mul3A_741 = arith.constant 256 : i32
    %mul3A_742 = arith.muli %arg0, %mul3A_741 : i32
    %add3A_743 = arith.constant 14336 : i32
    %add3A_744 = arith.addi %add3A_743, %mul3A_742 : i32
    %multiple_of3A_745 = tpu.assume_multiple %add3A_744, 256 : i32
    %get3A_746 = arith.index_cast %multiple_of3A_745 : i32 to index
    %get3A_747 = vector.load %arg1[%get3A_746] : memref<40960xi32, #tpu.memory_space<vmem>>, vector<256xi32>
    %reshape3A_748 = vector.shape_cast %get3A_747 : vector<256xi32> to vector<1x256xi32>
    %eq3A_749 = vector.broadcast %reshape3A_748 : vector<1x256xi32> to vector<50x256xi32>
    %eq3A_750 = arith.cmpi eq, %iota3A, %eq3A_749 : vector<50x256xi32>
    %convert_element_type3A_751 = arith.extui %eq3A_750 : vector<50x256xi1> to vector<50x256xi32>
    %convert_element_type3A_752 = arith.sitofp %convert_element_type3A_751 : vector<50x256xi32> to vector<50x256xf32>
    %slice3A_753 = vector.extract_strided_slice %logistic3A_6 {offsets = [0, 0], sizes = [50, 1], strides = [1, 1]} : vector<50x5xf32> to vector<50x1xf32>
    %mul3A_754 = vector.broadcast %slice3A_753 : vector<50x1xf32> to vector<50x256xf32>
    %mul3A_755 = arith.mulf %convert_element_type3A_752, %mul3A_754 : vector<50x256xf32>
    %reduce_sum3A_756 = arith.constant dense<0.000000e+00> : vector<256xf32>
    %reduce_sum3A_757 = vector.multi_reduction <add>, %mul3A_755, %reduce_sum3A_756 [0] : vector<50x256xf32> to vector<256xf32>
    %broadcast_in_dim3A_758 = vector.shape_cast %reduce_sum3A_757 : vector<256xf32> to vector<1x256xf32>
    %slice3A_759 = vector.extract_strided_slice %logistic3A_6 {offsets = [0, 1], sizes = [50, 1], strides = [1, 1]} : vector<50x5xf32> to vector<50x1xf32>
    %mul3A_760 = vector.broadcast %slice3A_759 : vector<50x1xf32> to vector<50x256xf32>
    %mul3A_761 = arith.mulf %convert_element_type3A_752, %mul3A_760 : vector<50x256xf32>
    %reduce_sum3A_762 = arith.constant dense<0.000000e+00> : vector<256xf32>
    %reduce_sum3A_763 = vector.multi_reduction <add>, %mul3A_761, %reduce_sum3A_762 [0] : vector<50x256xf32> to vector<256xf32>
    %broadcast_in_dim3A_764 = vector.shape_cast %reduce_sum3A_763 : vector<256xf32> to vector<1x256xf32>
    %slice3A_765 = vector.extract_strided_slice %logistic3A_6 {offsets = [0, 2], sizes = [50, 1], strides = [1, 1]} : vector<50x5xf32> to vector<50x1xf32>
    %mul3A_766 = vector.broadcast %slice3A_765 : vector<50x1xf32> to vector<50x256xf32>
    %mul3A_767 = arith.mulf %convert_element_type3A_752, %mul3A_766 : vector<50x256xf32>
    %reduce_sum3A_768 = arith.constant dense<0.000000e+00> : vector<256xf32>
    %reduce_sum3A_769 = vector.multi_reduction <add>, %mul3A_767, %reduce_sum3A_768 [0] : vector<50x256xf32> to vector<256xf32>
    %broadcast_in_dim3A_770 = vector.shape_cast %reduce_sum3A_769 : vector<256xf32> to vector<1x256xf32>
    %slice3A_771 = vector.extract_strided_slice %logistic3A_6 {offsets = [0, 3], sizes = [50, 1], strides = [1, 1]} : vector<50x5xf32> to vector<50x1xf32>
    %mul3A_772 = vector.broadcast %slice3A_771 : vector<50x1xf32> to vector<50x256xf32>
    %mul3A_773 = arith.mulf %convert_element_type3A_752, %mul3A_772 : vector<50x256xf32>
    %reduce_sum3A_774 = arith.constant dense<0.000000e+00> : vector<256xf32>
    %reduce_sum3A_775 = vector.multi_reduction <add>, %mul3A_773, %reduce_sum3A_774 [0] : vector<50x256xf32> to vector<256xf32>
    %broadcast_in_dim3A_776 = vector.shape_cast %reduce_sum3A_775 : vector<256xf32> to vector<1x256xf32>
    %get3A_777 = arith.constant 7 : index
    %get3A_778 = arith.constant 0 : index
    %get3A_779 = vector.load %arg2[%get3A_777, %get3A_778] : memref<20x256xf32, #tpu.memory_space<vmem>>, vector<1x256xf32>
    %mul3A_780 = arith.mulf %select_n3A_703, %convert_element_type3A_752 : vector<50x256xf32>
    %reduce_sum3A_781 = arith.constant dense<0.000000e+00> : vector<256xf32>
    %reduce_sum3A_782 = vector.multi_reduction <add>, %mul3A_780, %reduce_sum3A_781 [0] : vector<50x256xf32> to vector<256xf32>
    %broadcast_in_dim3A_783 = vector.shape_cast %reduce_sum3A_782 : vector<256xf32> to vector<1x256xf32>
    %gt3A_784 = arith.constant 5.000000e-01 : f32
    %gt3A_785 = vector.broadcast %gt3A_784 : f32 to vector<1x256xf32>
    %gt3A_786 = arith.cmpf ogt, %get3A_779, %gt3A_785 : vector<1x256xf32>
    %sub3A_787 = arith.constant 1.000000e+00 : f32
    %sub3A_788 = vector.broadcast %sub3A_787 : f32 to vector<1x256xf32>
    %sub3A_789 = arith.subf %sub3A_788, %broadcast_in_dim3A_770 : vector<1x256xf32>
    %select_n3A_790 = arith.select %gt3A_786, %broadcast_in_dim3A_770, %sub3A_789 : vector<1x256xi1>, vector<1x256xf32>
    %gt3A_791 = arith.constant 5.000000e-01 : f32
    %gt3A_792 = vector.broadcast %gt3A_791 : f32 to vector<1x256xf32>
    %gt3A_793 = arith.cmpf ogt, %get3A_779, %gt3A_792 : vector<1x256xf32>
    %sub3A_794 = arith.constant 1.000000e+00 : f32
    %sub3A_795 = vector.broadcast %sub3A_794 : f32 to vector<1x256xf32>
    %sub3A_796 = arith.subf %sub3A_795, %broadcast_in_dim3A_776 : vector<1x256xf32>
    %select_n3A_797 = arith.select %gt3A_793, %broadcast_in_dim3A_776, %sub3A_796 : vector<1x256xi1>, vector<1x256xf32>
    %mul3A_798 = arith.mulf %select_n3A_797, %broadcast_in_dim3A_783 : vector<1x256xf32>
    %sub3A_799 = arith.constant 1.000000e+00 : f32
    %sub3A_800 = vector.broadcast %sub3A_799 : f32 to vector<1x256xf32>
    %sub3A_801 = arith.subf %sub3A_800, %broadcast_in_dim3A_783 : vector<1x256xf32>
    %mul3A_802 = arith.mulf %select_n3A_790, %sub3A_801 : vector<1x256xf32>
    %mul3A_803 = arith.mulf %select_n3A_797, %broadcast_in_dim3A_783 : vector<1x256xf32>
    %add3A_804 = arith.addf %mul3A_802, %mul3A_803 : vector<1x256xf32>
    %div3A_805 = arith.divf %mul3A_798, %add3A_804 : vector<1x256xf32>
    %sub3A_806 = arith.constant 1.000000e+00 : f32
    %sub3A_807 = vector.broadcast %sub3A_806 : f32 to vector<1x256xf32>
    %sub3A_808 = arith.subf %sub3A_807, %div3A_805 : vector<1x256xf32>
    %mul3A_809 = arith.mulf %broadcast_in_dim3A_758, %sub3A_808 : vector<1x256xf32>
    %sub3A_810 = arith.constant 1.000000e+00 : f32
    %sub3A_811 = vector.broadcast %sub3A_810 : f32 to vector<1x256xf32>
    %sub3A_812 = arith.subf %sub3A_811, %broadcast_in_dim3A_764 : vector<1x256xf32>
    %mul3A_813 = arith.mulf %sub3A_812, %div3A_805 : vector<1x256xf32>
    %add3A_814 = arith.addf %mul3A_809, %mul3A_813 : vector<1x256xf32>
    %broadcast_in_dim3A_815 = vector.shape_cast %add3A_814 : vector<1x256xf32> to vector<1x256xf32>
    %broadcast_in_dim3A_816 = vector.broadcast %broadcast_in_dim3A_815 : vector<1x256xf32> to vector<50x256xf32>
    %select_n3A_817 = arith.select %eq3A_750, %broadcast_in_dim3A_816, %select_n3A_703 : vector<50x256xi1>, vector<50x256xf32>
    %mul3A_818 = arith.mulf %select_n3A_817, %convert_element_type3A_728 : vector<50x256xf32>
    %reduce_sum3A_819 = arith.constant dense<0.000000e+00> : vector<256xf32>
    %reduce_sum3A_820 = vector.multi_reduction <add>, %mul3A_818, %reduce_sum3A_819 [0] : vector<50x256xf32> to vector<256xf32>
    %broadcast_in_dim3A_821 = vector.shape_cast %reduce_sum3A_820 : vector<256xf32> to vector<1x256xf32>
    %sub3A_822 = arith.constant 1.000000e+00 : f32
    %sub3A_823 = vector.broadcast %sub3A_822 : f32 to vector<1x256xf32>
    %sub3A_824 = arith.subf %sub3A_823, %broadcast_in_dim3A_821 : vector<1x256xf32>
    %mul3A_825 = arith.mulf %broadcast_in_dim3A_734, %sub3A_824 : vector<1x256xf32>
    %mul3A_826 = arith.mulf %broadcast_in_dim3A_740, %broadcast_in_dim3A_821 : vector<1x256xf32>
    %add3A_827 = arith.addf %mul3A_825, %mul3A_826 : vector<1x256xf32>
    %swap3A_828 = arith.constant 7 : index
    %swap3A_829 = arith.constant 0 : index
    %swap3A_830 = vector.load %arg5[%swap3A_828, %swap3A_829] : memref<20x256xf32, #tpu.memory_space<vmem>>, vector<1x256xf32>
    tpu.vector_store %arg5[%swap3A_828, %swap3A_829], %add3A_827 {strides = array<i32>} : memref<20x256xf32, #tpu.memory_space<vmem>>, vector<1x256xf32>,
    %mul3A_831 = arith.constant 256 : i32
    %mul3A_832 = arith.muli %arg0, %mul3A_831 : i32
    %add3A_833 = arith.constant 17408 : i32
    %add3A_834 = arith.addi %add3A_833, %mul3A_832 : i32
    %multiple_of3A_835 = tpu.assume_multiple %add3A_834, 256 : i32
    %get3A_836 = arith.index_cast %multiple_of3A_835 : i32 to index
    %get3A_837 = vector.load %arg1[%get3A_836] : memref<40960xi32, #tpu.memory_space<vmem>>, vector<256xi32>
    %reshape3A_838 = vector.shape_cast %get3A_837 : vector<256xi32> to vector<1x256xi32>
    %eq3A_839 = vector.broadcast %reshape3A_838 : vector<1x256xi32> to vector<50x256xi32>
    %eq3A_840 = arith.cmpi eq, %iota3A, %eq3A_839 : vector<50x256xi32>
    %convert_element_type3A_841 = arith.extui %eq3A_840 : vector<50x256xi1> to vector<50x256xi32>
    %convert_element_type3A_842 = arith.sitofp %convert_element_type3A_841 : vector<50x256xi32> to vector<50x256xf32>
    %slice3A_843 = vector.extract_strided_slice %logistic3A_6 {offsets = [0, 2], sizes = [50, 1], strides = [1, 1]} : vector<50x5xf32> to vector<50x1xf32>
    %mul3A_844 = vector.broadcast %slice3A_843 : vector<50x1xf32> to vector<50x256xf32>
    %mul3A_845 = arith.mulf %convert_element_type3A_842, %mul3A_844 : vector<50x256xf32>
    %reduce_sum3A_846 = arith.constant dense<0.000000e+00> : vector<256xf32>
    %reduce_sum3A_847 = vector.multi_reduction <add>, %mul3A_845, %reduce_sum3A_846 [0] : vector<50x256xf32> to vector<256xf32>
    %broadcast_in_dim3A_848 = vector.shape_cast %reduce_sum3A_847 : vector<256xf32> to vector<1x256xf32>
    %slice3A_849 = vector.extract_strided_slice %logistic3A_6 {offsets = [0, 3], sizes = [50, 1], strides = [1, 1]} : vector<50x5xf32> to vector<50x1xf32>
    %mul3A_850 = vector.broadcast %slice3A_849 : vector<50x1xf32> to vector<50x256xf32>
    %mul3A_851 = arith.mulf %convert_element_type3A_842, %mul3A_850 : vector<50x256xf32>
    %reduce_sum3A_852 = arith.constant dense<0.000000e+00> : vector<256xf32>
    %reduce_sum3A_853 = vector.multi_reduction <add>, %mul3A_851, %reduce_sum3A_852 [0] : vector<50x256xf32> to vector<256xf32>
    %broadcast_in_dim3A_854 = vector.shape_cast %reduce_sum3A_853 : vector<256xf32> to vector<1x256xf32>
    %mul3A_855 = arith.constant 256 : i32
    %mul3A_856 = arith.muli %arg0, %mul3A_855 : i32
    %add3A_857 = arith.constant 16384 : i32
    %add3A_858 = arith.addi %add3A_857, %mul3A_856 : i32
    %multiple_of3A_859 = tpu.assume_multiple %add3A_858, 256 : i32
    %get3A_860 = arith.index_cast %multiple_of3A_859 : i32 to index
    %get3A_861 = vector.load %arg1[%get3A_860] : memref<40960xi32, #tpu.memory_space<vmem>>, vector<256xi32>
    %reshape3A_862 = vector.shape_cast %get3A_861 : vector<256xi32> to vector<1x256xi32>
    %eq3A_863 = vector.broadcast %reshape3A_862 : vector<1x256xi32> to vector<50x256xi32>
    %eq3A_864 = arith.cmpi eq, %iota3A, %eq3A_863 : vector<50x256xi32>
    %convert_element_type3A_865 = arith.extui %eq3A_864 : vector<50x256xi1> to vector<50x256xi32>
    %convert_element_type3A_866 = arith.sitofp %convert_element_type3A_865 : vector<50x256xi32> to vector<50x256xf32>
    %slice3A_867 = vector.extract_strided_slice %logistic3A_6 {offsets = [0, 0], sizes = [50, 1], strides = [1, 1]} : vector<50x5xf32> to vector<50x1xf32>
    %mul3A_868 = vector.broadcast %slice3A_867 : vector<50x1xf32> to vector<50x256xf32>
    %mul3A_869 = arith.mulf %convert_element_type3A_866, %mul3A_868 : vector<50x256xf32>
    %reduce_sum3A_870 = arith.constant dense<0.000000e+00> : vector<256xf32>
    %reduce_sum3A_871 = vector.multi_reduction <add>, %mul3A_869, %reduce_sum3A_870 [0] : vector<50x256xf32> to vector<256xf32>
    %broadcast_in_dim3A_872 = vector.shape_cast %reduce_sum3A_871 : vector<256xf32> to vector<1x256xf32>
    %slice3A_873 = vector.extract_strided_slice %logistic3A_6 {offsets = [0, 1], sizes = [50, 1], strides = [1, 1]} : vector<50x5xf32> to vector<50x1xf32>
    %mul3A_874 = vector.broadcast %slice3A_873 : vector<50x1xf32> to vector<50x256xf32>
    %mul3A_875 = arith.mulf %convert_element_type3A_866, %mul3A_874 : vector<50x256xf32>
    %reduce_sum3A_876 = arith.constant dense<0.000000e+00> : vector<256xf32>
    %reduce_sum3A_877 = vector.multi_reduction <add>, %mul3A_875, %reduce_sum3A_876 [0] : vector<50x256xf32> to vector<256xf32>
    %broadcast_in_dim3A_878 = vector.shape_cast %reduce_sum3A_877 : vector<256xf32> to vector<1x256xf32>
    %slice3A_879 = vector.extract_strided_slice %logistic3A_6 {offsets = [0, 2], sizes = [50, 1], strides = [1, 1]} : vector<50x5xf32> to vector<50x1xf32>
    %mul3A_880 = vector.broadcast %slice3A_879 : vector<50x1xf32> to vector<50x256xf32>
    %mul3A_881 = arith.mulf %convert_element_type3A_866, %mul3A_880 : vector<50x256xf32>
    %reduce_sum3A_882 = arith.constant dense<0.000000e+00> : vector<256xf32>
    %reduce_sum3A_883 = vector.multi_reduction <add>, %mul3A_881, %reduce_sum3A_882 [0] : vector<50x256xf32> to vector<256xf32>
    %broadcast_in_dim3A_884 = vector.shape_cast %reduce_sum3A_883 : vector<256xf32> to vector<1x256xf32>
    %slice3A_885 = vector.extract_strided_slice %logistic3A_6 {offsets = [0, 3], sizes = [50, 1], strides = [1, 1]} : vector<50x5xf32> to vector<50x1xf32>
    %mul3A_886 = vector.broadcast %slice3A_885 : vector<50x1xf32> to vector<50x256xf32>
    %mul3A_887 = arith.mulf %convert_element_type3A_866, %mul3A_886 : vector<50x256xf32>
    %reduce_sum3A_888 = arith.constant dense<0.000000e+00> : vector<256xf32>
    %reduce_sum3A_889 = vector.multi_reduction <add>, %mul3A_887, %reduce_sum3A_888 [0] : vector<50x256xf32> to vector<256xf32>
    %broadcast_in_dim3A_890 = vector.shape_cast %reduce_sum3A_889 : vector<256xf32> to vector<1x256xf32>
    %get3A_891 = arith.constant 8 : index
    %get3A_892 = arith.constant 0 : index
    %get3A_893 = vector.load %arg2[%get3A_891, %get3A_892] : memref<20x256xf32, #tpu.memory_space<vmem>>, vector<1x256xf32>
    %mul3A_894 = arith.mulf %select_n3A_817, %convert_element_type3A_866 : vector<50x256xf32>
    %reduce_sum3A_895 = arith.constant dense<0.000000e+00> : vector<256xf32>
    %reduce_sum3A_896 = vector.multi_reduction <add>, %mul3A_894, %reduce_sum3A_895 [0] : vector<50x256xf32> to vector<256xf32>
    %broadcast_in_dim3A_897 = vector.shape_cast %reduce_sum3A_896 : vector<256xf32> to vector<1x256xf32>
    %gt3A_898 = arith.constant 5.000000e-01 : f32
    %gt3A_899 = vector.broadcast %gt3A_898 : f32 to vector<1x256xf32>
    %gt3A_900 = arith.cmpf ogt, %get3A_893, %gt3A_899 : vector<1x256xf32>
    %sub3A_901 = arith.constant 1.000000e+00 : f32
    %sub3A_902 = vector.broadcast %sub3A_901 : f32 to vector<1x256xf32>
    %sub3A_903 = arith.subf %sub3A_902, %broadcast_in_dim3A_884 : vector<1x256xf32>
    %select_n3A_904 = arith.select %gt3A_900, %broadcast_in_dim3A_884, %sub3A_903 : vector<1x256xi1>, vector<1x256xf32>
    %gt3A_905 = arith.constant 5.000000e-01 : f32
    %gt3A_906 = vector.broadcast %gt3A_905 : f32 to vector<1x256xf32>
    %gt3A_907 = arith.cmpf ogt, %get3A_893, %gt3A_906 : vector<1x256xf32>
    %sub3A_908 = arith.constant 1.000000e+00 : f32
    %sub3A_909 = vector.broadcast %sub3A_908 : f32 to vector<1x256xf32>
    %sub3A_910 = arith.subf %sub3A_909, %broadcast_in_dim3A_890 : vector<1x256xf32>
    %select_n3A_911 = arith.select %gt3A_907, %broadcast_in_dim3A_890, %sub3A_910 : vector<1x256xi1>, vector<1x256xf32>
    %mul3A_912 = arith.mulf %select_n3A_911, %broadcast_in_dim3A_897 : vector<1x256xf32>
    %sub3A_913 = arith.constant 1.000000e+00 : f32
    %sub3A_914 = vector.broadcast %sub3A_913 : f32 to vector<1x256xf32>
    %sub3A_915 = arith.subf %sub3A_914, %broadcast_in_dim3A_897 : vector<1x256xf32>
    %mul3A_916 = arith.mulf %select_n3A_904, %sub3A_915 : vector<1x256xf32>
    %mul3A_917 = arith.mulf %select_n3A_911, %broadcast_in_dim3A_897 : vector<1x256xf32>
    %add3A_918 = arith.addf %mul3A_916, %mul3A_917 : vector<1x256xf32>
    %div3A_919 = arith.divf %mul3A_912, %add3A_918 : vector<1x256xf32>
    %sub3A_920 = arith.constant 1.000000e+00 : f32
    %sub3A_921 = vector.broadcast %sub3A_920 : f32 to vector<1x256xf32>
    %sub3A_922 = arith.subf %sub3A_921, %div3A_919 : vector<1x256xf32>
    %mul3A_923 = arith.mulf %broadcast_in_dim3A_872, %sub3A_922 : vector<1x256xf32>
    %sub3A_924 = arith.constant 1.000000e+00 : f32
    %sub3A_925 = vector.broadcast %sub3A_924 : f32 to vector<1x256xf32>
    %sub3A_926 = arith.subf %sub3A_925, %broadcast_in_dim3A_878 : vector<1x256xf32>
    %mul3A_927 = arith.mulf %sub3A_926, %div3A_919 : vector<1x256xf32>
    %add3A_928 = arith.addf %mul3A_923, %mul3A_927 : vector<1x256xf32>
    %broadcast_in_dim3A_929 = vector.shape_cast %add3A_928 : vector<1x256xf32> to vector<1x256xf32>
    %broadcast_in_dim3A_930 = vector.broadcast %broadcast_in_dim3A_929 : vector<1x256xf32> to vector<50x256xf32>
    %select_n3A_931 = arith.select %eq3A_864, %broadcast_in_dim3A_930, %select_n3A_817 : vector<50x256xi1>, vector<50x256xf32>
    %mul3A_932 = arith.mulf %select_n3A_931, %convert_element_type3A_842 : vector<50x256xf32>
    %reduce_sum3A_933 = arith.constant dense<0.000000e+00> : vector<256xf32>
    %reduce_sum3A_934 = vector.multi_reduction <add>, %mul3A_932, %reduce_sum3A_933 [0] : vector<50x256xf32> to vector<256xf32>
    %broadcast_in_dim3A_935 = vector.shape_cast %reduce_sum3A_934 : vector<256xf32> to vector<1x256xf32>
    %sub3A_936 = arith.constant 1.000000e+00 : f32
    %sub3A_937 = vector.broadcast %sub3A_936 : f32 to vector<1x256xf32>
    %sub3A_938 = arith.subf %sub3A_937, %broadcast_in_dim3A_935 : vector<1x256xf32>
    %mul3A_939 = arith.mulf %broadcast_in_dim3A_848, %sub3A_938 : vector<1x256xf32>
    %mul3A_940 = arith.mulf %broadcast_in_dim3A_854, %broadcast_in_dim3A_935 : vector<1x256xf32>
    %add3A_941 = arith.addf %mul3A_939, %mul3A_940 : vector<1x256xf32>
    %swap3A_942 = arith.constant 8 : index
    %swap3A_943 = arith.constant 0 : index
    %swap3A_944 = vector.load %arg5[%swap3A_942, %swap3A_943] : memref<20x256xf32, #tpu.memory_space<vmem>>, vector<1x256xf32>
    tpu.vector_store %arg5[%swap3A_942, %swap3A_943], %add3A_941 {strides = array<i32>} : memref<20x256xf32, #tpu.memory_space<vmem>>, vector<1x256xf32>,
    %mul3A_945 = arith.constant 256 : i32
    %mul3A_946 = arith.muli %arg0, %mul3A_945 : i32
    %add3A_947 = arith.constant 19456 : i32
    %add3A_948 = arith.addi %add3A_947, %mul3A_946 : i32
    %multiple_of3A_949 = tpu.assume_multiple %add3A_948, 256 : i32
    %get3A_950 = arith.index_cast %multiple_of3A_949 : i32 to index
    %get3A_951 = vector.load %arg1[%get3A_950] : memref<40960xi32, #tpu.memory_space<vmem>>, vector<256xi32>
    %reshape3A_952 = vector.shape_cast %get3A_951 : vector<256xi32> to vector<1x256xi32>
    %eq3A_953 = vector.broadcast %reshape3A_952 : vector<1x256xi32> to vector<50x256xi32>
    %eq3A_954 = arith.cmpi eq, %iota3A, %eq3A_953 : vector<50x256xi32>
    %convert_element_type3A_955 = arith.extui %eq3A_954 : vector<50x256xi1> to vector<50x256xi32>
    %convert_element_type3A_956 = arith.sitofp %convert_element_type3A_955 : vector<50x256xi32> to vector<50x256xf32>
    %slice3A_957 = vector.extract_strided_slice %logistic3A_6 {offsets = [0, 2], sizes = [50, 1], strides = [1, 1]} : vector<50x5xf32> to vector<50x1xf32>
    %mul3A_958 = vector.broadcast %slice3A_957 : vector<50x1xf32> to vector<50x256xf32>
    %mul3A_959 = arith.mulf %convert_element_type3A_956, %mul3A_958 : vector<50x256xf32>
    %reduce_sum3A_960 = arith.constant dense<0.000000e+00> : vector<256xf32>
    %reduce_sum3A_961 = vector.multi_reduction <add>, %mul3A_959, %reduce_sum3A_960 [0] : vector<50x256xf32> to vector<256xf32>
    %broadcast_in_dim3A_962 = vector.shape_cast %reduce_sum3A_961 : vector<256xf32> to vector<1x256xf32>
    %slice3A_963 = vector.extract_strided_slice %logistic3A_6 {offsets = [0, 3], sizes = [50, 1], strides = [1, 1]} : vector<50x5xf32> to vector<50x1xf32>
    %mul3A_964 = vector.broadcast %slice3A_963 : vector<50x1xf32> to vector<50x256xf32>
    %mul3A_965 = arith.mulf %convert_element_type3A_956, %mul3A_964 : vector<50x256xf32>
    %reduce_sum3A_966 = arith.constant dense<0.000000e+00> : vector<256xf32>
    %reduce_sum3A_967 = vector.multi_reduction <add>, %mul3A_965, %reduce_sum3A_966 [0] : vector<50x256xf32> to vector<256xf32>
    %broadcast_in_dim3A_968 = vector.shape_cast %reduce_sum3A_967 : vector<256xf32> to vector<1x256xf32>
    %mul3A_969 = arith.constant 256 : i32
    %mul3A_970 = arith.muli %arg0, %mul3A_969 : i32
    %add3A_971 = arith.constant 18432 : i32
    %add3A_972 = arith.addi %add3A_971, %mul3A_970 : i32
    %multiple_of3A_973 = tpu.assume_multiple %add3A_972, 256 : i32
    %get3A_974 = arith.index_cast %multiple_of3A_973 : i32 to index
    %get3A_975 = vector.load %arg1[%get3A_974] : memref<40960xi32, #tpu.memory_space<vmem>>, vector<256xi32>
    %reshape3A_976 = vector.shape_cast %get3A_975 : vector<256xi32> to vector<1x256xi32>
    %eq3A_977 = vector.broadcast %reshape3A_976 : vector<1x256xi32> to vector<50x256xi32>
    %eq3A_978 = arith.cmpi eq, %iota3A, %eq3A_977 : vector<50x256xi32>
    %convert_element_type3A_979 = arith.extui %eq3A_978 : vector<50x256xi1> to vector<50x256xi32>
    %convert_element_type3A_980 = arith.sitofp %convert_element_type3A_979 : vector<50x256xi32> to vector<50x256xf32>
    %slice3A_981 = vector.extract_strided_slice %logistic3A_6 {offsets = [0, 0], sizes = [50, 1], strides = [1, 1]} : vector<50x5xf32> to vector<50x1xf32>
    %mul3A_982 = vector.broadcast %slice3A_981 : vector<50x1xf32> to vector<50x256xf32>
    %mul3A_983 = arith.mulf %convert_element_type3A_980, %mul3A_982 : vector<50x256xf32>
    %reduce_sum3A_984 = arith.constant dense<0.000000e+00> : vector<256xf32>
    %reduce_sum3A_985 = vector.multi_reduction <add>, %mul3A_983, %reduce_sum3A_984 [0] : vector<50x256xf32> to vector<256xf32>
    %broadcast_in_dim3A_986 = vector.shape_cast %reduce_sum3A_985 : vector<256xf32> to vector<1x256xf32>
    %slice3A_987 = vector.extract_strided_slice %logistic3A_6 {offsets = [0, 1], sizes = [50, 1], strides = [1, 1]} : vector<50x5xf32> to vector<50x1xf32>
    %mul3A_988 = vector.broadcast %slice3A_987 : vector<50x1xf32> to vector<50x256xf32>
    %mul3A_989 = arith.mulf %convert_element_type3A_980, %mul3A_988 : vector<50x256xf32>
    %reduce_sum3A_990 = arith.constant dense<0.000000e+00> : vector<256xf32>
    %reduce_sum3A_991 = vector.multi_reduction <add>, %mul3A_989, %reduce_sum3A_990 [0] : vector<50x256xf32> to vector<256xf32>
    %broadcast_in_dim3A_992 = vector.shape_cast %reduce_sum3A_991 : vector<256xf32> to vector<1x256xf32>
    %slice3A_993 = vector.extract_strided_slice %logistic3A_6 {offsets = [0, 2], sizes = [50, 1], strides = [1, 1]} : vector<50x5xf32> to vector<50x1xf32>
    %mul3A_994 = vector.broadcast %slice3A_993 : vector<50x1xf32> to vector<50x256xf32>
    %mul3A_995 = arith.mulf %convert_element_type3A_980, %mul3A_994 : vector<50x256xf32>
    %reduce_sum3A_996 = arith.constant dense<0.000000e+00> : vector<256xf32>
    %reduce_sum3A_997 = vector.multi_reduction <add>, %mul3A_995, %reduce_sum3A_996 [0] : vector<50x256xf32> to vector<256xf32>
    %broadcast_in_dim3A_998 = vector.shape_cast %reduce_sum3A_997 : vector<256xf32> to vector<1x256xf32>
    %slice3A_999 = vector.extract_strided_slice %logistic3A_6 {offsets = [0, 3], sizes = [50, 1], strides = [1, 1]} : vector<50x5xf32> to vector<50x1xf32>
    %mul3A_1000 = vector.broadcast %slice3A_999 : vector<50x1xf32> to vector<50x256xf32>
    %mul3A_1001 = arith.mulf %convert_element_type3A_980, %mul3A_1000 : vector<50x256xf32>
    %reduce_sum3A_1002 = arith.constant dense<0.000000e+00> : vector<256xf32>
    %reduce_sum3A_1003 = vector.multi_reduction <add>, %mul3A_1001, %reduce_sum3A_1002 [0] : vector<50x256xf32> to vector<256xf32>
    %broadcast_in_dim3A_1004 = vector.shape_cast %reduce_sum3A_1003 : vector<256xf32> to vector<1x256xf32>
    %get3A_1005 = arith.constant 9 : index
    %get3A_1006 = arith.constant 0 : index
    %get3A_1007 = vector.load %arg2[%get3A_1005, %get3A_1006] : memref<20x256xf32, #tpu.memory_space<vmem>>, vector<1x256xf32>
    %mul3A_1008 = arith.mulf %select_n3A_931, %convert_element_type3A_980 : vector<50x256xf32>
    %reduce_sum3A_1009 = arith.constant dense<0.000000e+00> : vector<256xf32>
    %reduce_sum3A_1010 = vector.multi_reduction <add>, %mul3A_1008, %reduce_sum3A_1009 [0] : vector<50x256xf32> to vector<256xf32>
    %broadcast_in_dim3A_1011 = vector.shape_cast %reduce_sum3A_1010 : vector<256xf32> to vector<1x256xf32>
    %gt3A_1012 = arith.constant 5.000000e-01 : f32
    %gt3A_1013 = vector.broadcast %gt3A_1012 : f32 to vector<1x256xf32>
    %gt3A_1014 = arith.cmpf ogt, %get3A_1007, %gt3A_1013 : vector<1x256xf32>
    %sub3A_1015 = arith.constant 1.000000e+00 : f32
    %sub3A_1016 = vector.broadcast %sub3A_1015 : f32 to vector<1x256xf32>
    %sub3A_1017 = arith.subf %sub3A_1016, %broadcast_in_dim3A_998 : vector<1x256xf32>
    %select_n3A_1018 = arith.select %gt3A_1014, %broadcast_in_dim3A_998, %sub3A_1017 : vector<1x256xi1>, vector<1x256xf32>
    %gt3A_1019 = arith.constant 5.000000e-01 : f32
    %gt3A_1020 = vector.broadcast %gt3A_1019 : f32 to vector<1x256xf32>
    %gt3A_1021 = arith.cmpf ogt, %get3A_1007, %gt3A_1020 : vector<1x256xf32>
    %sub3A_1022 = arith.constant 1.000000e+00 : f32
    %sub3A_1023 = vector.broadcast %sub3A_1022 : f32 to vector<1x256xf32>
    %sub3A_1024 = arith.subf %sub3A_1023, %broadcast_in_dim3A_1004 : vector<1x256xf32>
    %select_n3A_1025 = arith.select %gt3A_1021, %broadcast_in_dim3A_1004, %sub3A_1024 : vector<1x256xi1>, vector<1x256xf32>
    %mul3A_1026 = arith.mulf %select_n3A_1025, %broadcast_in_dim3A_1011 : vector<1x256xf32>
    %sub3A_1027 = arith.constant 1.000000e+00 : f32
    %sub3A_1028 = vector.broadcast %sub3A_1027 : f32 to vector<1x256xf32>
    %sub3A_1029 = arith.subf %sub3A_1028, %broadcast_in_dim3A_1011 : vector<1x256xf32>
    %mul3A_1030 = arith.mulf %select_n3A_1018, %sub3A_1029 : vector<1x256xf32>
    %mul3A_1031 = arith.mulf %select_n3A_1025, %broadcast_in_dim3A_1011 : vector<1x256xf32>
    %add3A_1032 = arith.addf %mul3A_1030, %mul3A_1031 : vector<1x256xf32>
    %div3A_1033 = arith.divf %mul3A_1026, %add3A_1032 : vector<1x256xf32>
    %sub3A_1034 = arith.constant 1.000000e+00 : f32
    %sub3A_1035 = vector.broadcast %sub3A_1034 : f32 to vector<1x256xf32>
    %sub3A_1036 = arith.subf %sub3A_1035, %div3A_1033 : vector<1x256xf32>
    %mul3A_1037 = arith.mulf %broadcast_in_dim3A_986, %sub3A_1036 : vector<1x256xf32>
    %sub3A_1038 = arith.constant 1.000000e+00 : f32
    %sub3A_1039 = vector.broadcast %sub3A_1038 : f32 to vector<1x256xf32>
    %sub3A_1040 = arith.subf %sub3A_1039, %broadcast_in_dim3A_992 : vector<1x256xf32>
    %mul3A_1041 = arith.mulf %sub3A_1040, %div3A_1033 : vector<1x256xf32>
    %add3A_1042 = arith.addf %mul3A_1037, %mul3A_1041 : vector<1x256xf32>
    %broadcast_in_dim3A_1043 = vector.shape_cast %add3A_1042 : vector<1x256xf32> to vector<1x256xf32>
    %broadcast_in_dim3A_1044 = vector.broadcast %broadcast_in_dim3A_1043 : vector<1x256xf32> to vector<50x256xf32>
    %select_n3A_1045 = arith.select %eq3A_978, %broadcast_in_dim3A_1044, %select_n3A_931 : vector<50x256xi1>, vector<50x256xf32>
    %mul3A_1046 = arith.mulf %select_n3A_1045, %convert_element_type3A_956 : vector<50x256xf32>
    %reduce_sum3A_1047 = arith.constant dense<0.000000e+00> : vector<256xf32>
    %reduce_sum3A_1048 = vector.multi_reduction <add>, %mul3A_1046, %reduce_sum3A_1047 [0] : vector<50x256xf32> to vector<256xf32>
    %broadcast_in_dim3A_1049 = vector.shape_cast %reduce_sum3A_1048 : vector<256xf32> to vector<1x256xf32>
    %sub3A_1050 = arith.constant 1.000000e+00 : f32
    %sub3A_1051 = vector.broadcast %sub3A_1050 : f32 to vector<1x256xf32>
    %sub3A_1052 = arith.subf %sub3A_1051, %broadcast_in_dim3A_1049 : vector<1x256xf32>
    %mul3A_1053 = arith.mulf %broadcast_in_dim3A_962, %sub3A_1052 : vector<1x256xf32>
    %mul3A_1054 = arith.mulf %broadcast_in_dim3A_968, %broadcast_in_dim3A_1049 : vector<1x256xf32>
    %add3A_1055 = arith.addf %mul3A_1053, %mul3A_1054 : vector<1x256xf32>
    %swap3A_1056 = arith.constant 9 : index
    %swap3A_1057 = arith.constant 0 : index
    %swap3A_1058 = vector.load %arg5[%swap3A_1056, %swap3A_1057] : memref<20x256xf32, #tpu.memory_space<vmem>>, vector<1x256xf32>
    tpu.vector_store %arg5[%swap3A_1056, %swap3A_1057], %add3A_1055 {strides = array<i32>} : memref<20x256xf32, #tpu.memory_space<vmem>>, vector<1x256xf32>,
    %mul3A_1059 = arith.constant 256 : i32
    %mul3A_1060 = arith.muli %arg0, %mul3A_1059 : i32
    %add3A_1061 = arith.constant 21504 : i32
    %add3A_1062 = arith.addi %add3A_1061, %mul3A_1060 : i32
    %multiple_of3A_1063 = tpu.assume_multiple %add3A_1062, 256 : i32
    %get3A_1064 = arith.index_cast %multiple_of3A_1063 : i32 to index
    %get3A_1065 = vector.load %arg1[%get3A_1064] : memref<40960xi32, #tpu.memory_space<vmem>>, vector<256xi32>
    %reshape3A_1066 = vector.shape_cast %get3A_1065 : vector<256xi32> to vector<1x256xi32>
    %eq3A_1067 = vector.broadcast %reshape3A_1066 : vector<1x256xi32> to vector<50x256xi32>
    %eq3A_1068 = arith.cmpi eq, %iota3A, %eq3A_1067 : vector<50x256xi32>
    %convert_element_type3A_1069 = arith.extui %eq3A_1068 : vector<50x256xi1> to vector<50x256xi32>
    %convert_element_type3A_1070 = arith.sitofp %convert_element_type3A_1069 : vector<50x256xi32> to vector<50x256xf32>
    %slice3A_1071 = vector.extract_strided_slice %logistic3A_6 {offsets = [0, 2], sizes = [50, 1], strides = [1, 1]} : vector<50x5xf32> to vector<50x1xf32>
    %mul3A_1072 = vector.broadcast %slice3A_1071 : vector<50x1xf32> to vector<50x256xf32>
    %mul3A_1073 = arith.mulf %convert_element_type3A_1070, %mul3A_1072 : vector<50x256xf32>
    %reduce_sum3A_1074 = arith.constant dense<0.000000e+00> : vector<256xf32>
    %reduce_sum3A_1075 = vector.multi_reduction <add>, %mul3A_1073, %reduce_sum3A_1074 [0] : vector<50x256xf32> to vector<256xf32>
    %broadcast_in_dim3A_1076 = vector.shape_cast %reduce_sum3A_1075 : vector<256xf32> to vector<1x256xf32>
    %slice3A_1077 = vector.extract_strided_slice %logistic3A_6 {offsets = [0, 3], sizes = [50, 1], strides = [1, 1]} : vector<50x5xf32> to vector<50x1xf32>
    %mul3A_1078 = vector.broadcast %slice3A_1077 : vector<50x1xf32> to vector<50x256xf32>
    %mul3A_1079 = arith.mulf %convert_element_type3A_1070, %mul3A_1078 : vector<50x256xf32>
    %reduce_sum3A_1080 = arith.constant dense<0.000000e+00> : vector<256xf32>
    %reduce_sum3A_1081 = vector.multi_reduction <add>, %mul3A_1079, %reduce_sum3A_1080 [0] : vector<50x256xf32> to vector<256xf32>
    %broadcast_in_dim3A_1082 = vector.shape_cast %reduce_sum3A_1081 : vector<256xf32> to vector<1x256xf32>
    %mul3A_1083 = arith.constant 256 : i32
    %mul3A_1084 = arith.muli %arg0, %mul3A_1083 : i32
    %add3A_1085 = arith.constant 20480 : i32
    %add3A_1086 = arith.addi %add3A_1085, %mul3A_1084 : i32
    %multiple_of3A_1087 = tpu.assume_multiple %add3A_1086, 256 : i32
    %get3A_1088 = arith.index_cast %multiple_of3A_1087 : i32 to index
    %get3A_1089 = vector.load %arg1[%get3A_1088] : memref<40960xi32, #tpu.memory_space<vmem>>, vector<256xi32>
    %reshape3A_1090 = vector.shape_cast %get3A_1089 : vector<256xi32> to vector<1x256xi32>
    %eq3A_1091 = vector.broadcast %reshape3A_1090 : vector<1x256xi32> to vector<50x256xi32>
    %eq3A_1092 = arith.cmpi eq, %iota3A, %eq3A_1091 : vector<50x256xi32>
    %convert_element_type3A_1093 = arith.extui %eq3A_1092 : vector<50x256xi1> to vector<50x256xi32>
    %convert_element_type3A_1094 = arith.sitofp %convert_element_type3A_1093 : vector<50x256xi32> to vector<50x256xf32>
    %slice3A_1095 = vector.extract_strided_slice %logistic3A_6 {offsets = [0, 0], sizes = [50, 1], strides = [1, 1]} : vector<50x5xf32> to vector<50x1xf32>
    %mul3A_1096 = vector.broadcast %slice3A_1095 : vector<50x1xf32> to vector<50x256xf32>
    %mul3A_1097 = arith.mulf %convert_element_type3A_1094, %mul3A_1096 : vector<50x256xf32>
    %reduce_sum3A_1098 = arith.constant dense<0.000000e+00> : vector<256xf32>
    %reduce_sum3A_1099 = vector.multi_reduction <add>, %mul3A_1097, %reduce_sum3A_1098 [0] : vector<50x256xf32> to vector<256xf32>
    %broadcast_in_dim3A_1100 = vector.shape_cast %reduce_sum3A_1099 : vector<256xf32> to vector<1x256xf32>
    %slice3A_1101 = vector.extract_strided_slice %logistic3A_6 {offsets = [0, 1], sizes = [50, 1], strides = [1, 1]} : vector<50x5xf32> to vector<50x1xf32>
    %mul3A_1102 = vector.broadcast %slice3A_1101 : vector<50x1xf32> to vector<50x256xf32>
    %mul3A_1103 = arith.mulf %convert_element_type3A_1094, %mul3A_1102 : vector<50x256xf32>
    %reduce_sum3A_1104 = arith.constant dense<0.000000e+00> : vector<256xf32>
    %reduce_sum3A_1105 = vector.multi_reduction <add>, %mul3A_1103, %reduce_sum3A_1104 [0] : vector<50x256xf32> to vector<256xf32>
    %broadcast_in_dim3A_1106 = vector.shape_cast %reduce_sum3A_1105 : vector<256xf32> to vector<1x256xf32>
    %slice3A_1107 = vector.extract_strided_slice %logistic3A_6 {offsets = [0, 2], sizes = [50, 1], strides = [1, 1]} : vector<50x5xf32> to vector<50x1xf32>
    %mul3A_1108 = vector.broadcast %slice3A_1107 : vector<50x1xf32> to vector<50x256xf32>
    %mul3A_1109 = arith.mulf %convert_element_type3A_1094, %mul3A_1108 : vector<50x256xf32>
    %reduce_sum3A_1110 = arith.constant dense<0.000000e+00> : vector<256xf32>
    %reduce_sum3A_1111 = vector.multi_reduction <add>, %mul3A_1109, %reduce_sum3A_1110 [0] : vector<50x256xf32> to vector<256xf32>
    %broadcast_in_dim3A_1112 = vector.shape_cast %reduce_sum3A_1111 : vector<256xf32> to vector<1x256xf32>
    %slice3A_1113 = vector.extract_strided_slice %logistic3A_6 {offsets = [0, 3], sizes = [50, 1], strides = [1, 1]} : vector<50x5xf32> to vector<50x1xf32>
    %mul3A_1114 = vector.broadcast %slice3A_1113 : vector<50x1xf32> to vector<50x256xf32>
    %mul3A_1115 = arith.mulf %convert_element_type3A_1094, %mul3A_1114 : vector<50x256xf32>
    %reduce_sum3A_1116 = arith.constant dense<0.000000e+00> : vector<256xf32>
    %reduce_sum3A_1117 = vector.multi_reduction <add>, %mul3A_1115, %reduce_sum3A_1116 [0] : vector<50x256xf32> to vector<256xf32>
    %broadcast_in_dim3A_1118 = vector.shape_cast %reduce_sum3A_1117 : vector<256xf32> to vector<1x256xf32>
    %get3A_1119 = arith.constant 10 : index
    %get3A_1120 = arith.constant 0 : index
    %get3A_1121 = vector.load %arg2[%get3A_1119, %get3A_1120] : memref<20x256xf32, #tpu.memory_space<vmem>>, vector<1x256xf32>
    %mul3A_1122 = arith.mulf %select_n3A_1045, %convert_element_type3A_1094 : vector<50x256xf32>
    %reduce_sum3A_1123 = arith.constant dense<0.000000e+00> : vector<256xf32>
    %reduce_sum3A_1124 = vector.multi_reduction <add>, %mul3A_1122, %reduce_sum3A_1123 [0] : vector<50x256xf32> to vector<256xf32>
    %broadcast_in_dim3A_1125 = vector.shape_cast %reduce_sum3A_1124 : vector<256xf32> to vector<1x256xf32>
    %gt3A_1126 = arith.constant 5.000000e-01 : f32
    %gt3A_1127 = vector.broadcast %gt3A_1126 : f32 to vector<1x256xf32>
    %gt3A_1128 = arith.cmpf ogt, %get3A_1121, %gt3A_1127 : vector<1x256xf32>
    %sub3A_1129 = arith.constant 1.000000e+00 : f32
    %sub3A_1130 = vector.broadcast %sub3A_1129 : f32 to vector<1x256xf32>
    %sub3A_1131 = arith.subf %sub3A_1130, %broadcast_in_dim3A_1112 : vector<1x256xf32>
    %select_n3A_1132 = arith.select %gt3A_1128, %broadcast_in_dim3A_1112, %sub3A_1131 : vector<1x256xi1>, vector<1x256xf32>
    %gt3A_1133 = arith.constant 5.000000e-01 : f32
    %gt3A_1134 = vector.broadcast %gt3A_1133 : f32 to vector<1x256xf32>
    %gt3A_1135 = arith.cmpf ogt, %get3A_1121, %gt3A_1134 : vector<1x256xf32>
    %sub3A_1136 = arith.constant 1.000000e+00 : f32
    %sub3A_1137 = vector.broadcast %sub3A_1136 : f32 to vector<1x256xf32>
    %sub3A_1138 = arith.subf %sub3A_1137, %broadcast_in_dim3A_1118 : vector<1x256xf32>
    %select_n3A_1139 = arith.select %gt3A_1135, %broadcast_in_dim3A_1118, %sub3A_1138 : vector<1x256xi1>, vector<1x256xf32>
    %mul3A_1140 = arith.mulf %select_n3A_1139, %broadcast_in_dim3A_1125 : vector<1x256xf32>
    %sub3A_1141 = arith.constant 1.000000e+00 : f32
    %sub3A_1142 = vector.broadcast %sub3A_1141 : f32 to vector<1x256xf32>
    %sub3A_1143 = arith.subf %sub3A_1142, %broadcast_in_dim3A_1125 : vector<1x256xf32>
    %mul3A_1144 = arith.mulf %select_n3A_1132, %sub3A_1143 : vector<1x256xf32>
    %mul3A_1145 = arith.mulf %select_n3A_1139, %broadcast_in_dim3A_1125 : vector<1x256xf32>
    %add3A_1146 = arith.addf %mul3A_1144, %mul3A_1145 : vector<1x256xf32>
    %div3A_1147 = arith.divf %mul3A_1140, %add3A_1146 : vector<1x256xf32>
    %sub3A_1148 = arith.constant 1.000000e+00 : f32
    %sub3A_1149 = vector.broadcast %sub3A_1148 : f32 to vector<1x256xf32>
    %sub3A_1150 = arith.subf %sub3A_1149, %div3A_1147 : vector<1x256xf32>
    %mul3A_1151 = arith.mulf %broadcast_in_dim3A_1100, %sub3A_1150 : vector<1x256xf32>
    %sub3A_1152 = arith.constant 1.000000e+00 : f32
    %sub3A_1153 = vector.broadcast %sub3A_1152 : f32 to vector<1x256xf32>
    %sub3A_1154 = arith.subf %sub3A_1153, %broadcast_in_dim3A_1106 : vector<1x256xf32>
    %mul3A_1155 = arith.mulf %sub3A_1154, %div3A_1147 : vector<1x256xf32>
    %add3A_1156 = arith.addf %mul3A_1151, %mul3A_1155 : vector<1x256xf32>
    %broadcast_in_dim3A_1157 = vector.shape_cast %add3A_1156 : vector<1x256xf32> to vector<1x256xf32>
    %broadcast_in_dim3A_1158 = vector.broadcast %broadcast_in_dim3A_1157 : vector<1x256xf32> to vector<50x256xf32>
    %select_n3A_1159 = arith.select %eq3A_1092, %broadcast_in_dim3A_1158, %select_n3A_1045 : vector<50x256xi1>, vector<50x256xf32>
    %mul3A_1160 = arith.mulf %select_n3A_1159, %convert_element_type3A_1070 : vector<50x256xf32>
    %reduce_sum3A_1161 = arith.constant dense<0.000000e+00> : vector<256xf32>
    %reduce_sum3A_1162 = vector.multi_reduction <add>, %mul3A_1160, %reduce_sum3A_1161 [0] : vector<50x256xf32> to vector<256xf32>
    %broadcast_in_dim3A_1163 = vector.shape_cast %reduce_sum3A_1162 : vector<256xf32> to vector<1x256xf32>
    %sub3A_1164 = arith.constant 1.000000e+00 : f32
    %sub3A_1165 = vector.broadcast %sub3A_1164 : f32 to vector<1x256xf32>
    %sub3A_1166 = arith.subf %sub3A_1165, %broadcast_in_dim3A_1163 : vector<1x256xf32>
    %mul3A_1167 = arith.mulf %broadcast_in_dim3A_1076, %sub3A_1166 : vector<1x256xf32>
    %mul3A_1168 = arith.mulf %broadcast_in_dim3A_1082, %broadcast_in_dim3A_1163 : vector<1x256xf32>
    %add3A_1169 = arith.addf %mul3A_1167, %mul3A_1168 : vector<1x256xf32>
    %swap3A_1170 = arith.constant 10 : index
    %swap3A_1171 = arith.constant 0 : index
    %swap3A_1172 = vector.load %arg5[%swap3A_1170, %swap3A_1171] : memref<20x256xf32, #tpu.memory_space<vmem>>, vector<1x256xf32>
    tpu.vector_store %arg5[%swap3A_1170, %swap3A_1171], %add3A_1169 {strides = array<i32>} : memref<20x256xf32, #tpu.memory_space<vmem>>, vector<1x256xf32>,
    %mul3A_1173 = arith.constant 256 : i32
    %mul3A_1174 = arith.muli %arg0, %mul3A_1173 : i32
    %add3A_1175 = arith.constant 23552 : i32
    %add3A_1176 = arith.addi %add3A_1175, %mul3A_1174 : i32
    %multiple_of3A_1177 = tpu.assume_multiple %add3A_1176, 256 : i32
    %get3A_1178 = arith.index_cast %multiple_of3A_1177 : i32 to index
    %get3A_1179 = vector.load %arg1[%get3A_1178] : memref<40960xi32, #tpu.memory_space<vmem>>, vector<256xi32>
    %reshape3A_1180 = vector.shape_cast %get3A_1179 : vector<256xi32> to vector<1x256xi32>
    %eq3A_1181 = vector.broadcast %reshape3A_1180 : vector<1x256xi32> to vector<50x256xi32>
    %eq3A_1182 = arith.cmpi eq, %iota3A, %eq3A_1181 : vector<50x256xi32>
    %convert_element_type3A_1183 = arith.extui %eq3A_1182 : vector<50x256xi1> to vector<50x256xi32>
    %convert_element_type3A_1184 = arith.sitofp %convert_element_type3A_1183 : vector<50x256xi32> to vector<50x256xf32>
    %slice3A_1185 = vector.extract_strided_slice %logistic3A_6 {offsets = [0, 2], sizes = [50, 1], strides = [1, 1]} : vector<50x5xf32> to vector<50x1xf32>
    %mul3A_1186 = vector.broadcast %slice3A_1185 : vector<50x1xf32> to vector<50x256xf32>
    %mul3A_1187 = arith.mulf %convert_element_type3A_1184, %mul3A_1186 : vector<50x256xf32>
    %reduce_sum3A_1188 = arith.constant dense<0.000000e+00> : vector<256xf32>
    %reduce_sum3A_1189 = vector.multi_reduction <add>, %mul3A_1187, %reduce_sum3A_1188 [0] : vector<50x256xf32> to vector<256xf32>
    %broadcast_in_dim3A_1190 = vector.shape_cast %reduce_sum3A_1189 : vector<256xf32> to vector<1x256xf32>
    %slice3A_1191 = vector.extract_strided_slice %logistic3A_6 {offsets = [0, 3], sizes = [50, 1], strides = [1, 1]} : vector<50x5xf32> to vector<50x1xf32>
    %mul3A_1192 = vector.broadcast %slice3A_1191 : vector<50x1xf32> to vector<50x256xf32>
    %mul3A_1193 = arith.mulf %convert_element_type3A_1184, %mul3A_1192 : vector<50x256xf32>
    %reduce_sum3A_1194 = arith.constant dense<0.000000e+00> : vector<256xf32>
    %reduce_sum3A_1195 = vector.multi_reduction <add>, %mul3A_1193, %reduce_sum3A_1194 [0] : vector<50x256xf32> to vector<256xf32>
    %broadcast_in_dim3A_1196 = vector.shape_cast %reduce_sum3A_1195 : vector<256xf32> to vector<1x256xf32>
    %mul3A_1197 = arith.constant 256 : i32
    %mul3A_1198 = arith.muli %arg0, %mul3A_1197 : i32
    %add3A_1199 = arith.constant 22528 : i32
    %add3A_1200 = arith.addi %add3A_1199, %mul3A_1198 : i32
    %multiple_of3A_1201 = tpu.assume_multiple %add3A_1200, 256 : i32
    %get3A_1202 = arith.index_cast %multiple_of3A_1201 : i32 to index
    %get3A_1203 = vector.load %arg1[%get3A_1202] : memref<40960xi32, #tpu.memory_space<vmem>>, vector<256xi32>
    %reshape3A_1204 = vector.shape_cast %get3A_1203 : vector<256xi32> to vector<1x256xi32>
    %eq3A_1205 = vector.broadcast %reshape3A_1204 : vector<1x256xi32> to vector<50x256xi32>
    %eq3A_1206 = arith.cmpi eq, %iota3A, %eq3A_1205 : vector<50x256xi32>
    %convert_element_type3A_1207 = arith.extui %eq3A_1206 : vector<50x256xi1> to vector<50x256xi32>
    %convert_element_type3A_1208 = arith.sitofp %convert_element_type3A_1207 : vector<50x256xi32> to vector<50x256xf32>
    %slice3A_1209 = vector.extract_strided_slice %logistic3A_6 {offsets = [0, 0], sizes = [50, 1], strides = [1, 1]} : vector<50x5xf32> to vector<50x1xf32>
    %mul3A_1210 = vector.broadcast %slice3A_1209 : vector<50x1xf32> to vector<50x256xf32>
    %mul3A_1211 = arith.mulf %convert_element_type3A_1208, %mul3A_1210 : vector<50x256xf32>
    %reduce_sum3A_1212 = arith.constant dense<0.000000e+00> : vector<256xf32>
    %reduce_sum3A_1213 = vector.multi_reduction <add>, %mul3A_1211, %reduce_sum3A_1212 [0] : vector<50x256xf32> to vector<256xf32>
    %broadcast_in_dim3A_1214 = vector.shape_cast %reduce_sum3A_1213 : vector<256xf32> to vector<1x256xf32>
    %slice3A_1215 = vector.extract_strided_slice %logistic3A_6 {offsets = [0, 1], sizes = [50, 1], strides = [1, 1]} : vector<50x5xf32> to vector<50x1xf32>
    %mul3A_1216 = vector.broadcast %slice3A_1215 : vector<50x1xf32> to vector<50x256xf32>
    %mul3A_1217 = arith.mulf %convert_element_type3A_1208, %mul3A_1216 : vector<50x256xf32>
    %reduce_sum3A_1218 = arith.constant dense<0.000000e+00> : vector<256xf32>
    %reduce_sum3A_1219 = vector.multi_reduction <add>, %mul3A_1217, %reduce_sum3A_1218 [0] : vector<50x256xf32> to vector<256xf32>
    %broadcast_in_dim3A_1220 = vector.shape_cast %reduce_sum3A_1219 : vector<256xf32> to vector<1x256xf32>
    %slice3A_1221 = vector.extract_strided_slice %logistic3A_6 {offsets = [0, 2], sizes = [50, 1], strides = [1, 1]} : vector<50x5xf32> to vector<50x1xf32>
    %mul3A_1222 = vector.broadcast %slice3A_1221 : vector<50x1xf32> to vector<50x256xf32>
    %mul3A_1223 = arith.mulf %convert_element_type3A_1208, %mul3A_1222 : vector<50x256xf32>
    %reduce_sum3A_1224 = arith.constant dense<0.000000e+00> : vector<256xf32>
    %reduce_sum3A_1225 = vector.multi_reduction <add>, %mul3A_1223, %reduce_sum3A_1224 [0] : vector<50x256xf32> to vector<256xf32>
    %broadcast_in_dim3A_1226 = vector.shape_cast %reduce_sum3A_1225 : vector<256xf32> to vector<1x256xf32>
    %slice3A_1227 = vector.extract_strided_slice %logistic3A_6 {offsets = [0, 3], sizes = [50, 1], strides = [1, 1]} : vector<50x5xf32> to vector<50x1xf32>
    %mul3A_1228 = vector.broadcast %slice3A_1227 : vector<50x1xf32> to vector<50x256xf32>
    %mul3A_1229 = arith.mulf %convert_element_type3A_1208, %mul3A_1228 : vector<50x256xf32>
    %reduce_sum3A_1230 = arith.constant dense<0.000000e+00> : vector<256xf32>
    %reduce_sum3A_1231 = vector.multi_reduction <add>, %mul3A_1229, %reduce_sum3A_1230 [0] : vector<50x256xf32> to vector<256xf32>
    %broadcast_in_dim3A_1232 = vector.shape_cast %reduce_sum3A_1231 : vector<256xf32> to vector<1x256xf32>
    %get3A_1233 = arith.constant 11 : index
    %get3A_1234 = arith.constant 0 : index
    %get3A_1235 = vector.load %arg2[%get3A_1233, %get3A_1234] : memref<20x256xf32, #tpu.memory_space<vmem>>, vector<1x256xf32>
    %mul3A_1236 = arith.mulf %select_n3A_1159, %convert_element_type3A_1208 : vector<50x256xf32>
    %reduce_sum3A_1237 = arith.constant dense<0.000000e+00> : vector<256xf32>
    %reduce_sum3A_1238 = vector.multi_reduction <add>, %mul3A_1236, %reduce_sum3A_1237 [0] : vector<50x256xf32> to vector<256xf32>
    %broadcast_in_dim3A_1239 = vector.shape_cast %reduce_sum3A_1238 : vector<256xf32> to vector<1x256xf32>
    %gt3A_1240 = arith.constant 5.000000e-01 : f32
    %gt3A_1241 = vector.broadcast %gt3A_1240 : f32 to vector<1x256xf32>
    %gt3A_1242 = arith.cmpf ogt, %get3A_1235, %gt3A_1241 : vector<1x256xf32>
    %sub3A_1243 = arith.constant 1.000000e+00 : f32
    %sub3A_1244 = vector.broadcast %sub3A_1243 : f32 to vector<1x256xf32>
    %sub3A_1245 = arith.subf %sub3A_1244, %broadcast_in_dim3A_1226 : vector<1x256xf32>
    %select_n3A_1246 = arith.select %gt3A_1242, %broadcast_in_dim3A_1226, %sub3A_1245 : vector<1x256xi1>, vector<1x256xf32>
    %gt3A_1247 = arith.constant 5.000000e-01 : f32
    %gt3A_1248 = vector.broadcast %gt3A_1247 : f32 to vector<1x256xf32>
    %gt3A_1249 = arith.cmpf ogt, %get3A_1235, %gt3A_1248 : vector<1x256xf32>
    %sub3A_1250 = arith.constant 1.000000e+00 : f32
    %sub3A_1251 = vector.broadcast %sub3A_1250 : f32 to vector<1x256xf32>
    %sub3A_1252 = arith.subf %sub3A_1251, %broadcast_in_dim3A_1232 : vector<1x256xf32>
    %select_n3A_1253 = arith.select %gt3A_1249, %broadcast_in_dim3A_1232, %sub3A_1252 : vector<1x256xi1>, vector<1x256xf32>
    %mul3A_1254 = arith.mulf %select_n3A_1253, %broadcast_in_dim3A_1239 : vector<1x256xf32>
    %sub3A_1255 = arith.constant 1.000000e+00 : f32
    %sub3A_1256 = vector.broadcast %sub3A_1255 : f32 to vector<1x256xf32>
    %sub3A_1257 = arith.subf %sub3A_1256, %broadcast_in_dim3A_1239 : vector<1x256xf32>
    %mul3A_1258 = arith.mulf %select_n3A_1246, %sub3A_1257 : vector<1x256xf32>
    %mul3A_1259 = arith.mulf %select_n3A_1253, %broadcast_in_dim3A_1239 : vector<1x256xf32>
    %add3A_1260 = arith.addf %mul3A_1258, %mul3A_1259 : vector<1x256xf32>
    %div3A_1261 = arith.divf %mul3A_1254, %add3A_1260 : vector<1x256xf32>
    %sub3A_1262 = arith.constant 1.000000e+00 : f32
    %sub3A_1263 = vector.broadcast %sub3A_1262 : f32 to vector<1x256xf32>
    %sub3A_1264 = arith.subf %sub3A_1263, %div3A_1261 : vector<1x256xf32>
    %mul3A_1265 = arith.mulf %broadcast_in_dim3A_1214, %sub3A_1264 : vector<1x256xf32>
    %sub3A_1266 = arith.constant 1.000000e+00 : f32
    %sub3A_1267 = vector.broadcast %sub3A_1266 : f32 to vector<1x256xf32>
    %sub3A_1268 = arith.subf %sub3A_1267, %broadcast_in_dim3A_1220 : vector<1x256xf32>
    %mul3A_1269 = arith.mulf %sub3A_1268, %div3A_1261 : vector<1x256xf32>
    %add3A_1270 = arith.addf %mul3A_1265, %mul3A_1269 : vector<1x256xf32>
    %broadcast_in_dim3A_1271 = vector.shape_cast %add3A_1270 : vector<1x256xf32> to vector<1x256xf32>
    %broadcast_in_dim3A_1272 = vector.broadcast %broadcast_in_dim3A_1271 : vector<1x256xf32> to vector<50x256xf32>
    %select_n3A_1273 = arith.select %eq3A_1206, %broadcast_in_dim3A_1272, %select_n3A_1159 : vector<50x256xi1>, vector<50x256xf32>
    %mul3A_1274 = arith.mulf %select_n3A_1273, %convert_element_type3A_1184 : vector<50x256xf32>
    %reduce_sum3A_1275 = arith.constant dense<0.000000e+00> : vector<256xf32>
    %reduce_sum3A_1276 = vector.multi_reduction <add>, %mul3A_1274, %reduce_sum3A_1275 [0] : vector<50x256xf32> to vector<256xf32>
    %broadcast_in_dim3A_1277 = vector.shape_cast %reduce_sum3A_1276 : vector<256xf32> to vector<1x256xf32>
    %sub3A_1278 = arith.constant 1.000000e+00 : f32
    %sub3A_1279 = vector.broadcast %sub3A_1278 : f32 to vector<1x256xf32>
    %sub3A_1280 = arith.subf %sub3A_1279, %broadcast_in_dim3A_1277 : vector<1x256xf32>
    %mul3A_1281 = arith.mulf %broadcast_in_dim3A_1190, %sub3A_1280 : vector<1x256xf32>
    %mul3A_1282 = arith.mulf %broadcast_in_dim3A_1196, %broadcast_in_dim3A_1277 : vector<1x256xf32>
    %add3A_1283 = arith.addf %mul3A_1281, %mul3A_1282 : vector<1x256xf32>
    %swap3A_1284 = arith.constant 11 : index
    %swap3A_1285 = arith.constant 0 : index
    %swap3A_1286 = vector.load %arg5[%swap3A_1284, %swap3A_1285] : memref<20x256xf32, #tpu.memory_space<vmem>>, vector<1x256xf32>
    tpu.vector_store %arg5[%swap3A_1284, %swap3A_1285], %add3A_1283 {strides = array<i32>} : memref<20x256xf32, #tpu.memory_space<vmem>>, vector<1x256xf32>,
    %mul3A_1287 = arith.constant 256 : i32
    %mul3A_1288 = arith.muli %arg0, %mul3A_1287 : i32
    %add3A_1289 = arith.constant 25600 : i32
    %add3A_1290 = arith.addi %add3A_1289, %mul3A_1288 : i32
    %multiple_of3A_1291 = tpu.assume_multiple %add3A_1290, 256 : i32
    %get3A_1292 = arith.index_cast %multiple_of3A_1291 : i32 to index
    %get3A_1293 = vector.load %arg1[%get3A_1292] : memref<40960xi32, #tpu.memory_space<vmem>>, vector<256xi32>
    %reshape3A_1294 = vector.shape_cast %get3A_1293 : vector<256xi32> to vector<1x256xi32>
    %eq3A_1295 = vector.broadcast %reshape3A_1294 : vector<1x256xi32> to vector<50x256xi32>
    %eq3A_1296 = arith.cmpi eq, %iota3A, %eq3A_1295 : vector<50x256xi32>
    %convert_element_type3A_1297 = arith.extui %eq3A_1296 : vector<50x256xi1> to vector<50x256xi32>
    %convert_element_type3A_1298 = arith.sitofp %convert_element_type3A_1297 : vector<50x256xi32> to vector<50x256xf32>
    %slice3A_1299 = vector.extract_strided_slice %logistic3A_6 {offsets = [0, 2], sizes = [50, 1], strides = [1, 1]} : vector<50x5xf32> to vector<50x1xf32>
    %mul3A_1300 = vector.broadcast %slice3A_1299 : vector<50x1xf32> to vector<50x256xf32>
    %mul3A_1301 = arith.mulf %convert_element_type3A_1298, %mul3A_1300 : vector<50x256xf32>
    %reduce_sum3A_1302 = arith.constant dense<0.000000e+00> : vector<256xf32>
    %reduce_sum3A_1303 = vector.multi_reduction <add>, %mul3A_1301, %reduce_sum3A_1302 [0] : vector<50x256xf32> to vector<256xf32>
    %broadcast_in_dim3A_1304 = vector.shape_cast %reduce_sum3A_1303 : vector<256xf32> to vector<1x256xf32>
    %slice3A_1305 = vector.extract_strided_slice %logistic3A_6 {offsets = [0, 3], sizes = [50, 1], strides = [1, 1]} : vector<50x5xf32> to vector<50x1xf32>
    %mul3A_1306 = vector.broadcast %slice3A_1305 : vector<50x1xf32> to vector<50x256xf32>
    %mul3A_1307 = arith.mulf %convert_element_type3A_1298, %mul3A_1306 : vector<50x256xf32>
    %reduce_sum3A_1308 = arith.constant dense<0.000000e+00> : vector<256xf32>
    %reduce_sum3A_1309 = vector.multi_reduction <add>, %mul3A_1307, %reduce_sum3A_1308 [0] : vector<50x256xf32> to vector<256xf32>
    %broadcast_in_dim3A_1310 = vector.shape_cast %reduce_sum3A_1309 : vector<256xf32> to vector<1x256xf32>
    %mul3A_1311 = arith.constant 256 : i32
    %mul3A_1312 = arith.muli %arg0, %mul3A_1311 : i32
    %add3A_1313 = arith.constant 24576 : i32
    %add3A_1314 = arith.addi %add3A_1313, %mul3A_1312 : i32
    %multiple_of3A_1315 = tpu.assume_multiple %add3A_1314, 256 : i32
    %get3A_1316 = arith.index_cast %multiple_of3A_1315 : i32 to index
    %get3A_1317 = vector.load %arg1[%get3A_1316] : memref<40960xi32, #tpu.memory_space<vmem>>, vector<256xi32>
    %reshape3A_1318 = vector.shape_cast %get3A_1317 : vector<256xi32> to vector<1x256xi32>
    %eq3A_1319 = vector.broadcast %reshape3A_1318 : vector<1x256xi32> to vector<50x256xi32>
    %eq3A_1320 = arith.cmpi eq, %iota3A, %eq3A_1319 : vector<50x256xi32>
    %convert_element_type3A_1321 = arith.extui %eq3A_1320 : vector<50x256xi1> to vector<50x256xi32>
    %convert_element_type3A_1322 = arith.sitofp %convert_element_type3A_1321 : vector<50x256xi32> to vector<50x256xf32>
    %slice3A_1323 = vector.extract_strided_slice %logistic3A_6 {offsets = [0, 0], sizes = [50, 1], strides = [1, 1]} : vector<50x5xf32> to vector<50x1xf32>
    %mul3A_1324 = vector.broadcast %slice3A_1323 : vector<50x1xf32> to vector<50x256xf32>
    %mul3A_1325 = arith.mulf %convert_element_type3A_1322, %mul3A_1324 : vector<50x256xf32>
    %reduce_sum3A_1326 = arith.constant dense<0.000000e+00> : vector<256xf32>
    %reduce_sum3A_1327 = vector.multi_reduction <add>, %mul3A_1325, %reduce_sum3A_1326 [0] : vector<50x256xf32> to vector<256xf32>
    %broadcast_in_dim3A_1328 = vector.shape_cast %reduce_sum3A_1327 : vector<256xf32> to vector<1x256xf32>
    %slice3A_1329 = vector.extract_strided_slice %logistic3A_6 {offsets = [0, 1], sizes = [50, 1], strides = [1, 1]} : vector<50x5xf32> to vector<50x1xf32>
    %mul3A_1330 = vector.broadcast %slice3A_1329 : vector<50x1xf32> to vector<50x256xf32>
    %mul3A_1331 = arith.mulf %convert_element_type3A_1322, %mul3A_1330 : vector<50x256xf32>
    %reduce_sum3A_1332 = arith.constant dense<0.000000e+00> : vector<256xf32>
    %reduce_sum3A_1333 = vector.multi_reduction <add>, %mul3A_1331, %reduce_sum3A_1332 [0] : vector<50x256xf32> to vector<256xf32>
    %broadcast_in_dim3A_1334 = vector.shape_cast %reduce_sum3A_1333 : vector<256xf32> to vector<1x256xf32>
    %slice3A_1335 = vector.extract_strided_slice %logistic3A_6 {offsets = [0, 2], sizes = [50, 1], strides = [1, 1]} : vector<50x5xf32> to vector<50x1xf32>
    %mul3A_1336 = vector.broadcast %slice3A_1335 : vector<50x1xf32> to vector<50x256xf32>
    %mul3A_1337 = arith.mulf %convert_element_type3A_1322, %mul3A_1336 : vector<50x256xf32>
    %reduce_sum3A_1338 = arith.constant dense<0.000000e+00> : vector<256xf32>
    %reduce_sum3A_1339 = vector.multi_reduction <add>, %mul3A_1337, %reduce_sum3A_1338 [0] : vector<50x256xf32> to vector<256xf32>
    %broadcast_in_dim3A_1340 = vector.shape_cast %reduce_sum3A_1339 : vector<256xf32> to vector<1x256xf32>
    %slice3A_1341 = vector.extract_strided_slice %logistic3A_6 {offsets = [0, 3], sizes = [50, 1], strides = [1, 1]} : vector<50x5xf32> to vector<50x1xf32>
    %mul3A_1342 = vector.broadcast %slice3A_1341 : vector<50x1xf32> to vector<50x256xf32>
    %mul3A_1343 = arith.mulf %convert_element_type3A_1322, %mul3A_1342 : vector<50x256xf32>
    %reduce_sum3A_1344 = arith.constant dense<0.000000e+00> : vector<256xf32>
    %reduce_sum3A_1345 = vector.multi_reduction <add>, %mul3A_1343, %reduce_sum3A_1344 [0] : vector<50x256xf32> to vector<256xf32>
    %broadcast_in_dim3A_1346 = vector.shape_cast %reduce_sum3A_1345 : vector<256xf32> to vector<1x256xf32>
    %get3A_1347 = arith.constant 12 : index
    %get3A_1348 = arith.constant 0 : index
    %get3A_1349 = vector.load %arg2[%get3A_1347, %get3A_1348] : memref<20x256xf32, #tpu.memory_space<vmem>>, vector<1x256xf32>
    %mul3A_1350 = arith.mulf %select_n3A_1273, %convert_element_type3A_1322 : vector<50x256xf32>
    %reduce_sum3A_1351 = arith.constant dense<0.000000e+00> : vector<256xf32>
    %reduce_sum3A_1352 = vector.multi_reduction <add>, %mul3A_1350, %reduce_sum3A_1351 [0] : vector<50x256xf32> to vector<256xf32>
    %broadcast_in_dim3A_1353 = vector.shape_cast %reduce_sum3A_1352 : vector<256xf32> to vector<1x256xf32>
    %gt3A_1354 = arith.constant 5.000000e-01 : f32
    %gt3A_1355 = vector.broadcast %gt3A_1354 : f32 to vector<1x256xf32>
    %gt3A_1356 = arith.cmpf ogt, %get3A_1349, %gt3A_1355 : vector<1x256xf32>
    %sub3A_1357 = arith.constant 1.000000e+00 : f32
    %sub3A_1358 = vector.broadcast %sub3A_1357 : f32 to vector<1x256xf32>
    %sub3A_1359 = arith.subf %sub3A_1358, %broadcast_in_dim3A_1340 : vector<1x256xf32>
    %select_n3A_1360 = arith.select %gt3A_1356, %broadcast_in_dim3A_1340, %sub3A_1359 : vector<1x256xi1>, vector<1x256xf32>
    %gt3A_1361 = arith.constant 5.000000e-01 : f32
    %gt3A_1362 = vector.broadcast %gt3A_1361 : f32 to vector<1x256xf32>
    %gt3A_1363 = arith.cmpf ogt, %get3A_1349, %gt3A_1362 : vector<1x256xf32>
    %sub3A_1364 = arith.constant 1.000000e+00 : f32
    %sub3A_1365 = vector.broadcast %sub3A_1364 : f32 to vector<1x256xf32>
    %sub3A_1366 = arith.subf %sub3A_1365, %broadcast_in_dim3A_1346 : vector<1x256xf32>
    %select_n3A_1367 = arith.select %gt3A_1363, %broadcast_in_dim3A_1346, %sub3A_1366 : vector<1x256xi1>, vector<1x256xf32>
    %mul3A_1368 = arith.mulf %select_n3A_1367, %broadcast_in_dim3A_1353 : vector<1x256xf32>
    %sub3A_1369 = arith.constant 1.000000e+00 : f32
    %sub3A_1370 = vector.broadcast %sub3A_1369 : f32 to vector<1x256xf32>
    %sub3A_1371 = arith.subf %sub3A_1370, %broadcast_in_dim3A_1353 : vector<1x256xf32>
    %mul3A_1372 = arith.mulf %select_n3A_1360, %sub3A_1371 : vector<1x256xf32>
    %mul3A_1373 = arith.mulf %select_n3A_1367, %broadcast_in_dim3A_1353 : vector<1x256xf32>
    %add3A_1374 = arith.addf %mul3A_1372, %mul3A_1373 : vector<1x256xf32>
    %div3A_1375 = arith.divf %mul3A_1368, %add3A_1374 : vector<1x256xf32>
    %sub3A_1376 = arith.constant 1.000000e+00 : f32
    %sub3A_1377 = vector.broadcast %sub3A_1376 : f32 to vector<1x256xf32>
    %sub3A_1378 = arith.subf %sub3A_1377, %div3A_1375 : vector<1x256xf32>
    %mul3A_1379 = arith.mulf %broadcast_in_dim3A_1328, %sub3A_1378 : vector<1x256xf32>
    %sub3A_1380 = arith.constant 1.000000e+00 : f32
    %sub3A_1381 = vector.broadcast %sub3A_1380 : f32 to vector<1x256xf32>
    %sub3A_1382 = arith.subf %sub3A_1381, %broadcast_in_dim3A_1334 : vector<1x256xf32>
    %mul3A_1383 = arith.mulf %sub3A_1382, %div3A_1375 : vector<1x256xf32>
    %add3A_1384 = arith.addf %mul3A_1379, %mul3A_1383 : vector<1x256xf32>
    %broadcast_in_dim3A_1385 = vector.shape_cast %add3A_1384 : vector<1x256xf32> to vector<1x256xf32>
    %broadcast_in_dim3A_1386 = vector.broadcast %broadcast_in_dim3A_1385 : vector<1x256xf32> to vector<50x256xf32>
    %select_n3A_1387 = arith.select %eq3A_1320, %broadcast_in_dim3A_1386, %select_n3A_1273 : vector<50x256xi1>, vector<50x256xf32>
    %mul3A_1388 = arith.mulf %select_n3A_1387, %convert_element_type3A_1298 : vector<50x256xf32>
    %reduce_sum3A_1389 = arith.constant dense<0.000000e+00> : vector<256xf32>
    %reduce_sum3A_1390 = vector.multi_reduction <add>, %mul3A_1388, %reduce_sum3A_1389 [0] : vector<50x256xf32> to vector<256xf32>
    %broadcast_in_dim3A_1391 = vector.shape_cast %reduce_sum3A_1390 : vector<256xf32> to vector<1x256xf32>
    %sub3A_1392 = arith.constant 1.000000e+00 : f32
    %sub3A_1393 = vector.broadcast %sub3A_1392 : f32 to vector<1x256xf32>
    %sub3A_1394 = arith.subf %sub3A_1393, %broadcast_in_dim3A_1391 : vector<1x256xf32>
    %mul3A_1395 = arith.mulf %broadcast_in_dim3A_1304, %sub3A_1394 : vector<1x256xf32>
    %mul3A_1396 = arith.mulf %broadcast_in_dim3A_1310, %broadcast_in_dim3A_1391 : vector<1x256xf32>
    %add3A_1397 = arith.addf %mul3A_1395, %mul3A_1396 : vector<1x256xf32>
    %swap3A_1398 = arith.constant 12 : index
    %swap3A_1399 = arith.constant 0 : index
    %swap3A_1400 = vector.load %arg5[%swap3A_1398, %swap3A_1399] : memref<20x256xf32, #tpu.memory_space<vmem>>, vector<1x256xf32>
    tpu.vector_store %arg5[%swap3A_1398, %swap3A_1399], %add3A_1397 {strides = array<i32>} : memref<20x256xf32, #tpu.memory_space<vmem>>, vector<1x256xf32>,
    %mul3A_1401 = arith.constant 256 : i32
    %mul3A_1402 = arith.muli %arg0, %mul3A_1401 : i32
    %add3A_1403 = arith.constant 27648 : i32
    %add3A_1404 = arith.addi %add3A_1403, %mul3A_1402 : i32
    %multiple_of3A_1405 = tpu.assume_multiple %add3A_1404, 256 : i32
    %get3A_1406 = arith.index_cast %multiple_of3A_1405 : i32 to index
    %get3A_1407 = vector.load %arg1[%get3A_1406] : memref<40960xi32, #tpu.memory_space<vmem>>, vector<256xi32>
    %reshape3A_1408 = vector.shape_cast %get3A_1407 : vector<256xi32> to vector<1x256xi32>
    %eq3A_1409 = vector.broadcast %reshape3A_1408 : vector<1x256xi32> to vector<50x256xi32>
    %eq3A_1410 = arith.cmpi eq, %iota3A, %eq3A_1409 : vector<50x256xi32>
    %convert_element_type3A_1411 = arith.extui %eq3A_1410 : vector<50x256xi1> to vector<50x256xi32>
    %convert_element_type3A_1412 = arith.sitofp %convert_element_type3A_1411 : vector<50x256xi32> to vector<50x256xf32>
    %slice3A_1413 = vector.extract_strided_slice %logistic3A_6 {offsets = [0, 2], sizes = [50, 1], strides = [1, 1]} : vector<50x5xf32> to vector<50x1xf32>
    %mul3A_1414 = vector.broadcast %slice3A_1413 : vector<50x1xf32> to vector<50x256xf32>
    %mul3A_1415 = arith.mulf %convert_element_type3A_1412, %mul3A_1414 : vector<50x256xf32>
    %reduce_sum3A_1416 = arith.constant dense<0.000000e+00> : vector<256xf32>
    %reduce_sum3A_1417 = vector.multi_reduction <add>, %mul3A_1415, %reduce_sum3A_1416 [0] : vector<50x256xf32> to vector<256xf32>
    %broadcast_in_dim3A_1418 = vector.shape_cast %reduce_sum3A_1417 : vector<256xf32> to vector<1x256xf32>
    %slice3A_1419 = vector.extract_strided_slice %logistic3A_6 {offsets = [0, 3], sizes = [50, 1], strides = [1, 1]} : vector<50x5xf32> to vector<50x1xf32>
    %mul3A_1420 = vector.broadcast %slice3A_1419 : vector<50x1xf32> to vector<50x256xf32>
    %mul3A_1421 = arith.mulf %convert_element_type3A_1412, %mul3A_1420 : vector<50x256xf32>
    %reduce_sum3A_1422 = arith.constant dense<0.000000e+00> : vector<256xf32>
    %reduce_sum3A_1423 = vector.multi_reduction <add>, %mul3A_1421, %reduce_sum3A_1422 [0] : vector<50x256xf32> to vector<256xf32>
    %broadcast_in_dim3A_1424 = vector.shape_cast %reduce_sum3A_1423 : vector<256xf32> to vector<1x256xf32>
    %mul3A_1425 = arith.constant 256 : i32
    %mul3A_1426 = arith.muli %arg0, %mul3A_1425 : i32
    %add3A_1427 = arith.constant 26624 : i32
    %add3A_1428 = arith.addi %add3A_1427, %mul3A_1426 : i32
    %multiple_of3A_1429 = tpu.assume_multiple %add3A_1428, 256 : i32
    %get3A_1430 = arith.index_cast %multiple_of3A_1429 : i32 to index
    %get3A_1431 = vector.load %arg1[%get3A_1430] : memref<40960xi32, #tpu.memory_space<vmem>>, vector<256xi32>
    %reshape3A_1432 = vector.shape_cast %get3A_1431 : vector<256xi32> to vector<1x256xi32>
    %eq3A_1433 = vector.broadcast %reshape3A_1432 : vector<1x256xi32> to vector<50x256xi32>
    %eq3A_1434 = arith.cmpi eq, %iota3A, %eq3A_1433 : vector<50x256xi32>
    %convert_element_type3A_1435 = arith.extui %eq3A_1434 : vector<50x256xi1> to vector<50x256xi32>
    %convert_element_type3A_1436 = arith.sitofp %convert_element_type3A_1435 : vector<50x256xi32> to vector<50x256xf32>
    %slice3A_1437 = vector.extract_strided_slice %logistic3A_6 {offsets = [0, 0], sizes = [50, 1], strides = [1, 1]} : vector<50x5xf32> to vector<50x1xf32>
    %mul3A_1438 = vector.broadcast %slice3A_1437 : vector<50x1xf32> to vector<50x256xf32>
    %mul3A_1439 = arith.mulf %convert_element_type3A_1436, %mul3A_1438 : vector<50x256xf32>
    %reduce_sum3A_1440 = arith.constant dense<0.000000e+00> : vector<256xf32>
    %reduce_sum3A_1441 = vector.multi_reduction <add>, %mul3A_1439, %reduce_sum3A_1440 [0] : vector<50x256xf32> to vector<256xf32>
    %broadcast_in_dim3A_1442 = vector.shape_cast %reduce_sum3A_1441 : vector<256xf32> to vector<1x256xf32>
    %slice3A_1443 = vector.extract_strided_slice %logistic3A_6 {offsets = [0, 1], sizes = [50, 1], strides = [1, 1]} : vector<50x5xf32> to vector<50x1xf32>
    %mul3A_1444 = vector.broadcast %slice3A_1443 : vector<50x1xf32> to vector<50x256xf32>
    %mul3A_1445 = arith.mulf %convert_element_type3A_1436, %mul3A_1444 : vector<50x256xf32>
    %reduce_sum3A_1446 = arith.constant dense<0.000000e+00> : vector<256xf32>
    %reduce_sum3A_1447 = vector.multi_reduction <add>, %mul3A_1445, %reduce_sum3A_1446 [0] : vector<50x256xf32> to vector<256xf32>
    %broadcast_in_dim3A_1448 = vector.shape_cast %reduce_sum3A_1447 : vector<256xf32> to vector<1x256xf32>
    %slice3A_1449 = vector.extract_strided_slice %logistic3A_6 {offsets = [0, 2], sizes = [50, 1], strides = [1, 1]} : vector<50x5xf32> to vector<50x1xf32>
    %mul3A_1450 = vector.broadcast %slice3A_1449 : vector<50x1xf32> to vector<50x256xf32>
    %mul3A_1451 = arith.mulf %convert_element_type3A_1436, %mul3A_1450 : vector<50x256xf32>
    %reduce_sum3A_1452 = arith.constant dense<0.000000e+00> : vector<256xf32>
    %reduce_sum3A_1453 = vector.multi_reduction <add>, %mul3A_1451, %reduce_sum3A_1452 [0] : vector<50x256xf32> to vector<256xf32>
    %broadcast_in_dim3A_1454 = vector.shape_cast %reduce_sum3A_1453 : vector<256xf32> to vector<1x256xf32>
    %slice3A_1455 = vector.extract_strided_slice %logistic3A_6 {offsets = [0, 3], sizes = [50, 1], strides = [1, 1]} : vector<50x5xf32> to vector<50x1xf32>
    %mul3A_1456 = vector.broadcast %slice3A_1455 : vector<50x1xf32> to vector<50x256xf32>
    %mul3A_1457 = arith.mulf %convert_element_type3A_1436, %mul3A_1456 : vector<50x256xf32>
    %reduce_sum3A_1458 = arith.constant dense<0.000000e+00> : vector<256xf32>
    %reduce_sum3A_1459 = vector.multi_reduction <add>, %mul3A_1457, %reduce_sum3A_1458 [0] : vector<50x256xf32> to vector<256xf32>
    %broadcast_in_dim3A_1460 = vector.shape_cast %reduce_sum3A_1459 : vector<256xf32> to vector<1x256xf32>
    %get3A_1461 = arith.constant 13 : index
    %get3A_1462 = arith.constant 0 : index
    %get3A_1463 = vector.load %arg2[%get3A_1461, %get3A_1462] : memref<20x256xf32, #tpu.memory_space<vmem>>, vector<1x256xf32>
    %mul3A_1464 = arith.mulf %select_n3A_1387, %convert_element_type3A_1436 : vector<50x256xf32>
    %reduce_sum3A_1465 = arith.constant dense<0.000000e+00> : vector<256xf32>
    %reduce_sum3A_1466 = vector.multi_reduction <add>, %mul3A_1464, %reduce_sum3A_1465 [0] : vector<50x256xf32> to vector<256xf32>
    %broadcast_in_dim3A_1467 = vector.shape_cast %reduce_sum3A_1466 : vector<256xf32> to vector<1x256xf32>
    %gt3A_1468 = arith.constant 5.000000e-01 : f32
    %gt3A_1469 = vector.broadcast %gt3A_1468 : f32 to vector<1x256xf32>
    %gt3A_1470 = arith.cmpf ogt, %get3A_1463, %gt3A_1469 : vector<1x256xf32>
    %sub3A_1471 = arith.constant 1.000000e+00 : f32
    %sub3A_1472 = vector.broadcast %sub3A_1471 : f32 to vector<1x256xf32>
    %sub3A_1473 = arith.subf %sub3A_1472, %broadcast_in_dim3A_1454 : vector<1x256xf32>
    %select_n3A_1474 = arith.select %gt3A_1470, %broadcast_in_dim3A_1454, %sub3A_1473 : vector<1x256xi1>, vector<1x256xf32>
    %gt3A_1475 = arith.constant 5.000000e-01 : f32
    %gt3A_1476 = vector.broadcast %gt3A_1475 : f32 to vector<1x256xf32>
    %gt3A_1477 = arith.cmpf ogt, %get3A_1463, %gt3A_1476 : vector<1x256xf32>
    %sub3A_1478 = arith.constant 1.000000e+00 : f32
    %sub3A_1479 = vector.broadcast %sub3A_1478 : f32 to vector<1x256xf32>
    %sub3A_1480 = arith.subf %sub3A_1479, %broadcast_in_dim3A_1460 : vector<1x256xf32>
    %select_n3A_1481 = arith.select %gt3A_1477, %broadcast_in_dim3A_1460, %sub3A_1480 : vector<1x256xi1>, vector<1x256xf32>
    %mul3A_1482 = arith.mulf %select_n3A_1481, %broadcast_in_dim3A_1467 : vector<1x256xf32>
    %sub3A_1483 = arith.constant 1.000000e+00 : f32
    %sub3A_1484 = vector.broadcast %sub3A_1483 : f32 to vector<1x256xf32>
    %sub3A_1485 = arith.subf %sub3A_1484, %broadcast_in_dim3A_1467 : vector<1x256xf32>
    %mul3A_1486 = arith.mulf %select_n3A_1474, %sub3A_1485 : vector<1x256xf32>
    %mul3A_1487 = arith.mulf %select_n3A_1481, %broadcast_in_dim3A_1467 : vector<1x256xf32>
    %add3A_1488 = arith.addf %mul3A_1486, %mul3A_1487 : vector<1x256xf32>
    %div3A_1489 = arith.divf %mul3A_1482, %add3A_1488 : vector<1x256xf32>
    %sub3A_1490 = arith.constant 1.000000e+00 : f32
    %sub3A_1491 = vector.broadcast %sub3A_1490 : f32 to vector<1x256xf32>
    %sub3A_1492 = arith.subf %sub3A_1491, %div3A_1489 : vector<1x256xf32>
    %mul3A_1493 = arith.mulf %broadcast_in_dim3A_1442, %sub3A_1492 : vector<1x256xf32>
    %sub3A_1494 = arith.constant 1.000000e+00 : f32
    %sub3A_1495 = vector.broadcast %sub3A_1494 : f32 to vector<1x256xf32>
    %sub3A_1496 = arith.subf %sub3A_1495, %broadcast_in_dim3A_1448 : vector<1x256xf32>
    %mul3A_1497 = arith.mulf %sub3A_1496, %div3A_1489 : vector<1x256xf32>
    %add3A_1498 = arith.addf %mul3A_1493, %mul3A_1497 : vector<1x256xf32>
    %broadcast_in_dim3A_1499 = vector.shape_cast %add3A_1498 : vector<1x256xf32> to vector<1x256xf32>
    %broadcast_in_dim3A_1500 = vector.broadcast %broadcast_in_dim3A_1499 : vector<1x256xf32> to vector<50x256xf32>
    %select_n3A_1501 = arith.select %eq3A_1434, %broadcast_in_dim3A_1500, %select_n3A_1387 : vector<50x256xi1>, vector<50x256xf32>
    %mul3A_1502 = arith.mulf %select_n3A_1501, %convert_element_type3A_1412 : vector<50x256xf32>
    %reduce_sum3A_1503 = arith.constant dense<0.000000e+00> : vector<256xf32>
    %reduce_sum3A_1504 = vector.multi_reduction <add>, %mul3A_1502, %reduce_sum3A_1503 [0] : vector<50x256xf32> to vector<256xf32>
    %broadcast_in_dim3A_1505 = vector.shape_cast %reduce_sum3A_1504 : vector<256xf32> to vector<1x256xf32>
    %sub3A_1506 = arith.constant 1.000000e+00 : f32
    %sub3A_1507 = vector.broadcast %sub3A_1506 : f32 to vector<1x256xf32>
    %sub3A_1508 = arith.subf %sub3A_1507, %broadcast_in_dim3A_1505 : vector<1x256xf32>
    %mul3A_1509 = arith.mulf %broadcast_in_dim3A_1418, %sub3A_1508 : vector<1x256xf32>
    %mul3A_1510 = arith.mulf %broadcast_in_dim3A_1424, %broadcast_in_dim3A_1505 : vector<1x256xf32>
    %add3A_1511 = arith.addf %mul3A_1509, %mul3A_1510 : vector<1x256xf32>
    %swap3A_1512 = arith.constant 13 : index
    %swap3A_1513 = arith.constant 0 : index
    %swap3A_1514 = vector.load %arg5[%swap3A_1512, %swap3A_1513] : memref<20x256xf32, #tpu.memory_space<vmem>>, vector<1x256xf32>
    tpu.vector_store %arg5[%swap3A_1512, %swap3A_1513], %add3A_1511 {strides = array<i32>} : memref<20x256xf32, #tpu.memory_space<vmem>>, vector<1x256xf32>,
    %mul3A_1515 = arith.constant 256 : i32
    %mul3A_1516 = arith.muli %arg0, %mul3A_1515 : i32
    %add3A_1517 = arith.constant 29696 : i32
    %add3A_1518 = arith.addi %add3A_1517, %mul3A_1516 : i32
    %multiple_of3A_1519 = tpu.assume_multiple %add3A_1518, 256 : i32
    %get3A_1520 = arith.index_cast %multiple_of3A_1519 : i32 to index
    %get3A_1521 = vector.load %arg1[%get3A_1520] : memref<40960xi32, #tpu.memory_space<vmem>>, vector<256xi32>
    %reshape3A_1522 = vector.shape_cast %get3A_1521 : vector<256xi32> to vector<1x256xi32>
    %eq3A_1523 = vector.broadcast %reshape3A_1522 : vector<1x256xi32> to vector<50x256xi32>
    %eq3A_1524 = arith.cmpi eq, %iota3A, %eq3A_1523 : vector<50x256xi32>
    %convert_element_type3A_1525 = arith.extui %eq3A_1524 : vector<50x256xi1> to vector<50x256xi32>
    %convert_element_type3A_1526 = arith.sitofp %convert_element_type3A_1525 : vector<50x256xi32> to vector<50x256xf32>
    %slice3A_1527 = vector.extract_strided_slice %logistic3A_6 {offsets = [0, 2], sizes = [50, 1], strides = [1, 1]} : vector<50x5xf32> to vector<50x1xf32>
    %mul3A_1528 = vector.broadcast %slice3A_1527 : vector<50x1xf32> to vector<50x256xf32>
    %mul3A_1529 = arith.mulf %convert_element_type3A_1526, %mul3A_1528 : vector<50x256xf32>
    %reduce_sum3A_1530 = arith.constant dense<0.000000e+00> : vector<256xf32>
    %reduce_sum3A_1531 = vector.multi_reduction <add>, %mul3A_1529, %reduce_sum3A_1530 [0] : vector<50x256xf32> to vector<256xf32>
    %broadcast_in_dim3A_1532 = vector.shape_cast %reduce_sum3A_1531 : vector<256xf32> to vector<1x256xf32>
    %slice3A_1533 = vector.extract_strided_slice %logistic3A_6 {offsets = [0, 3], sizes = [50, 1], strides = [1, 1]} : vector<50x5xf32> to vector<50x1xf32>
    %mul3A_1534 = vector.broadcast %slice3A_1533 : vector<50x1xf32> to vector<50x256xf32>
    %mul3A_1535 = arith.mulf %convert_element_type3A_1526, %mul3A_1534 : vector<50x256xf32>
    %reduce_sum3A_1536 = arith.constant dense<0.000000e+00> : vector<256xf32>
    %reduce_sum3A_1537 = vector.multi_reduction <add>, %mul3A_1535, %reduce_sum3A_1536 [0] : vector<50x256xf32> to vector<256xf32>
    %broadcast_in_dim3A_1538 = vector.shape_cast %reduce_sum3A_1537 : vector<256xf32> to vector<1x256xf32>
    %mul3A_1539 = arith.constant 256 : i32
    %mul3A_1540 = arith.muli %arg0, %mul3A_1539 : i32
    %add3A_1541 = arith.constant 28672 : i32
    %add3A_1542 = arith.addi %add3A_1541, %mul3A_1540 : i32
    %multiple_of3A_1543 = tpu.assume_multiple %add3A_1542, 256 : i32
    %get3A_1544 = arith.index_cast %multiple_of3A_1543 : i32 to index
    %get3A_1545 = vector.load %arg1[%get3A_1544] : memref<40960xi32, #tpu.memory_space<vmem>>, vector<256xi32>
    %reshape3A_1546 = vector.shape_cast %get3A_1545 : vector<256xi32> to vector<1x256xi32>
    %eq3A_1547 = vector.broadcast %reshape3A_1546 : vector<1x256xi32> to vector<50x256xi32>
    %eq3A_1548 = arith.cmpi eq, %iota3A, %eq3A_1547 : vector<50x256xi32>
    %convert_element_type3A_1549 = arith.extui %eq3A_1548 : vector<50x256xi1> to vector<50x256xi32>
    %convert_element_type3A_1550 = arith.sitofp %convert_element_type3A_1549 : vector<50x256xi32> to vector<50x256xf32>
    %slice3A_1551 = vector.extract_strided_slice %logistic3A_6 {offsets = [0, 0], sizes = [50, 1], strides = [1, 1]} : vector<50x5xf32> to vector<50x1xf32>
    %mul3A_1552 = vector.broadcast %slice3A_1551 : vector<50x1xf32> to vector<50x256xf32>
    %mul3A_1553 = arith.mulf %convert_element_type3A_1550, %mul3A_1552 : vector<50x256xf32>
    %reduce_sum3A_1554 = arith.constant dense<0.000000e+00> : vector<256xf32>
    %reduce_sum3A_1555 = vector.multi_reduction <add>, %mul3A_1553, %reduce_sum3A_1554 [0] : vector<50x256xf32> to vector<256xf32>
    %broadcast_in_dim3A_1556 = vector.shape_cast %reduce_sum3A_1555 : vector<256xf32> to vector<1x256xf32>
    %slice3A_1557 = vector.extract_strided_slice %logistic3A_6 {offsets = [0, 1], sizes = [50, 1], strides = [1, 1]} : vector<50x5xf32> to vector<50x1xf32>
    %mul3A_1558 = vector.broadcast %slice3A_1557 : vector<50x1xf32> to vector<50x256xf32>
    %mul3A_1559 = arith.mulf %convert_element_type3A_1550, %mul3A_1558 : vector<50x256xf32>
    %reduce_sum3A_1560 = arith.constant dense<0.000000e+00> : vector<256xf32>
    %reduce_sum3A_1561 = vector.multi_reduction <add>, %mul3A_1559, %reduce_sum3A_1560 [0] : vector<50x256xf32> to vector<256xf32>
    %broadcast_in_dim3A_1562 = vector.shape_cast %reduce_sum3A_1561 : vector<256xf32> to vector<1x256xf32>
    %slice3A_1563 = vector.extract_strided_slice %logistic3A_6 {offsets = [0, 2], sizes = [50, 1], strides = [1, 1]} : vector<50x5xf32> to vector<50x1xf32>
    %mul3A_1564 = vector.broadcast %slice3A_1563 : vector<50x1xf32> to vector<50x256xf32>
    %mul3A_1565 = arith.mulf %convert_element_type3A_1550, %mul3A_1564 : vector<50x256xf32>
    %reduce_sum3A_1566 = arith.constant dense<0.000000e+00> : vector<256xf32>
    %reduce_sum3A_1567 = vector.multi_reduction <add>, %mul3A_1565, %reduce_sum3A_1566 [0] : vector<50x256xf32> to vector<256xf32>
    %broadcast_in_dim3A_1568 = vector.shape_cast %reduce_sum3A_1567 : vector<256xf32> to vector<1x256xf32>
    %slice3A_1569 = vector.extract_strided_slice %logistic3A_6 {offsets = [0, 3], sizes = [50, 1], strides = [1, 1]} : vector<50x5xf32> to vector<50x1xf32>
    %mul3A_1570 = vector.broadcast %slice3A_1569 : vector<50x1xf32> to vector<50x256xf32>
    %mul3A_1571 = arith.mulf %convert_element_type3A_1550, %mul3A_1570 : vector<50x256xf32>
    %reduce_sum3A_1572 = arith.constant dense<0.000000e+00> : vector<256xf32>
    %reduce_sum3A_1573 = vector.multi_reduction <add>, %mul3A_1571, %reduce_sum3A_1572 [0] : vector<50x256xf32> to vector<256xf32>
    %broadcast_in_dim3A_1574 = vector.shape_cast %reduce_sum3A_1573 : vector<256xf32> to vector<1x256xf32>
    %get3A_1575 = arith.constant 14 : index
    %get3A_1576 = arith.constant 0 : index
    %get3A_1577 = vector.load %arg2[%get3A_1575, %get3A_1576] : memref<20x256xf32, #tpu.memory_space<vmem>>, vector<1x256xf32>
    %mul3A_1578 = arith.mulf %select_n3A_1501, %convert_element_type3A_1550 : vector<50x256xf32>
    %reduce_sum3A_1579 = arith.constant dense<0.000000e+00> : vector<256xf32>
    %reduce_sum3A_1580 = vector.multi_reduction <add>, %mul3A_1578, %reduce_sum3A_1579 [0] : vector<50x256xf32> to vector<256xf32>
    %broadcast_in_dim3A_1581 = vector.shape_cast %reduce_sum3A_1580 : vector<256xf32> to vector<1x256xf32>
    %gt3A_1582 = arith.constant 5.000000e-01 : f32
    %gt3A_1583 = vector.broadcast %gt3A_1582 : f32 to vector<1x256xf32>
    %gt3A_1584 = arith.cmpf ogt, %get3A_1577, %gt3A_1583 : vector<1x256xf32>
    %sub3A_1585 = arith.constant 1.000000e+00 : f32
    %sub3A_1586 = vector.broadcast %sub3A_1585 : f32 to vector<1x256xf32>
    %sub3A_1587 = arith.subf %sub3A_1586, %broadcast_in_dim3A_1568 : vector<1x256xf32>
    %select_n3A_1588 = arith.select %gt3A_1584, %broadcast_in_dim3A_1568, %sub3A_1587 : vector<1x256xi1>, vector<1x256xf32>
    %gt3A_1589 = arith.constant 5.000000e-01 : f32
    %gt3A_1590 = vector.broadcast %gt3A_1589 : f32 to vector<1x256xf32>
    %gt3A_1591 = arith.cmpf ogt, %get3A_1577, %gt3A_1590 : vector<1x256xf32>
    %sub3A_1592 = arith.constant 1.000000e+00 : f32
    %sub3A_1593 = vector.broadcast %sub3A_1592 : f32 to vector<1x256xf32>
    %sub3A_1594 = arith.subf %sub3A_1593, %broadcast_in_dim3A_1574 : vector<1x256xf32>
    %select_n3A_1595 = arith.select %gt3A_1591, %broadcast_in_dim3A_1574, %sub3A_1594 : vector<1x256xi1>, vector<1x256xf32>
    %mul3A_1596 = arith.mulf %select_n3A_1595, %broadcast_in_dim3A_1581 : vector<1x256xf32>
    %sub3A_1597 = arith.constant 1.000000e+00 : f32
    %sub3A_1598 = vector.broadcast %sub3A_1597 : f32 to vector<1x256xf32>
    %sub3A_1599 = arith.subf %sub3A_1598, %broadcast_in_dim3A_1581 : vector<1x256xf32>
    %mul3A_1600 = arith.mulf %select_n3A_1588, %sub3A_1599 : vector<1x256xf32>
    %mul3A_1601 = arith.mulf %select_n3A_1595, %broadcast_in_dim3A_1581 : vector<1x256xf32>
    %add3A_1602 = arith.addf %mul3A_1600, %mul3A_1601 : vector<1x256xf32>
    %div3A_1603 = arith.divf %mul3A_1596, %add3A_1602 : vector<1x256xf32>
    %sub3A_1604 = arith.constant 1.000000e+00 : f32
    %sub3A_1605 = vector.broadcast %sub3A_1604 : f32 to vector<1x256xf32>
    %sub3A_1606 = arith.subf %sub3A_1605, %div3A_1603 : vector<1x256xf32>
    %mul3A_1607 = arith.mulf %broadcast_in_dim3A_1556, %sub3A_1606 : vector<1x256xf32>
    %sub3A_1608 = arith.constant 1.000000e+00 : f32
    %sub3A_1609 = vector.broadcast %sub3A_1608 : f32 to vector<1x256xf32>
    %sub3A_1610 = arith.subf %sub3A_1609, %broadcast_in_dim3A_1562 : vector<1x256xf32>
    %mul3A_1611 = arith.mulf %sub3A_1610, %div3A_1603 : vector<1x256xf32>
    %add3A_1612 = arith.addf %mul3A_1607, %mul3A_1611 : vector<1x256xf32>
    %broadcast_in_dim3A_1613 = vector.shape_cast %add3A_1612 : vector<1x256xf32> to vector<1x256xf32>
    %broadcast_in_dim3A_1614 = vector.broadcast %broadcast_in_dim3A_1613 : vector<1x256xf32> to vector<50x256xf32>
    %select_n3A_1615 = arith.select %eq3A_1548, %broadcast_in_dim3A_1614, %select_n3A_1501 : vector<50x256xi1>, vector<50x256xf32>
    %mul3A_1616 = arith.mulf %select_n3A_1615, %convert_element_type3A_1526 : vector<50x256xf32>
    %reduce_sum3A_1617 = arith.constant dense<0.000000e+00> : vector<256xf32>
    %reduce_sum3A_1618 = vector.multi_reduction <add>, %mul3A_1616, %reduce_sum3A_1617 [0] : vector<50x256xf32> to vector<256xf32>
    %broadcast_in_dim3A_1619 = vector.shape_cast %reduce_sum3A_1618 : vector<256xf32> to vector<1x256xf32>
    %sub3A_1620 = arith.constant 1.000000e+00 : f32
    %sub3A_1621 = vector.broadcast %sub3A_1620 : f32 to vector<1x256xf32>
    %sub3A_1622 = arith.subf %sub3A_1621, %broadcast_in_dim3A_1619 : vector<1x256xf32>
    %mul3A_1623 = arith.mulf %broadcast_in_dim3A_1532, %sub3A_1622 : vector<1x256xf32>
    %mul3A_1624 = arith.mulf %broadcast_in_dim3A_1538, %broadcast_in_dim3A_1619 : vector<1x256xf32>
    %add3A_1625 = arith.addf %mul3A_1623, %mul3A_1624 : vector<1x256xf32>
    %swap3A_1626 = arith.constant 14 : index
    %swap3A_1627 = arith.constant 0 : index
    %swap3A_1628 = vector.load %arg5[%swap3A_1626, %swap3A_1627] : memref<20x256xf32, #tpu.memory_space<vmem>>, vector<1x256xf32>
    tpu.vector_store %arg5[%swap3A_1626, %swap3A_1627], %add3A_1625 {strides = array<i32>} : memref<20x256xf32, #tpu.memory_space<vmem>>, vector<1x256xf32>,
    %mul3A_1629 = arith.constant 256 : i32
    %mul3A_1630 = arith.muli %arg0, %mul3A_1629 : i32
    %add3A_1631 = arith.constant 31744 : i32
    %add3A_1632 = arith.addi %add3A_1631, %mul3A_1630 : i32
    %multiple_of3A_1633 = tpu.assume_multiple %add3A_1632, 256 : i32
    %get3A_1634 = arith.index_cast %multiple_of3A_1633 : i32 to index
    %get3A_1635 = vector.load %arg1[%get3A_1634] : memref<40960xi32, #tpu.memory_space<vmem>>, vector<256xi32>
    %reshape3A_1636 = vector.shape_cast %get3A_1635 : vector<256xi32> to vector<1x256xi32>
    %eq3A_1637 = vector.broadcast %reshape3A_1636 : vector<1x256xi32> to vector<50x256xi32>
    %eq3A_1638 = arith.cmpi eq, %iota3A, %eq3A_1637 : vector<50x256xi32>
    %convert_element_type3A_1639 = arith.extui %eq3A_1638 : vector<50x256xi1> to vector<50x256xi32>
    %convert_element_type3A_1640 = arith.sitofp %convert_element_type3A_1639 : vector<50x256xi32> to vector<50x256xf32>
    %slice3A_1641 = vector.extract_strided_slice %logistic3A_6 {offsets = [0, 2], sizes = [50, 1], strides = [1, 1]} : vector<50x5xf32> to vector<50x1xf32>
    %mul3A_1642 = vector.broadcast %slice3A_1641 : vector<50x1xf32> to vector<50x256xf32>
    %mul3A_1643 = arith.mulf %convert_element_type3A_1640, %mul3A_1642 : vector<50x256xf32>
    %reduce_sum3A_1644 = arith.constant dense<0.000000e+00> : vector<256xf32>
    %reduce_sum3A_1645 = vector.multi_reduction <add>, %mul3A_1643, %reduce_sum3A_1644 [0] : vector<50x256xf32> to vector<256xf32>
    %broadcast_in_dim3A_1646 = vector.shape_cast %reduce_sum3A_1645 : vector<256xf32> to vector<1x256xf32>
    %slice3A_1647 = vector.extract_strided_slice %logistic3A_6 {offsets = [0, 3], sizes = [50, 1], strides = [1, 1]} : vector<50x5xf32> to vector<50x1xf32>
    %mul3A_1648 = vector.broadcast %slice3A_1647 : vector<50x1xf32> to vector<50x256xf32>
    %mul3A_1649 = arith.mulf %convert_element_type3A_1640, %mul3A_1648 : vector<50x256xf32>
    %reduce_sum3A_1650 = arith.constant dense<0.000000e+00> : vector<256xf32>
    %reduce_sum3A_1651 = vector.multi_reduction <add>, %mul3A_1649, %reduce_sum3A_1650 [0] : vector<50x256xf32> to vector<256xf32>
    %broadcast_in_dim3A_1652 = vector.shape_cast %reduce_sum3A_1651 : vector<256xf32> to vector<1x256xf32>
    %mul3A_1653 = arith.constant 256 : i32
    %mul3A_1654 = arith.muli %arg0, %mul3A_1653 : i32
    %add3A_1655 = arith.constant 30720 : i32
    %add3A_1656 = arith.addi %add3A_1655, %mul3A_1654 : i32
    %multiple_of3A_1657 = tpu.assume_multiple %add3A_1656, 256 : i32
    %get3A_1658 = arith.index_cast %multiple_of3A_1657 : i32 to index
    %get3A_1659 = vector.load %arg1[%get3A_1658] : memref<40960xi32, #tpu.memory_space<vmem>>, vector<256xi32>
    %reshape3A_1660 = vector.shape_cast %get3A_1659 : vector<256xi32> to vector<1x256xi32>
    %eq3A_1661 = vector.broadcast %reshape3A_1660 : vector<1x256xi32> to vector<50x256xi32>
    %eq3A_1662 = arith.cmpi eq, %iota3A, %eq3A_1661 : vector<50x256xi32>
    %convert_element_type3A_1663 = arith.extui %eq3A_1662 : vector<50x256xi1> to vector<50x256xi32>
    %convert_element_type3A_1664 = arith.sitofp %convert_element_type3A_1663 : vector<50x256xi32> to vector<50x256xf32>
    %slice3A_1665 = vector.extract_strided_slice %logistic3A_6 {offsets = [0, 0], sizes = [50, 1], strides = [1, 1]} : vector<50x5xf32> to vector<50x1xf32>
    %mul3A_1666 = vector.broadcast %slice3A_1665 : vector<50x1xf32> to vector<50x256xf32>
    %mul3A_1667 = arith.mulf %convert_element_type3A_1664, %mul3A_1666 : vector<50x256xf32>
    %reduce_sum3A_1668 = arith.constant dense<0.000000e+00> : vector<256xf32>
    %reduce_sum3A_1669 = vector.multi_reduction <add>, %mul3A_1667, %reduce_sum3A_1668 [0] : vector<50x256xf32> to vector<256xf32>
    %broadcast_in_dim3A_1670 = vector.shape_cast %reduce_sum3A_1669 : vector<256xf32> to vector<1x256xf32>
    %slice3A_1671 = vector.extract_strided_slice %logistic3A_6 {offsets = [0, 1], sizes = [50, 1], strides = [1, 1]} : vector<50x5xf32> to vector<50x1xf32>
    %mul3A_1672 = vector.broadcast %slice3A_1671 : vector<50x1xf32> to vector<50x256xf32>
    %mul3A_1673 = arith.mulf %convert_element_type3A_1664, %mul3A_1672 : vector<50x256xf32>
    %reduce_sum3A_1674 = arith.constant dense<0.000000e+00> : vector<256xf32>
    %reduce_sum3A_1675 = vector.multi_reduction <add>, %mul3A_1673, %reduce_sum3A_1674 [0] : vector<50x256xf32> to vector<256xf32>
    %broadcast_in_dim3A_1676 = vector.shape_cast %reduce_sum3A_1675 : vector<256xf32> to vector<1x256xf32>
    %slice3A_1677 = vector.extract_strided_slice %logistic3A_6 {offsets = [0, 2], sizes = [50, 1], strides = [1, 1]} : vector<50x5xf32> to vector<50x1xf32>
    %mul3A_1678 = vector.broadcast %slice3A_1677 : vector<50x1xf32> to vector<50x256xf32>
    %mul3A_1679 = arith.mulf %convert_element_type3A_1664, %mul3A_1678 : vector<50x256xf32>
    %reduce_sum3A_1680 = arith.constant dense<0.000000e+00> : vector<256xf32>
    %reduce_sum3A_1681 = vector.multi_reduction <add>, %mul3A_1679, %reduce_sum3A_1680 [0] : vector<50x256xf32> to vector<256xf32>
    %broadcast_in_dim3A_1682 = vector.shape_cast %reduce_sum3A_1681 : vector<256xf32> to vector<1x256xf32>
    %slice3A_1683 = vector.extract_strided_slice %logistic3A_6 {offsets = [0, 3], sizes = [50, 1], strides = [1, 1]} : vector<50x5xf32> to vector<50x1xf32>
    %mul3A_1684 = vector.broadcast %slice3A_1683 : vector<50x1xf32> to vector<50x256xf32>
    %mul3A_1685 = arith.mulf %convert_element_type3A_1664, %mul3A_1684 : vector<50x256xf32>
    %reduce_sum3A_1686 = arith.constant dense<0.000000e+00> : vector<256xf32>
    %reduce_sum3A_1687 = vector.multi_reduction <add>, %mul3A_1685, %reduce_sum3A_1686 [0] : vector<50x256xf32> to vector<256xf32>
    %broadcast_in_dim3A_1688 = vector.shape_cast %reduce_sum3A_1687 : vector<256xf32> to vector<1x256xf32>
    %get3A_1689 = arith.constant 15 : index
    %get3A_1690 = arith.constant 0 : index
    %get3A_1691 = vector.load %arg2[%get3A_1689, %get3A_1690] : memref<20x256xf32, #tpu.memory_space<vmem>>, vector<1x256xf32>
    %mul3A_1692 = arith.mulf %select_n3A_1615, %convert_element_type3A_1664 : vector<50x256xf32>
    %reduce_sum3A_1693 = arith.constant dense<0.000000e+00> : vector<256xf32>
    %reduce_sum3A_1694 = vector.multi_reduction <add>, %mul3A_1692, %reduce_sum3A_1693 [0] : vector<50x256xf32> to vector<256xf32>
    %broadcast_in_dim3A_1695 = vector.shape_cast %reduce_sum3A_1694 : vector<256xf32> to vector<1x256xf32>
    %gt3A_1696 = arith.constant 5.000000e-01 : f32
    %gt3A_1697 = vector.broadcast %gt3A_1696 : f32 to vector<1x256xf32>
    %gt3A_1698 = arith.cmpf ogt, %get3A_1691, %gt3A_1697 : vector<1x256xf32>
    %sub3A_1699 = arith.constant 1.000000e+00 : f32
    %sub3A_1700 = vector.broadcast %sub3A_1699 : f32 to vector<1x256xf32>
    %sub3A_1701 = arith.subf %sub3A_1700, %broadcast_in_dim3A_1682 : vector<1x256xf32>
    %select_n3A_1702 = arith.select %gt3A_1698, %broadcast_in_dim3A_1682, %sub3A_1701 : vector<1x256xi1>, vector<1x256xf32>
    %gt3A_1703 = arith.constant 5.000000e-01 : f32
    %gt3A_1704 = vector.broadcast %gt3A_1703 : f32 to vector<1x256xf32>
    %gt3A_1705 = arith.cmpf ogt, %get3A_1691, %gt3A_1704 : vector<1x256xf32>
    %sub3A_1706 = arith.constant 1.000000e+00 : f32
    %sub3A_1707 = vector.broadcast %sub3A_1706 : f32 to vector<1x256xf32>
    %sub3A_1708 = arith.subf %sub3A_1707, %broadcast_in_dim3A_1688 : vector<1x256xf32>
    %select_n3A_1709 = arith.select %gt3A_1705, %broadcast_in_dim3A_1688, %sub3A_1708 : vector<1x256xi1>, vector<1x256xf32>
    %mul3A_1710 = arith.mulf %select_n3A_1709, %broadcast_in_dim3A_1695 : vector<1x256xf32>
    %sub3A_1711 = arith.constant 1.000000e+00 : f32
    %sub3A_1712 = vector.broadcast %sub3A_1711 : f32 to vector<1x256xf32>
    %sub3A_1713 = arith.subf %sub3A_1712, %broadcast_in_dim3A_1695 : vector<1x256xf32>
    %mul3A_1714 = arith.mulf %select_n3A_1702, %sub3A_1713 : vector<1x256xf32>
    %mul3A_1715 = arith.mulf %select_n3A_1709, %broadcast_in_dim3A_1695 : vector<1x256xf32>
    %add3A_1716 = arith.addf %mul3A_1714, %mul3A_1715 : vector<1x256xf32>
    %div3A_1717 = arith.divf %mul3A_1710, %add3A_1716 : vector<1x256xf32>
    %sub3A_1718 = arith.constant 1.000000e+00 : f32
    %sub3A_1719 = vector.broadcast %sub3A_1718 : f32 to vector<1x256xf32>
    %sub3A_1720 = arith.subf %sub3A_1719, %div3A_1717 : vector<1x256xf32>
    %mul3A_1721 = arith.mulf %broadcast_in_dim3A_1670, %sub3A_1720 : vector<1x256xf32>
    %sub3A_1722 = arith.constant 1.000000e+00 : f32
    %sub3A_1723 = vector.broadcast %sub3A_1722 : f32 to vector<1x256xf32>
    %sub3A_1724 = arith.subf %sub3A_1723, %broadcast_in_dim3A_1676 : vector<1x256xf32>
    %mul3A_1725 = arith.mulf %sub3A_1724, %div3A_1717 : vector<1x256xf32>
    %add3A_1726 = arith.addf %mul3A_1721, %mul3A_1725 : vector<1x256xf32>
    %broadcast_in_dim3A_1727 = vector.shape_cast %add3A_1726 : vector<1x256xf32> to vector<1x256xf32>
    %broadcast_in_dim3A_1728 = vector.broadcast %broadcast_in_dim3A_1727 : vector<1x256xf32> to vector<50x256xf32>
    %select_n3A_1729 = arith.select %eq3A_1662, %broadcast_in_dim3A_1728, %select_n3A_1615 : vector<50x256xi1>, vector<50x256xf32>
    %mul3A_1730 = arith.mulf %select_n3A_1729, %convert_element_type3A_1640 : vector<50x256xf32>
    %reduce_sum3A_1731 = arith.constant dense<0.000000e+00> : vector<256xf32>
    %reduce_sum3A_1732 = vector.multi_reduction <add>, %mul3A_1730, %reduce_sum3A_1731 [0] : vector<50x256xf32> to vector<256xf32>
    %broadcast_in_dim3A_1733 = vector.shape_cast %reduce_sum3A_1732 : vector<256xf32> to vector<1x256xf32>
    %sub3A_1734 = arith.constant 1.000000e+00 : f32
    %sub3A_1735 = vector.broadcast %sub3A_1734 : f32 to vector<1x256xf32>
    %sub3A_1736 = arith.subf %sub3A_1735, %broadcast_in_dim3A_1733 : vector<1x256xf32>
    %mul3A_1737 = arith.mulf %broadcast_in_dim3A_1646, %sub3A_1736 : vector<1x256xf32>
    %mul3A_1738 = arith.mulf %broadcast_in_dim3A_1652, %broadcast_in_dim3A_1733 : vector<1x256xf32>
    %add3A_1739 = arith.addf %mul3A_1737, %mul3A_1738 : vector<1x256xf32>
    %swap3A_1740 = arith.constant 15 : index
    %swap3A_1741 = arith.constant 0 : index
    %swap3A_1742 = vector.load %arg5[%swap3A_1740, %swap3A_1741] : memref<20x256xf32, #tpu.memory_space<vmem>>, vector<1x256xf32>
    tpu.vector_store %arg5[%swap3A_1740, %swap3A_1741], %add3A_1739 {strides = array<i32>} : memref<20x256xf32, #tpu.memory_space<vmem>>, vector<1x256xf32>,
    %mul3A_1743 = arith.constant 256 : i32
    %mul3A_1744 = arith.muli %arg0, %mul3A_1743 : i32
    %add3A_1745 = arith.constant 33792 : i32
    %add3A_1746 = arith.addi %add3A_1745, %mul3A_1744 : i32
    %multiple_of3A_1747 = tpu.assume_multiple %add3A_1746, 256 : i32
    %get3A_1748 = arith.index_cast %multiple_of3A_1747 : i32 to index
    %get3A_1749 = vector.load %arg1[%get3A_1748] : memref<40960xi32, #tpu.memory_space<vmem>>, vector<256xi32>
    %reshape3A_1750 = vector.shape_cast %get3A_1749 : vector<256xi32> to vector<1x256xi32>
    %eq3A_1751 = vector.broadcast %reshape3A_1750 : vector<1x256xi32> to vector<50x256xi32>
    %eq3A_1752 = arith.cmpi eq, %iota3A, %eq3A_1751 : vector<50x256xi32>
    %convert_element_type3A_1753 = arith.extui %eq3A_1752 : vector<50x256xi1> to vector<50x256xi32>
    %convert_element_type3A_1754 = arith.sitofp %convert_element_type3A_1753 : vector<50x256xi32> to vector<50x256xf32>
    %slice3A_1755 = vector.extract_strided_slice %logistic3A_6 {offsets = [0, 2], sizes = [50, 1], strides = [1, 1]} : vector<50x5xf32> to vector<50x1xf32>
    %mul3A_1756 = vector.broadcast %slice3A_1755 : vector<50x1xf32> to vector<50x256xf32>
    %mul3A_1757 = arith.mulf %convert_element_type3A_1754, %mul3A_1756 : vector<50x256xf32>
    %reduce_sum3A_1758 = arith.constant dense<0.000000e+00> : vector<256xf32>
    %reduce_sum3A_1759 = vector.multi_reduction <add>, %mul3A_1757, %reduce_sum3A_1758 [0] : vector<50x256xf32> to vector<256xf32>
    %broadcast_in_dim3A_1760 = vector.shape_cast %reduce_sum3A_1759 : vector<256xf32> to vector<1x256xf32>
    %slice3A_1761 = vector.extract_strided_slice %logistic3A_6 {offsets = [0, 3], sizes = [50, 1], strides = [1, 1]} : vector<50x5xf32> to vector<50x1xf32>
    %mul3A_1762 = vector.broadcast %slice3A_1761 : vector<50x1xf32> to vector<50x256xf32>
    %mul3A_1763 = arith.mulf %convert_element_type3A_1754, %mul3A_1762 : vector<50x256xf32>
    %reduce_sum3A_1764 = arith.constant dense<0.000000e+00> : vector<256xf32>
    %reduce_sum3A_1765 = vector.multi_reduction <add>, %mul3A_1763, %reduce_sum3A_1764 [0] : vector<50x256xf32> to vector<256xf32>
    %broadcast_in_dim3A_1766 = vector.shape_cast %reduce_sum3A_1765 : vector<256xf32> to vector<1x256xf32>
    %mul3A_1767 = arith.constant 256 : i32
    %mul3A_1768 = arith.muli %arg0, %mul3A_1767 : i32
    %add3A_1769 = arith.constant 32768 : i32
    %add3A_1770 = arith.addi %add3A_1769, %mul3A_1768 : i32
    %multiple_of3A_1771 = tpu.assume_multiple %add3A_1770, 256 : i32
    %get3A_1772 = arith.index_cast %multiple_of3A_1771 : i32 to index
    %get3A_1773 = vector.load %arg1[%get3A_1772] : memref<40960xi32, #tpu.memory_space<vmem>>, vector<256xi32>
    %reshape3A_1774 = vector.shape_cast %get3A_1773 : vector<256xi32> to vector<1x256xi32>
    %eq3A_1775 = vector.broadcast %reshape3A_1774 : vector<1x256xi32> to vector<50x256xi32>
    %eq3A_1776 = arith.cmpi eq, %iota3A, %eq3A_1775 : vector<50x256xi32>
    %convert_element_type3A_1777 = arith.extui %eq3A_1776 : vector<50x256xi1> to vector<50x256xi32>
    %convert_element_type3A_1778 = arith.sitofp %convert_element_type3A_1777 : vector<50x256xi32> to vector<50x256xf32>
    %slice3A_1779 = vector.extract_strided_slice %logistic3A_6 {offsets = [0, 0], sizes = [50, 1], strides = [1, 1]} : vector<50x5xf32> to vector<50x1xf32>
    %mul3A_1780 = vector.broadcast %slice3A_1779 : vector<50x1xf32> to vector<50x256xf32>
    %mul3A_1781 = arith.mulf %convert_element_type3A_1778, %mul3A_1780 : vector<50x256xf32>
    %reduce_sum3A_1782 = arith.constant dense<0.000000e+00> : vector<256xf32>
    %reduce_sum3A_1783 = vector.multi_reduction <add>, %mul3A_1781, %reduce_sum3A_1782 [0] : vector<50x256xf32> to vector<256xf32>
    %broadcast_in_dim3A_1784 = vector.shape_cast %reduce_sum3A_1783 : vector<256xf32> to vector<1x256xf32>
    %slice3A_1785 = vector.extract_strided_slice %logistic3A_6 {offsets = [0, 1], sizes = [50, 1], strides = [1, 1]} : vector<50x5xf32> to vector<50x1xf32>
    %mul3A_1786 = vector.broadcast %slice3A_1785 : vector<50x1xf32> to vector<50x256xf32>
    %mul3A_1787 = arith.mulf %convert_element_type3A_1778, %mul3A_1786 : vector<50x256xf32>
    %reduce_sum3A_1788 = arith.constant dense<0.000000e+00> : vector<256xf32>
    %reduce_sum3A_1789 = vector.multi_reduction <add>, %mul3A_1787, %reduce_sum3A_1788 [0] : vector<50x256xf32> to vector<256xf32>
    %broadcast_in_dim3A_1790 = vector.shape_cast %reduce_sum3A_1789 : vector<256xf32> to vector<1x256xf32>
    %slice3A_1791 = vector.extract_strided_slice %logistic3A_6 {offsets = [0, 2], sizes = [50, 1], strides = [1, 1]} : vector<50x5xf32> to vector<50x1xf32>
    %mul3A_1792 = vector.broadcast %slice3A_1791 : vector<50x1xf32> to vector<50x256xf32>
    %mul3A_1793 = arith.mulf %convert_element_type3A_1778, %mul3A_1792 : vector<50x256xf32>
    %reduce_sum3A_1794 = arith.constant dense<0.000000e+00> : vector<256xf32>
    %reduce_sum3A_1795 = vector.multi_reduction <add>, %mul3A_1793, %reduce_sum3A_1794 [0] : vector<50x256xf32> to vector<256xf32>
    %broadcast_in_dim3A_1796 = vector.shape_cast %reduce_sum3A_1795 : vector<256xf32> to vector<1x256xf32>
    %slice3A_1797 = vector.extract_strided_slice %logistic3A_6 {offsets = [0, 3], sizes = [50, 1], strides = [1, 1]} : vector<50x5xf32> to vector<50x1xf32>
    %mul3A_1798 = vector.broadcast %slice3A_1797 : vector<50x1xf32> to vector<50x256xf32>
    %mul3A_1799 = arith.mulf %convert_element_type3A_1778, %mul3A_1798 : vector<50x256xf32>
    %reduce_sum3A_1800 = arith.constant dense<0.000000e+00> : vector<256xf32>
    %reduce_sum3A_1801 = vector.multi_reduction <add>, %mul3A_1799, %reduce_sum3A_1800 [0] : vector<50x256xf32> to vector<256xf32>
    %broadcast_in_dim3A_1802 = vector.shape_cast %reduce_sum3A_1801 : vector<256xf32> to vector<1x256xf32>
    %get3A_1803 = arith.constant 16 : index
    %get3A_1804 = arith.constant 0 : index
    %get3A_1805 = vector.load %arg2[%get3A_1803, %get3A_1804] : memref<20x256xf32, #tpu.memory_space<vmem>>, vector<1x256xf32>
    %mul3A_1806 = arith.mulf %select_n3A_1729, %convert_element_type3A_1778 : vector<50x256xf32>
    %reduce_sum3A_1807 = arith.constant dense<0.000000e+00> : vector<256xf32>
    %reduce_sum3A_1808 = vector.multi_reduction <add>, %mul3A_1806, %reduce_sum3A_1807 [0] : vector<50x256xf32> to vector<256xf32>
    %broadcast_in_dim3A_1809 = vector.shape_cast %reduce_sum3A_1808 : vector<256xf32> to vector<1x256xf32>
    %gt3A_1810 = arith.constant 5.000000e-01 : f32
    %gt3A_1811 = vector.broadcast %gt3A_1810 : f32 to vector<1x256xf32>
    %gt3A_1812 = arith.cmpf ogt, %get3A_1805, %gt3A_1811 : vector<1x256xf32>
    %sub3A_1813 = arith.constant 1.000000e+00 : f32
    %sub3A_1814 = vector.broadcast %sub3A_1813 : f32 to vector<1x256xf32>
    %sub3A_1815 = arith.subf %sub3A_1814, %broadcast_in_dim3A_1796 : vector<1x256xf32>
    %select_n3A_1816 = arith.select %gt3A_1812, %broadcast_in_dim3A_1796, %sub3A_1815 : vector<1x256xi1>, vector<1x256xf32>
    %gt3A_1817 = arith.constant 5.000000e-01 : f32
    %gt3A_1818 = vector.broadcast %gt3A_1817 : f32 to vector<1x256xf32>
    %gt3A_1819 = arith.cmpf ogt, %get3A_1805, %gt3A_1818 : vector<1x256xf32>
    %sub3A_1820 = arith.constant 1.000000e+00 : f32
    %sub3A_1821 = vector.broadcast %sub3A_1820 : f32 to vector<1x256xf32>
    %sub3A_1822 = arith.subf %sub3A_1821, %broadcast_in_dim3A_1802 : vector<1x256xf32>
    %select_n3A_1823 = arith.select %gt3A_1819, %broadcast_in_dim3A_1802, %sub3A_1822 : vector<1x256xi1>, vector<1x256xf32>
    %mul3A_1824 = arith.mulf %select_n3A_1823, %broadcast_in_dim3A_1809 : vector<1x256xf32>
    %sub3A_1825 = arith.constant 1.000000e+00 : f32
    %sub3A_1826 = vector.broadcast %sub3A_1825 : f32 to vector<1x256xf32>
    %sub3A_1827 = arith.subf %sub3A_1826, %broadcast_in_dim3A_1809 : vector<1x256xf32>
    %mul3A_1828 = arith.mulf %select_n3A_1816, %sub3A_1827 : vector<1x256xf32>
    %mul3A_1829 = arith.mulf %select_n3A_1823, %broadcast_in_dim3A_1809 : vector<1x256xf32>
    %add3A_1830 = arith.addf %mul3A_1828, %mul3A_1829 : vector<1x256xf32>
    %div3A_1831 = arith.divf %mul3A_1824, %add3A_1830 : vector<1x256xf32>
    %sub3A_1832 = arith.constant 1.000000e+00 : f32
    %sub3A_1833 = vector.broadcast %sub3A_1832 : f32 to vector<1x256xf32>
    %sub3A_1834 = arith.subf %sub3A_1833, %div3A_1831 : vector<1x256xf32>
    %mul3A_1835 = arith.mulf %broadcast_in_dim3A_1784, %sub3A_1834 : vector<1x256xf32>
    %sub3A_1836 = arith.constant 1.000000e+00 : f32
    %sub3A_1837 = vector.broadcast %sub3A_1836 : f32 to vector<1x256xf32>
    %sub3A_1838 = arith.subf %sub3A_1837, %broadcast_in_dim3A_1790 : vector<1x256xf32>
    %mul3A_1839 = arith.mulf %sub3A_1838, %div3A_1831 : vector<1x256xf32>
    %add3A_1840 = arith.addf %mul3A_1835, %mul3A_1839 : vector<1x256xf32>
    %broadcast_in_dim3A_1841 = vector.shape_cast %add3A_1840 : vector<1x256xf32> to vector<1x256xf32>
    %broadcast_in_dim3A_1842 = vector.broadcast %broadcast_in_dim3A_1841 : vector<1x256xf32> to vector<50x256xf32>
    %select_n3A_1843 = arith.select %eq3A_1776, %broadcast_in_dim3A_1842, %select_n3A_1729 : vector<50x256xi1>, vector<50x256xf32>
    %mul3A_1844 = arith.mulf %select_n3A_1843, %convert_element_type3A_1754 : vector<50x256xf32>
    %reduce_sum3A_1845 = arith.constant dense<0.000000e+00> : vector<256xf32>
    %reduce_sum3A_1846 = vector.multi_reduction <add>, %mul3A_1844, %reduce_sum3A_1845 [0] : vector<50x256xf32> to vector<256xf32>
    %broadcast_in_dim3A_1847 = vector.shape_cast %reduce_sum3A_1846 : vector<256xf32> to vector<1x256xf32>
    %sub3A_1848 = arith.constant 1.000000e+00 : f32
    %sub3A_1849 = vector.broadcast %sub3A_1848 : f32 to vector<1x256xf32>
    %sub3A_1850 = arith.subf %sub3A_1849, %broadcast_in_dim3A_1847 : vector<1x256xf32>
    %mul3A_1851 = arith.mulf %broadcast_in_dim3A_1760, %sub3A_1850 : vector<1x256xf32>
    %mul3A_1852 = arith.mulf %broadcast_in_dim3A_1766, %broadcast_in_dim3A_1847 : vector<1x256xf32>
    %add3A_1853 = arith.addf %mul3A_1851, %mul3A_1852 : vector<1x256xf32>
    %swap3A_1854 = arith.constant 16 : index
    %swap3A_1855 = arith.constant 0 : index
    %swap3A_1856 = vector.load %arg5[%swap3A_1854, %swap3A_1855] : memref<20x256xf32, #tpu.memory_space<vmem>>, vector<1x256xf32>
    tpu.vector_store %arg5[%swap3A_1854, %swap3A_1855], %add3A_1853 {strides = array<i32>} : memref<20x256xf32, #tpu.memory_space<vmem>>, vector<1x256xf32>,
    %mul3A_1857 = arith.constant 256 : i32
    %mul3A_1858 = arith.muli %arg0, %mul3A_1857 : i32
    %add3A_1859 = arith.constant 35840 : i32
    %add3A_1860 = arith.addi %add3A_1859, %mul3A_1858 : i32
    %multiple_of3A_1861 = tpu.assume_multiple %add3A_1860, 256 : i32
    %get3A_1862 = arith.index_cast %multiple_of3A_1861 : i32 to index
    %get3A_1863 = vector.load %arg1[%get3A_1862] : memref<40960xi32, #tpu.memory_space<vmem>>, vector<256xi32>
    %reshape3A_1864 = vector.shape_cast %get3A_1863 : vector<256xi32> to vector<1x256xi32>
    %eq3A_1865 = vector.broadcast %reshape3A_1864 : vector<1x256xi32> to vector<50x256xi32>
    %eq3A_1866 = arith.cmpi eq, %iota3A, %eq3A_1865 : vector<50x256xi32>
    %convert_element_type3A_1867 = arith.extui %eq3A_1866 : vector<50x256xi1> to vector<50x256xi32>
    %convert_element_type3A_1868 = arith.sitofp %convert_element_type3A_1867 : vector<50x256xi32> to vector<50x256xf32>
    %slice3A_1869 = vector.extract_strided_slice %logistic3A_6 {offsets = [0, 2], sizes = [50, 1], strides = [1, 1]} : vector<50x5xf32> to vector<50x1xf32>
    %mul3A_1870 = vector.broadcast %slice3A_1869 : vector<50x1xf32> to vector<50x256xf32>
    %mul3A_1871 = arith.mulf %convert_element_type3A_1868, %mul3A_1870 : vector<50x256xf32>
    %reduce_sum3A_1872 = arith.constant dense<0.000000e+00> : vector<256xf32>
    %reduce_sum3A_1873 = vector.multi_reduction <add>, %mul3A_1871, %reduce_sum3A_1872 [0] : vector<50x256xf32> to vector<256xf32>
    %broadcast_in_dim3A_1874 = vector.shape_cast %reduce_sum3A_1873 : vector<256xf32> to vector<1x256xf32>
    %slice3A_1875 = vector.extract_strided_slice %logistic3A_6 {offsets = [0, 3], sizes = [50, 1], strides = [1, 1]} : vector<50x5xf32> to vector<50x1xf32>
    %mul3A_1876 = vector.broadcast %slice3A_1875 : vector<50x1xf32> to vector<50x256xf32>
    %mul3A_1877 = arith.mulf %convert_element_type3A_1868, %mul3A_1876 : vector<50x256xf32>
    %reduce_sum3A_1878 = arith.constant dense<0.000000e+00> : vector<256xf32>
    %reduce_sum3A_1879 = vector.multi_reduction <add>, %mul3A_1877, %reduce_sum3A_1878 [0] : vector<50x256xf32> to vector<256xf32>
    %broadcast_in_dim3A_1880 = vector.shape_cast %reduce_sum3A_1879 : vector<256xf32> to vector<1x256xf32>
    %mul3A_1881 = arith.constant 256 : i32
    %mul3A_1882 = arith.muli %arg0, %mul3A_1881 : i32
    %add3A_1883 = arith.constant 34816 : i32
    %add3A_1884 = arith.addi %add3A_1883, %mul3A_1882 : i32
    %multiple_of3A_1885 = tpu.assume_multiple %add3A_1884, 256 : i32
    %get3A_1886 = arith.index_cast %multiple_of3A_1885 : i32 to index
    %get3A_1887 = vector.load %arg1[%get3A_1886] : memref<40960xi32, #tpu.memory_space<vmem>>, vector<256xi32>
    %reshape3A_1888 = vector.shape_cast %get3A_1887 : vector<256xi32> to vector<1x256xi32>
    %eq3A_1889 = vector.broadcast %reshape3A_1888 : vector<1x256xi32> to vector<50x256xi32>
    %eq3A_1890 = arith.cmpi eq, %iota3A, %eq3A_1889 : vector<50x256xi32>
    %convert_element_type3A_1891 = arith.extui %eq3A_1890 : vector<50x256xi1> to vector<50x256xi32>
    %convert_element_type3A_1892 = arith.sitofp %convert_element_type3A_1891 : vector<50x256xi32> to vector<50x256xf32>
    %slice3A_1893 = vector.extract_strided_slice %logistic3A_6 {offsets = [0, 0], sizes = [50, 1], strides = [1, 1]} : vector<50x5xf32> to vector<50x1xf32>
    %mul3A_1894 = vector.broadcast %slice3A_1893 : vector<50x1xf32> to vector<50x256xf32>
    %mul3A_1895 = arith.mulf %convert_element_type3A_1892, %mul3A_1894 : vector<50x256xf32>
    %reduce_sum3A_1896 = arith.constant dense<0.000000e+00> : vector<256xf32>
    %reduce_sum3A_1897 = vector.multi_reduction <add>, %mul3A_1895, %reduce_sum3A_1896 [0] : vector<50x256xf32> to vector<256xf32>
    %broadcast_in_dim3A_1898 = vector.shape_cast %reduce_sum3A_1897 : vector<256xf32> to vector<1x256xf32>
    %slice3A_1899 = vector.extract_strided_slice %logistic3A_6 {offsets = [0, 1], sizes = [50, 1], strides = [1, 1]} : vector<50x5xf32> to vector<50x1xf32>
    %mul3A_1900 = vector.broadcast %slice3A_1899 : vector<50x1xf32> to vector<50x256xf32>
    %mul3A_1901 = arith.mulf %convert_element_type3A_1892, %mul3A_1900 : vector<50x256xf32>
    %reduce_sum3A_1902 = arith.constant dense<0.000000e+00> : vector<256xf32>
    %reduce_sum3A_1903 = vector.multi_reduction <add>, %mul3A_1901, %reduce_sum3A_1902 [0] : vector<50x256xf32> to vector<256xf32>
    %broadcast_in_dim3A_1904 = vector.shape_cast %reduce_sum3A_1903 : vector<256xf32> to vector<1x256xf32>
    %slice3A_1905 = vector.extract_strided_slice %logistic3A_6 {offsets = [0, 2], sizes = [50, 1], strides = [1, 1]} : vector<50x5xf32> to vector<50x1xf32>
    %mul3A_1906 = vector.broadcast %slice3A_1905 : vector<50x1xf32> to vector<50x256xf32>
    %mul3A_1907 = arith.mulf %convert_element_type3A_1892, %mul3A_1906 : vector<50x256xf32>
    %reduce_sum3A_1908 = arith.constant dense<0.000000e+00> : vector<256xf32>
    %reduce_sum3A_1909 = vector.multi_reduction <add>, %mul3A_1907, %reduce_sum3A_1908 [0] : vector<50x256xf32> to vector<256xf32>
    %broadcast_in_dim3A_1910 = vector.shape_cast %reduce_sum3A_1909 : vector<256xf32> to vector<1x256xf32>
    %slice3A_1911 = vector.extract_strided_slice %logistic3A_6 {offsets = [0, 3], sizes = [50, 1], strides = [1, 1]} : vector<50x5xf32> to vector<50x1xf32>
    %mul3A_1912 = vector.broadcast %slice3A_1911 : vector<50x1xf32> to vector<50x256xf32>
    %mul3A_1913 = arith.mulf %convert_element_type3A_1892, %mul3A_1912 : vector<50x256xf32>
    %reduce_sum3A_1914 = arith.constant dense<0.000000e+00> : vector<256xf32>
    %reduce_sum3A_1915 = vector.multi_reduction <add>, %mul3A_1913, %reduce_sum3A_1914 [0] : vector<50x256xf32> to vector<256xf32>
    %broadcast_in_dim3A_1916 = vector.shape_cast %reduce_sum3A_1915 : vector<256xf32> to vector<1x256xf32>
    %get3A_1917 = arith.constant 17 : index
    %get3A_1918 = arith.constant 0 : index
    %get3A_1919 = vector.load %arg2[%get3A_1917, %get3A_1918] : memref<20x256xf32, #tpu.memory_space<vmem>>, vector<1x256xf32>
    %mul3A_1920 = arith.mulf %select_n3A_1843, %convert_element_type3A_1892 : vector<50x256xf32>
    %reduce_sum3A_1921 = arith.constant dense<0.000000e+00> : vector<256xf32>
    %reduce_sum3A_1922 = vector.multi_reduction <add>, %mul3A_1920, %reduce_sum3A_1921 [0] : vector<50x256xf32> to vector<256xf32>
    %broadcast_in_dim3A_1923 = vector.shape_cast %reduce_sum3A_1922 : vector<256xf32> to vector<1x256xf32>
    %gt3A_1924 = arith.constant 5.000000e-01 : f32
    %gt3A_1925 = vector.broadcast %gt3A_1924 : f32 to vector<1x256xf32>
    %gt3A_1926 = arith.cmpf ogt, %get3A_1919, %gt3A_1925 : vector<1x256xf32>
    %sub3A_1927 = arith.constant 1.000000e+00 : f32
    %sub3A_1928 = vector.broadcast %sub3A_1927 : f32 to vector<1x256xf32>
    %sub3A_1929 = arith.subf %sub3A_1928, %broadcast_in_dim3A_1910 : vector<1x256xf32>
    %select_n3A_1930 = arith.select %gt3A_1926, %broadcast_in_dim3A_1910, %sub3A_1929 : vector<1x256xi1>, vector<1x256xf32>
    %gt3A_1931 = arith.constant 5.000000e-01 : f32
    %gt3A_1932 = vector.broadcast %gt3A_1931 : f32 to vector<1x256xf32>
    %gt3A_1933 = arith.cmpf ogt, %get3A_1919, %gt3A_1932 : vector<1x256xf32>
    %sub3A_1934 = arith.constant 1.000000e+00 : f32
    %sub3A_1935 = vector.broadcast %sub3A_1934 : f32 to vector<1x256xf32>
    %sub3A_1936 = arith.subf %sub3A_1935, %broadcast_in_dim3A_1916 : vector<1x256xf32>
    %select_n3A_1937 = arith.select %gt3A_1933, %broadcast_in_dim3A_1916, %sub3A_1936 : vector<1x256xi1>, vector<1x256xf32>
    %mul3A_1938 = arith.mulf %select_n3A_1937, %broadcast_in_dim3A_1923 : vector<1x256xf32>
    %sub3A_1939 = arith.constant 1.000000e+00 : f32
    %sub3A_1940 = vector.broadcast %sub3A_1939 : f32 to vector<1x256xf32>
    %sub3A_1941 = arith.subf %sub3A_1940, %broadcast_in_dim3A_1923 : vector<1x256xf32>
    %mul3A_1942 = arith.mulf %select_n3A_1930, %sub3A_1941 : vector<1x256xf32>
    %mul3A_1943 = arith.mulf %select_n3A_1937, %broadcast_in_dim3A_1923 : vector<1x256xf32>
    %add3A_1944 = arith.addf %mul3A_1942, %mul3A_1943 : vector<1x256xf32>
    %div3A_1945 = arith.divf %mul3A_1938, %add3A_1944 : vector<1x256xf32>
    %sub3A_1946 = arith.constant 1.000000e+00 : f32
    %sub3A_1947 = vector.broadcast %sub3A_1946 : f32 to vector<1x256xf32>
    %sub3A_1948 = arith.subf %sub3A_1947, %div3A_1945 : vector<1x256xf32>
    %mul3A_1949 = arith.mulf %broadcast_in_dim3A_1898, %sub3A_1948 : vector<1x256xf32>
    %sub3A_1950 = arith.constant 1.000000e+00 : f32
    %sub3A_1951 = vector.broadcast %sub3A_1950 : f32 to vector<1x256xf32>
    %sub3A_1952 = arith.subf %sub3A_1951, %broadcast_in_dim3A_1904 : vector<1x256xf32>
    %mul3A_1953 = arith.mulf %sub3A_1952, %div3A_1945 : vector<1x256xf32>
    %add3A_1954 = arith.addf %mul3A_1949, %mul3A_1953 : vector<1x256xf32>
    %broadcast_in_dim3A_1955 = vector.shape_cast %add3A_1954 : vector<1x256xf32> to vector<1x256xf32>
    %broadcast_in_dim3A_1956 = vector.broadcast %broadcast_in_dim3A_1955 : vector<1x256xf32> to vector<50x256xf32>
    %select_n3A_1957 = arith.select %eq3A_1890, %broadcast_in_dim3A_1956, %select_n3A_1843 : vector<50x256xi1>, vector<50x256xf32>
    %mul3A_1958 = arith.mulf %select_n3A_1957, %convert_element_type3A_1868 : vector<50x256xf32>
    %reduce_sum3A_1959 = arith.constant dense<0.000000e+00> : vector<256xf32>
    %reduce_sum3A_1960 = vector.multi_reduction <add>, %mul3A_1958, %reduce_sum3A_1959 [0] : vector<50x256xf32> to vector<256xf32>
    %broadcast_in_dim3A_1961 = vector.shape_cast %reduce_sum3A_1960 : vector<256xf32> to vector<1x256xf32>
    %sub3A_1962 = arith.constant 1.000000e+00 : f32
    %sub3A_1963 = vector.broadcast %sub3A_1962 : f32 to vector<1x256xf32>
    %sub3A_1964 = arith.subf %sub3A_1963, %broadcast_in_dim3A_1961 : vector<1x256xf32>
    %mul3A_1965 = arith.mulf %broadcast_in_dim3A_1874, %sub3A_1964 : vector<1x256xf32>
    %mul3A_1966 = arith.mulf %broadcast_in_dim3A_1880, %broadcast_in_dim3A_1961 : vector<1x256xf32>
    %add3A_1967 = arith.addf %mul3A_1965, %mul3A_1966 : vector<1x256xf32>
    %swap3A_1968 = arith.constant 17 : index
    %swap3A_1969 = arith.constant 0 : index
    %swap3A_1970 = vector.load %arg5[%swap3A_1968, %swap3A_1969] : memref<20x256xf32, #tpu.memory_space<vmem>>, vector<1x256xf32>
    tpu.vector_store %arg5[%swap3A_1968, %swap3A_1969], %add3A_1967 {strides = array<i32>} : memref<20x256xf32, #tpu.memory_space<vmem>>, vector<1x256xf32>,
    %mul3A_1971 = arith.constant 256 : i32
    %mul3A_1972 = arith.muli %arg0, %mul3A_1971 : i32
    %add3A_1973 = arith.constant 37888 : i32
    %add3A_1974 = arith.addi %add3A_1973, %mul3A_1972 : i32
    %multiple_of3A_1975 = tpu.assume_multiple %add3A_1974, 256 : i32
    %get3A_1976 = arith.index_cast %multiple_of3A_1975 : i32 to index
    %get3A_1977 = vector.load %arg1[%get3A_1976] : memref<40960xi32, #tpu.memory_space<vmem>>, vector<256xi32>
    %reshape3A_1978 = vector.shape_cast %get3A_1977 : vector<256xi32> to vector<1x256xi32>
    %eq3A_1979 = vector.broadcast %reshape3A_1978 : vector<1x256xi32> to vector<50x256xi32>
    %eq3A_1980 = arith.cmpi eq, %iota3A, %eq3A_1979 : vector<50x256xi32>
    %convert_element_type3A_1981 = arith.extui %eq3A_1980 : vector<50x256xi1> to vector<50x256xi32>
    %convert_element_type3A_1982 = arith.sitofp %convert_element_type3A_1981 : vector<50x256xi32> to vector<50x256xf32>
    %slice3A_1983 = vector.extract_strided_slice %logistic3A_6 {offsets = [0, 2], sizes = [50, 1], strides = [1, 1]} : vector<50x5xf32> to vector<50x1xf32>
    %mul3A_1984 = vector.broadcast %slice3A_1983 : vector<50x1xf32> to vector<50x256xf32>
    %mul3A_1985 = arith.mulf %convert_element_type3A_1982, %mul3A_1984 : vector<50x256xf32>
    %reduce_sum3A_1986 = arith.constant dense<0.000000e+00> : vector<256xf32>
    %reduce_sum3A_1987 = vector.multi_reduction <add>, %mul3A_1985, %reduce_sum3A_1986 [0] : vector<50x256xf32> to vector<256xf32>
    %broadcast_in_dim3A_1988 = vector.shape_cast %reduce_sum3A_1987 : vector<256xf32> to vector<1x256xf32>
    %slice3A_1989 = vector.extract_strided_slice %logistic3A_6 {offsets = [0, 3], sizes = [50, 1], strides = [1, 1]} : vector<50x5xf32> to vector<50x1xf32>
    %mul3A_1990 = vector.broadcast %slice3A_1989 : vector<50x1xf32> to vector<50x256xf32>
    %mul3A_1991 = arith.mulf %convert_element_type3A_1982, %mul3A_1990 : vector<50x256xf32>
    %reduce_sum3A_1992 = arith.constant dense<0.000000e+00> : vector<256xf32>
    %reduce_sum3A_1993 = vector.multi_reduction <add>, %mul3A_1991, %reduce_sum3A_1992 [0] : vector<50x256xf32> to vector<256xf32>
    %broadcast_in_dim3A_1994 = vector.shape_cast %reduce_sum3A_1993 : vector<256xf32> to vector<1x256xf32>
    %mul3A_1995 = arith.constant 256 : i32
    %mul3A_1996 = arith.muli %arg0, %mul3A_1995 : i32
    %add3A_1997 = arith.constant 36864 : i32
    %add3A_1998 = arith.addi %add3A_1997, %mul3A_1996 : i32
    %multiple_of3A_1999 = tpu.assume_multiple %add3A_1998, 256 : i32
    %get3A_2000 = arith.index_cast %multiple_of3A_1999 : i32 to index
    %get3A_2001 = vector.load %arg1[%get3A_2000] : memref<40960xi32, #tpu.memory_space<vmem>>, vector<256xi32>
    %reshape3A_2002 = vector.shape_cast %get3A_2001 : vector<256xi32> to vector<1x256xi32>
    %eq3A_2003 = vector.broadcast %reshape3A_2002 : vector<1x256xi32> to vector<50x256xi32>
    %eq3A_2004 = arith.cmpi eq, %iota3A, %eq3A_2003 : vector<50x256xi32>
    %convert_element_type3A_2005 = arith.extui %eq3A_2004 : vector<50x256xi1> to vector<50x256xi32>
    %convert_element_type3A_2006 = arith.sitofp %convert_element_type3A_2005 : vector<50x256xi32> to vector<50x256xf32>
    %slice3A_2007 = vector.extract_strided_slice %logistic3A_6 {offsets = [0, 0], sizes = [50, 1], strides = [1, 1]} : vector<50x5xf32> to vector<50x1xf32>
    %mul3A_2008 = vector.broadcast %slice3A_2007 : vector<50x1xf32> to vector<50x256xf32>
    %mul3A_2009 = arith.mulf %convert_element_type3A_2006, %mul3A_2008 : vector<50x256xf32>
    %reduce_sum3A_2010 = arith.constant dense<0.000000e+00> : vector<256xf32>
    %reduce_sum3A_2011 = vector.multi_reduction <add>, %mul3A_2009, %reduce_sum3A_2010 [0] : vector<50x256xf32> to vector<256xf32>
    %broadcast_in_dim3A_2012 = vector.shape_cast %reduce_sum3A_2011 : vector<256xf32> to vector<1x256xf32>
    %slice3A_2013 = vector.extract_strided_slice %logistic3A_6 {offsets = [0, 1], sizes = [50, 1], strides = [1, 1]} : vector<50x5xf32> to vector<50x1xf32>
    %mul3A_2014 = vector.broadcast %slice3A_2013 : vector<50x1xf32> to vector<50x256xf32>
    %mul3A_2015 = arith.mulf %convert_element_type3A_2006, %mul3A_2014 : vector<50x256xf32>
    %reduce_sum3A_2016 = arith.constant dense<0.000000e+00> : vector<256xf32>
    %reduce_sum3A_2017 = vector.multi_reduction <add>, %mul3A_2015, %reduce_sum3A_2016 [0] : vector<50x256xf32> to vector<256xf32>
    %broadcast_in_dim3A_2018 = vector.shape_cast %reduce_sum3A_2017 : vector<256xf32> to vector<1x256xf32>
    %slice3A_2019 = vector.extract_strided_slice %logistic3A_6 {offsets = [0, 2], sizes = [50, 1], strides = [1, 1]} : vector<50x5xf32> to vector<50x1xf32>
    %mul3A_2020 = vector.broadcast %slice3A_2019 : vector<50x1xf32> to vector<50x256xf32>
    %mul3A_2021 = arith.mulf %convert_element_type3A_2006, %mul3A_2020 : vector<50x256xf32>
    %reduce_sum3A_2022 = arith.constant dense<0.000000e+00> : vector<256xf32>
    %reduce_sum3A_2023 = vector.multi_reduction <add>, %mul3A_2021, %reduce_sum3A_2022 [0] : vector<50x256xf32> to vector<256xf32>
    %broadcast_in_dim3A_2024 = vector.shape_cast %reduce_sum3A_2023 : vector<256xf32> to vector<1x256xf32>
    %slice3A_2025 = vector.extract_strided_slice %logistic3A_6 {offsets = [0, 3], sizes = [50, 1], strides = [1, 1]} : vector<50x5xf32> to vector<50x1xf32>
    %mul3A_2026 = vector.broadcast %slice3A_2025 : vector<50x1xf32> to vector<50x256xf32>
    %mul3A_2027 = arith.mulf %convert_element_type3A_2006, %mul3A_2026 : vector<50x256xf32>
    %reduce_sum3A_2028 = arith.constant dense<0.000000e+00> : vector<256xf32>
    %reduce_sum3A_2029 = vector.multi_reduction <add>, %mul3A_2027, %reduce_sum3A_2028 [0] : vector<50x256xf32> to vector<256xf32>
    %broadcast_in_dim3A_2030 = vector.shape_cast %reduce_sum3A_2029 : vector<256xf32> to vector<1x256xf32>
    %get3A_2031 = arith.constant 18 : index
    %get3A_2032 = arith.constant 0 : index
    %get3A_2033 = vector.load %arg2[%get3A_2031, %get3A_2032] : memref<20x256xf32, #tpu.memory_space<vmem>>, vector<1x256xf32>
    %mul3A_2034 = arith.mulf %select_n3A_1957, %convert_element_type3A_2006 : vector<50x256xf32>
    %reduce_sum3A_2035 = arith.constant dense<0.000000e+00> : vector<256xf32>
    %reduce_sum3A_2036 = vector.multi_reduction <add>, %mul3A_2034, %reduce_sum3A_2035 [0] : vector<50x256xf32> to vector<256xf32>
    %broadcast_in_dim3A_2037 = vector.shape_cast %reduce_sum3A_2036 : vector<256xf32> to vector<1x256xf32>
    %gt3A_2038 = arith.constant 5.000000e-01 : f32
    %gt3A_2039 = vector.broadcast %gt3A_2038 : f32 to vector<1x256xf32>
    %gt3A_2040 = arith.cmpf ogt, %get3A_2033, %gt3A_2039 : vector<1x256xf32>
    %sub3A_2041 = arith.constant 1.000000e+00 : f32
    %sub3A_2042 = vector.broadcast %sub3A_2041 : f32 to vector<1x256xf32>
    %sub3A_2043 = arith.subf %sub3A_2042, %broadcast_in_dim3A_2024 : vector<1x256xf32>
    %select_n3A_2044 = arith.select %gt3A_2040, %broadcast_in_dim3A_2024, %sub3A_2043 : vector<1x256xi1>, vector<1x256xf32>
    %gt3A_2045 = arith.constant 5.000000e-01 : f32
    %gt3A_2046 = vector.broadcast %gt3A_2045 : f32 to vector<1x256xf32>
    %gt3A_2047 = arith.cmpf ogt, %get3A_2033, %gt3A_2046 : vector<1x256xf32>
    %sub3A_2048 = arith.constant 1.000000e+00 : f32
    %sub3A_2049 = vector.broadcast %sub3A_2048 : f32 to vector<1x256xf32>
    %sub3A_2050 = arith.subf %sub3A_2049, %broadcast_in_dim3A_2030 : vector<1x256xf32>
    %select_n3A_2051 = arith.select %gt3A_2047, %broadcast_in_dim3A_2030, %sub3A_2050 : vector<1x256xi1>, vector<1x256xf32>
    %mul3A_2052 = arith.mulf %select_n3A_2051, %broadcast_in_dim3A_2037 : vector<1x256xf32>
    %sub3A_2053 = arith.constant 1.000000e+00 : f32
    %sub3A_2054 = vector.broadcast %sub3A_2053 : f32 to vector<1x256xf32>
    %sub3A_2055 = arith.subf %sub3A_2054, %broadcast_in_dim3A_2037 : vector<1x256xf32>
    %mul3A_2056 = arith.mulf %select_n3A_2044, %sub3A_2055 : vector<1x256xf32>
    %mul3A_2057 = arith.mulf %select_n3A_2051, %broadcast_in_dim3A_2037 : vector<1x256xf32>
    %add3A_2058 = arith.addf %mul3A_2056, %mul3A_2057 : vector<1x256xf32>
    %div3A_2059 = arith.divf %mul3A_2052, %add3A_2058 : vector<1x256xf32>
    %sub3A_2060 = arith.constant 1.000000e+00 : f32
    %sub3A_2061 = vector.broadcast %sub3A_2060 : f32 to vector<1x256xf32>
    %sub3A_2062 = arith.subf %sub3A_2061, %div3A_2059 : vector<1x256xf32>
    %mul3A_2063 = arith.mulf %broadcast_in_dim3A_2012, %sub3A_2062 : vector<1x256xf32>
    %sub3A_2064 = arith.constant 1.000000e+00 : f32
    %sub3A_2065 = vector.broadcast %sub3A_2064 : f32 to vector<1x256xf32>
    %sub3A_2066 = arith.subf %sub3A_2065, %broadcast_in_dim3A_2018 : vector<1x256xf32>
    %mul3A_2067 = arith.mulf %sub3A_2066, %div3A_2059 : vector<1x256xf32>
    %add3A_2068 = arith.addf %mul3A_2063, %mul3A_2067 : vector<1x256xf32>
    %broadcast_in_dim3A_2069 = vector.shape_cast %add3A_2068 : vector<1x256xf32> to vector<1x256xf32>
    %broadcast_in_dim3A_2070 = vector.broadcast %broadcast_in_dim3A_2069 : vector<1x256xf32> to vector<50x256xf32>
    %select_n3A_2071 = arith.select %eq3A_2004, %broadcast_in_dim3A_2070, %select_n3A_1957 : vector<50x256xi1>, vector<50x256xf32>
    %mul3A_2072 = arith.mulf %select_n3A_2071, %convert_element_type3A_1982 : vector<50x256xf32>
    %reduce_sum3A_2073 = arith.constant dense<0.000000e+00> : vector<256xf32>
    %reduce_sum3A_2074 = vector.multi_reduction <add>, %mul3A_2072, %reduce_sum3A_2073 [0] : vector<50x256xf32> to vector<256xf32>
    %broadcast_in_dim3A_2075 = vector.shape_cast %reduce_sum3A_2074 : vector<256xf32> to vector<1x256xf32>
    %sub3A_2076 = arith.constant 1.000000e+00 : f32
    %sub3A_2077 = vector.broadcast %sub3A_2076 : f32 to vector<1x256xf32>
    %sub3A_2078 = arith.subf %sub3A_2077, %broadcast_in_dim3A_2075 : vector<1x256xf32>
    %mul3A_2079 = arith.mulf %broadcast_in_dim3A_1988, %sub3A_2078 : vector<1x256xf32>
    %mul3A_2080 = arith.mulf %broadcast_in_dim3A_1994, %broadcast_in_dim3A_2075 : vector<1x256xf32>
    %add3A_2081 = arith.addf %mul3A_2079, %mul3A_2080 : vector<1x256xf32>
    %swap3A_2082 = arith.constant 18 : index
    %swap3A_2083 = arith.constant 0 : index
    %swap3A_2084 = vector.load %arg5[%swap3A_2082, %swap3A_2083] : memref<20x256xf32, #tpu.memory_space<vmem>>, vector<1x256xf32>
    tpu.vector_store %arg5[%swap3A_2082, %swap3A_2083], %add3A_2081 {strides = array<i32>} : memref<20x256xf32, #tpu.memory_space<vmem>>, vector<1x256xf32>,
    %mul3A_2085 = arith.constant 256 : i32
    %mul3A_2086 = arith.muli %arg0, %mul3A_2085 : i32
    %add3A_2087 = arith.constant 39936 : i32
    %add3A_2088 = arith.addi %add3A_2087, %mul3A_2086 : i32
    %multiple_of3A_2089 = tpu.assume_multiple %add3A_2088, 256 : i32
    %get3A_2090 = arith.index_cast %multiple_of3A_2089 : i32 to index
    %get3A_2091 = vector.load %arg1[%get3A_2090] : memref<40960xi32, #tpu.memory_space<vmem>>, vector<256xi32>
    %reshape3A_2092 = vector.shape_cast %get3A_2091 : vector<256xi32> to vector<1x256xi32>
    %eq3A_2093 = vector.broadcast %reshape3A_2092 : vector<1x256xi32> to vector<50x256xi32>
    %eq3A_2094 = arith.cmpi eq, %iota3A, %eq3A_2093 : vector<50x256xi32>
    %convert_element_type3A_2095 = arith.extui %eq3A_2094 : vector<50x256xi1> to vector<50x256xi32>
    %convert_element_type3A_2096 = arith.sitofp %convert_element_type3A_2095 : vector<50x256xi32> to vector<50x256xf32>
    %slice3A_2097 = vector.extract_strided_slice %logistic3A_6 {offsets = [0, 2], sizes = [50, 1], strides = [1, 1]} : vector<50x5xf32> to vector<50x1xf32>
    %mul3A_2098 = vector.broadcast %slice3A_2097 : vector<50x1xf32> to vector<50x256xf32>
    %mul3A_2099 = arith.mulf %convert_element_type3A_2096, %mul3A_2098 : vector<50x256xf32>
    %reduce_sum3A_2100 = arith.constant dense<0.000000e+00> : vector<256xf32>
    %reduce_sum3A_2101 = vector.multi_reduction <add>, %mul3A_2099, %reduce_sum3A_2100 [0] : vector<50x256xf32> to vector<256xf32>
    %broadcast_in_dim3A_2102 = vector.shape_cast %reduce_sum3A_2101 : vector<256xf32> to vector<1x256xf32>
    %slice3A_2103 = vector.extract_strided_slice %logistic3A_6 {offsets = [0, 3], sizes = [50, 1], strides = [1, 1]} : vector<50x5xf32> to vector<50x1xf32>
    %mul3A_2104 = vector.broadcast %slice3A_2103 : vector<50x1xf32> to vector<50x256xf32>
    %mul3A_2105 = arith.mulf %convert_element_type3A_2096, %mul3A_2104 : vector<50x256xf32>
    %reduce_sum3A_2106 = arith.constant dense<0.000000e+00> : vector<256xf32>
    %reduce_sum3A_2107 = vector.multi_reduction <add>, %mul3A_2105, %reduce_sum3A_2106 [0] : vector<50x256xf32> to vector<256xf32>
    %broadcast_in_dim3A_2108 = vector.shape_cast %reduce_sum3A_2107 : vector<256xf32> to vector<1x256xf32>
    %mul3A_2109 = arith.constant 256 : i32
    %mul3A_2110 = arith.muli %arg0, %mul3A_2109 : i32
    %add3A_2111 = arith.constant 38912 : i32
    %add3A_2112 = arith.addi %add3A_2111, %mul3A_2110 : i32
    %multiple_of3A_2113 = tpu.assume_multiple %add3A_2112, 256 : i32
    %get3A_2114 = arith.index_cast %multiple_of3A_2113 : i32 to index
    %get3A_2115 = vector.load %arg1[%get3A_2114] : memref<40960xi32, #tpu.memory_space<vmem>>, vector<256xi32>
    %reshape3A_2116 = vector.shape_cast %get3A_2115 : vector<256xi32> to vector<1x256xi32>
    %eq3A_2117 = vector.broadcast %reshape3A_2116 : vector<1x256xi32> to vector<50x256xi32>
    %eq3A_2118 = arith.cmpi eq, %iota3A, %eq3A_2117 : vector<50x256xi32>
    %convert_element_type3A_2119 = arith.extui %eq3A_2118 : vector<50x256xi1> to vector<50x256xi32>
    %convert_element_type3A_2120 = arith.sitofp %convert_element_type3A_2119 : vector<50x256xi32> to vector<50x256xf32>
    %slice3A_2121 = vector.extract_strided_slice %logistic3A_6 {offsets = [0, 0], sizes = [50, 1], strides = [1, 1]} : vector<50x5xf32> to vector<50x1xf32>
    %mul3A_2122 = vector.broadcast %slice3A_2121 : vector<50x1xf32> to vector<50x256xf32>
    %mul3A_2123 = arith.mulf %convert_element_type3A_2120, %mul3A_2122 : vector<50x256xf32>
    %reduce_sum3A_2124 = arith.constant dense<0.000000e+00> : vector<256xf32>
    %reduce_sum3A_2125 = vector.multi_reduction <add>, %mul3A_2123, %reduce_sum3A_2124 [0] : vector<50x256xf32> to vector<256xf32>
    %broadcast_in_dim3A_2126 = vector.shape_cast %reduce_sum3A_2125 : vector<256xf32> to vector<1x256xf32>
    %slice3A_2127 = vector.extract_strided_slice %logistic3A_6 {offsets = [0, 1], sizes = [50, 1], strides = [1, 1]} : vector<50x5xf32> to vector<50x1xf32>
    %mul3A_2128 = vector.broadcast %slice3A_2127 : vector<50x1xf32> to vector<50x256xf32>
    %mul3A_2129 = arith.mulf %convert_element_type3A_2120, %mul3A_2128 : vector<50x256xf32>
    %reduce_sum3A_2130 = arith.constant dense<0.000000e+00> : vector<256xf32>
    %reduce_sum3A_2131 = vector.multi_reduction <add>, %mul3A_2129, %reduce_sum3A_2130 [0] : vector<50x256xf32> to vector<256xf32>
    %broadcast_in_dim3A_2132 = vector.shape_cast %reduce_sum3A_2131 : vector<256xf32> to vector<1x256xf32>
    %slice3A_2133 = vector.extract_strided_slice %logistic3A_6 {offsets = [0, 2], sizes = [50, 1], strides = [1, 1]} : vector<50x5xf32> to vector<50x1xf32>
    %mul3A_2134 = vector.broadcast %slice3A_2133 : vector<50x1xf32> to vector<50x256xf32>
    %mul3A_2135 = arith.mulf %convert_element_type3A_2120, %mul3A_2134 : vector<50x256xf32>
    %reduce_sum3A_2136 = arith.constant dense<0.000000e+00> : vector<256xf32>
    %reduce_sum3A_2137 = vector.multi_reduction <add>, %mul3A_2135, %reduce_sum3A_2136 [0] : vector<50x256xf32> to vector<256xf32>
    %broadcast_in_dim3A_2138 = vector.shape_cast %reduce_sum3A_2137 : vector<256xf32> to vector<1x256xf32>
    %slice3A_2139 = vector.extract_strided_slice %logistic3A_6 {offsets = [0, 3], sizes = [50, 1], strides = [1, 1]} : vector<50x5xf32> to vector<50x1xf32>
    %mul3A_2140 = vector.broadcast %slice3A_2139 : vector<50x1xf32> to vector<50x256xf32>
    %mul3A_2141 = arith.mulf %convert_element_type3A_2120, %mul3A_2140 : vector<50x256xf32>
    %reduce_sum3A_2142 = arith.constant dense<0.000000e+00> : vector<256xf32>
    %reduce_sum3A_2143 = vector.multi_reduction <add>, %mul3A_2141, %reduce_sum3A_2142 [0] : vector<50x256xf32> to vector<256xf32>
    %broadcast_in_dim3A_2144 = vector.shape_cast %reduce_sum3A_2143 : vector<256xf32> to vector<1x256xf32>
    %get3A_2145 = arith.constant 19 : index
    %get3A_2146 = arith.constant 0 : index
    %get3A_2147 = vector.load %arg2[%get3A_2145, %get3A_2146] : memref<20x256xf32, #tpu.memory_space<vmem>>, vector<1x256xf32>
    %mul3A_2148 = arith.mulf %select_n3A_2071, %convert_element_type3A_2120 : vector<50x256xf32>
    %reduce_sum3A_2149 = arith.constant dense<0.000000e+00> : vector<256xf32>
    %reduce_sum3A_2150 = vector.multi_reduction <add>, %mul3A_2148, %reduce_sum3A_2149 [0] : vector<50x256xf32> to vector<256xf32>
    %broadcast_in_dim3A_2151 = vector.shape_cast %reduce_sum3A_2150 : vector<256xf32> to vector<1x256xf32>
    %gt3A_2152 = arith.constant 5.000000e-01 : f32
    %gt3A_2153 = vector.broadcast %gt3A_2152 : f32 to vector<1x256xf32>
    %gt3A_2154 = arith.cmpf ogt, %get3A_2147, %gt3A_2153 : vector<1x256xf32>
    %sub3A_2155 = arith.constant 1.000000e+00 : f32
    %sub3A_2156 = vector.broadcast %sub3A_2155 : f32 to vector<1x256xf32>
    %sub3A_2157 = arith.subf %sub3A_2156, %broadcast_in_dim3A_2138 : vector<1x256xf32>
    %select_n3A_2158 = arith.select %gt3A_2154, %broadcast_in_dim3A_2138, %sub3A_2157 : vector<1x256xi1>, vector<1x256xf32>
    %gt3A_2159 = arith.constant 5.000000e-01 : f32
    %gt3A_2160 = vector.broadcast %gt3A_2159 : f32 to vector<1x256xf32>
    %gt3A_2161 = arith.cmpf ogt, %get3A_2147, %gt3A_2160 : vector<1x256xf32>
    %sub3A_2162 = arith.constant 1.000000e+00 : f32
    %sub3A_2163 = vector.broadcast %sub3A_2162 : f32 to vector<1x256xf32>
    %sub3A_2164 = arith.subf %sub3A_2163, %broadcast_in_dim3A_2144 : vector<1x256xf32>
    %select_n3A_2165 = arith.select %gt3A_2161, %broadcast_in_dim3A_2144, %sub3A_2164 : vector<1x256xi1>, vector<1x256xf32>
    %mul3A_2166 = arith.mulf %select_n3A_2165, %broadcast_in_dim3A_2151 : vector<1x256xf32>
    %sub3A_2167 = arith.constant 1.000000e+00 : f32
    %sub3A_2168 = vector.broadcast %sub3A_2167 : f32 to vector<1x256xf32>
    %sub3A_2169 = arith.subf %sub3A_2168, %broadcast_in_dim3A_2151 : vector<1x256xf32>
    %mul3A_2170 = arith.mulf %select_n3A_2158, %sub3A_2169 : vector<1x256xf32>
    %mul3A_2171 = arith.mulf %select_n3A_2165, %broadcast_in_dim3A_2151 : vector<1x256xf32>
    %add3A_2172 = arith.addf %mul3A_2170, %mul3A_2171 : vector<1x256xf32>
    %div3A_2173 = arith.divf %mul3A_2166, %add3A_2172 : vector<1x256xf32>
    %sub3A_2174 = arith.constant 1.000000e+00 : f32
    %sub3A_2175 = vector.broadcast %sub3A_2174 : f32 to vector<1x256xf32>
    %sub3A_2176 = arith.subf %sub3A_2175, %div3A_2173 : vector<1x256xf32>
    %mul3A_2177 = arith.mulf %broadcast_in_dim3A_2126, %sub3A_2176 : vector<1x256xf32>
    %sub3A_2178 = arith.constant 1.000000e+00 : f32
    %sub3A_2179 = vector.broadcast %sub3A_2178 : f32 to vector<1x256xf32>
    %sub3A_2180 = arith.subf %sub3A_2179, %broadcast_in_dim3A_2132 : vector<1x256xf32>
    %mul3A_2181 = arith.mulf %sub3A_2180, %div3A_2173 : vector<1x256xf32>
    %add3A_2182 = arith.addf %mul3A_2177, %mul3A_2181 : vector<1x256xf32>
    %broadcast_in_dim3A_2183 = vector.shape_cast %add3A_2182 : vector<1x256xf32> to vector<1x256xf32>
    %broadcast_in_dim3A_2184 = vector.broadcast %broadcast_in_dim3A_2183 : vector<1x256xf32> to vector<50x256xf32>
    %select_n3A_2185 = arith.select %eq3A_2118, %broadcast_in_dim3A_2184, %select_n3A_2071 : vector<50x256xi1>, vector<50x256xf32>
    %mul3A_2186 = arith.mulf %select_n3A_2185, %convert_element_type3A_2096 : vector<50x256xf32>
    %reduce_sum3A_2187 = arith.constant dense<0.000000e+00> : vector<256xf32>
    %reduce_sum3A_2188 = vector.multi_reduction <add>, %mul3A_2186, %reduce_sum3A_2187 [0] : vector<50x256xf32> to vector<256xf32>
    %broadcast_in_dim3A_2189 = vector.shape_cast %reduce_sum3A_2188 : vector<256xf32> to vector<1x256xf32>
    %sub3A_2190 = arith.constant 1.000000e+00 : f32
    %sub3A_2191 = vector.broadcast %sub3A_2190 : f32 to vector<1x256xf32>
    %sub3A_2192 = arith.subf %sub3A_2191, %broadcast_in_dim3A_2189 : vector<1x256xf32>
    %mul3A_2193 = arith.mulf %broadcast_in_dim3A_2102, %sub3A_2192 : vector<1x256xf32>
    %mul3A_2194 = arith.mulf %broadcast_in_dim3A_2108, %broadcast_in_dim3A_2189 : vector<1x256xf32>
    %add3A_2195 = arith.addf %mul3A_2193, %mul3A_2194 : vector<1x256xf32>
    %swap3A_2196 = arith.constant 19 : index
    %swap3A_2197 = arith.constant 0 : index
    %swap3A_2198 = vector.load %arg5[%swap3A_2196, %swap3A_2197] : memref<20x256xf32, #tpu.memory_space<vmem>>, vector<1x256xf32>
    tpu.vector_store %arg5[%swap3A_2196, %swap3A_2197], %add3A_2195 {strides = array<i32>} : memref<20x256xf32, #tpu.memory_space<vmem>>, vector<1x256xf32>,
    %get3A_2199 = arith.constant 0 : index
    %get3A_2200 = arith.constant 0 : index
    %get3A_2201 = vector.load %arg4[%get3A_2199, %get3A_2200] : memref<50x10000xf32, #tpu.memory_space<vmem>>, vector<50x10000xf32>
    %dot_general3A = arith.constant dense<0.000000e+00> : vector<10000x256xf32>
    %dot_general3A_2202 = tpu.matmul %get3A_2201, %select_n3A_2185, %dot_general3A {dimension_numbers = #tpu.dot_dimension_numbers<[0], [0], [1], [1], [0, 1, 1, 1], [], []>, transpose_lhs_hint = true} : vector<50x10000xf32>, vector<50x256xf32>, vector<10000x256xf32> -> vector<10000x256xf32>
    %swap3A_2203 = arith.constant 0 : index
    %swap3A_2204 = arith.constant 0 : index
    %swap3A_2205 = vector.load %arg6[%swap3A_2203, %swap3A_2204] : memref<10000x256xf32, #tpu.memory_space<vmem>>, vector<10000x256xf32>
    tpu.vector_store %arg6[%swap3A_2203, %swap3A_2204], %dot_general3A_2202 {strides = array<i32>} : memref<10000x256xf32, #tpu.memory_space<vmem>>, vector<10000x256xf32>,
    return
  }
  func.func @transform_0(%arg0: i32) -> i32 {
    %c0_i32 = arith.constant 0 : i32
    %c0_i32_0 = arith.constant 0 : i32
    return %c0_i32 : i32
  }
  func.func @transform_1(%arg0: i32) -> (i32, i32) {
    %c0_i32 = arith.constant 0 : i32
    %c0_i32_0 = arith.constant 0 : i32
    return %c0_i32, %arg0 : i32, i32
  }
  func.func @transform_2(%arg0: i32) -> (i32, i32) {
    %c0_i32 = arith.constant 0 : i32
    %c0_i32_0 = arith.constant 0 : i32
    %c0_i32_1 = arith.constant 0 : i32
    return %c0_i32, %c0_i32_0 : i32, i32
  }
  func.func @transform_3(%arg0: i32) -> (i32, i32) {
    %c0_i32 = arith.constant 0 : i32
    %c0_i32_0 = arith.constant 0 : i32
    %c0_i32_1 = arith.constant 0 : i32
    return %c0_i32, %c0_i32_0 : i32, i32
  }
  func.func @transform_4(%arg0: i32) -> (i32, i32) {
    %c0_i32 = arith.constant 0 : i32
    %c0_i32_0 = arith.constant 0 : i32
    return %c0_i32, %arg0 : i32, i32
  }
  func.func @transform_5(%arg0: i32) -> (i32, i32) {
    %c0_i32 = arith.constant 0 : i32
    %c0_i32_0 = arith.constant 0 : i32
    return %c0_i32, %arg0 : i32, i32
  }
}

</mosaic_0001>

<sc_bundles>
// kernel: kernel.5.cloned.1.call-start
scs
__scs_entry_jumppad:
0x0: {  	(pc) =	sbr.rel $0x88, $3  }
0x1: {  	(tag) =	ssettag $0x0;
	lr =	simm.s32 $0x1  }
0x2: {  	[smem:$0x3F9C] =	sst lr;
	_ =	strace $0xD0000000  }
0x3: {  	_ = 	snop  }
0x4: {  	_ = 	snop  }
0x5: {  	_ = 	snop  }
0x6: {  	_ = 	snop  }
0x7: {  	_ = 	snop  }
__scs_overlays_trampoline_lowered:
0x8: {  	[smem:$0x3FAB] =	sst s0  }
0x9: {  	[smem:$0x3FAC] =	sst s1  }
0xa: {  	[smem:$0x3FAD] =	sst s2  }
0xb: {  	[smem:$0x3FAE] =	sst s3  }
0xc: {  	[smem:$0x3FAF] =	sst s4  }
0xd: {  	[smem:$0x3FB0] =	sst s5  }
0xe: {  	[smem:$0x3FB1] =	sst s6  }
0xf: {  	[smem:$0x3FB2] =	sst s7  }
0x10: {  	[smem:$0x3FB3] =	sst s8  }
0x11: {  	[smem:$0x3FB4] =	sst s9;
	s0 =	simm.s32 @!p0 $0x0  }
0x12: {  	s1 =	sld [smem:$0x3F9A];
	s0 =	simm.s32 @p0 $0x1  }
0x13: {  	[smem:$0x3FB5] =	sst s0;
	s0 =	simm.s32 @!p1 $0x0  }
0x14: {  	s2 =	sld [smem:$0x3F99];
	s0 =	simm.s32 @p1 $0x1  }
0x15: {  	[smem:$0x3FB6] =	sst s0;
	s0 =	simm.s32 @!p2 $0x0  }
0x16: {  	s3 =	sld [smem:$0x3FDB];
	s0 =	simm.s32 @p2 $0x1  }
0x17: {  	s4 =	simm.s32 $0x1BF5;
	[smem:$0x3FB8] =	sst s0  }
0x18: {  	s0 =	sld [smem:$0x3F9B];
	_ =	swait.ge [sflag:s4], $0x0  }
0x19: {  	s7 =	sld [smem:$0x3F9C]  }
0x1a: {  	s8 =	sadd.s32 $0xFFFFE003, lr  }
0x1b: {  	s9 =	sadd.s32 $0xFFFFFEF7, lr;
	s5 =	simm.s32 $0xFFFFFFFF;
	p2 =	slt.u32 s8, $0xFFFFF086  }
0x1c: {  	p1 =	slt.u32 s9, $0xF7A;
	s5 =	simm.s32 @!p2 $0x0  }
0x1d: {  	s5 =	simm.s32 @p1 $0x1;
	p0 =	seq.s32 s7, s2  }
0x1e: {  	s7 =	smul.u32 @!p0 $0xF7A, s2;
	p2 =	seq.s32 @!p0 s5, $0x0  }
0x1f: {  	s9 =	smul.u32 $0xF7A, s1;
	s8 =	simm.s32 @!p0 $0x1BF5;
	p2 =	por !p2, p0  }
0x20: {  	[sflag:s8] =	ssyncset.s32 @!p0 $0xFFFFF086;
	s6 =	sadd.s32 @!p0 s3, s7;
	s7 =	simm.s32 @!p0 $0x108  }
0x21: {  	s3 =	sadd.s32 s3, s9;
	s6 =	sadd.s32 @!p0 $0x88, s6;
	s7 =	simm.s32 @p2 $0x1082  }
0x22: {  	[simem:s7], [sflag:s8] =	dma.local @!p0 [hbm:s6], $0xF7A  }
0x23: {  	s9 =	sor.u32 $0xD0000000, s2;
	s6 =	simm.s32 $0x108;
	_ =	swait.ge @!p0 [sflag:s8], $0x0  }
0x24: {  	s3 =	sadd.s32 $0x88, s3;
	s6 =	simm.s32 @!p1 $0x1082;
	[sflag:s4] =	ssyncset.s32 $0xFFFFF086  }
0x25: {  	[simem:s6], [sflag:s4] =	dma.local [hbm:s3], $0xF7A  }
0x26: {  	[smem:$0x3F9C] =	sst s1;
	(tag) =	ssettag s2;
	_ =	strace s9  }
0x27: {  	s1 =	sld [smem:$0x3FAC]  }
0x28: {  	s2 =	sld [smem:$0x3FAD]  }
0x29: {  	s4 =	sld [smem:$0x3FAF]  }
0x2a: {  	p0 =	seq.s32 s5, $0x0;
	s5 =	sld [smem:$0x3FB0]  }
0x2b: {  	s6 =	sld [smem:$0x3FB1]  }
0x2c: {  	s7 =	sld [smem:$0x3FB2]  }
0x2d: {  	s3 =	simm.s32 $0x108;
	s8 =	sld [smem:$0x3FB3]  }
0x2e: {  	s3 =	simm.s32 @!p0 $0x1082;
	s9 =	sld [smem:$0x3FB4]  }
0x2f: {  	lr =	sadd.s32 s0, s3;
	s0 =	sld [smem:$0x3FAB]  }
0x30: {  	s3 =	sld [smem:$0x3FAE]  }
0x31: {  	[smem:$0x3FB7] =	sst s10  }
0x32: {  	s10 =	sld [smem:$0x3FB5];
	_ =	sdelay $0x3  }
0x33: {  	p0 =	seq.s32 s10, $0x1;
	s10 =	sld [smem:$0x3FB7];
	_ =	sdelay $0x3  }
0x34: {  	[smem:$0x3FB7] =	sst s10  }
0x35: {  	s10 =	sld [smem:$0x3FB6];
	_ =	sdelay $0x3  }
0x36: {  	p1 =	seq.s32 s10, $0x1;
	s10 =	sld [smem:$0x3FB7];
	_ =	sdelay $0x3  }
0x37: {  	[smem:$0x3FB7] =	sst s10  }
0x38: {  	s10 =	sld [smem:$0x3FB8]  }
0x39: {  	_ = 	snop;
	(pc) =	sbr.ind lr, $3  }
0x3a: {  	_ = 	snop  }
0x3b: {  	_ = 	snop  }
0x3c: {  	p2 =	seq.s32 s10, $0x1;
	s10 =	sld [smem:$0x3FB7]  }
0x3d: {  	_ =	shalt  }
0x3e: {  	_ =	shalt  }
0x3f: {  	_ =	shalt  }
0x40: {  	_ =	shalt  }
0x41: {  	_ =	shalt  }
0x42: {  	_ =	shalt  }
0x43: {  	_ =	shalt  }
0x44: {  	_ =	shalt  }
0x45: {  	_ =	shalt  }
0x46: {  	_ =	shalt  }
0x47: {  	_ =	shalt  }
0x48: {  	_ =	shalt  }
0x49: {  	_ =	shalt  }
0x4a: {  	_ =	shalt  }
0x4b: {  	_ =	shalt  }
0x4c: {  	_ =	shalt  }
0x4d: {  	_ =	shalt  }
0x4e: {  	_ =	shalt  }
0x4f: {  	_ =	shalt  }
0x50: {  	_ =	shalt  }
0x51: {  	_ =	shalt  }
0x52: {  	_ =	shalt  }
0x53: {  	_ =	shalt  }
0x54: {  	_ =	shalt  }
0x55: {  	_ =	shalt  }
0x56: {  	_ =	shalt  }
0x57: {  	_ =	shalt  }
0x58: {  	_ =	shalt  }
0x59: {  	_ =	shalt  }
0x5a: {  	_ =	shalt  }
0x5b: {  	_ =	shalt  }
0x5c: {  	_ =	shalt  }
0x5d: {  	_ =	shalt  }
0x5e: {  	_ =	shalt  }
0x5f: {  	_ =	shalt  }
0x60: {  	_ =	shalt  }
0x61: {  	_ =	shalt  }
0x62: {  	_ =	shalt  }
0x63: {  	_ =	shalt  }
0x64: {  	_ =	shalt  }
0x65: {  	_ =	shalt  }
0x66: {  	_ =	shalt  }
0x67: {  	_ =	shalt  }
0x68: {  	_ =	shalt  }
0x69: {  	_ =	shalt  }
0x6a: {  	_ =	shalt  }
0x6b: {  	_ =	shalt  }
0x6c: {  	_ =	shalt  }
0x6d: {  	_ =	shalt  }
0x6e: {  	_ =	shalt  }
0x6f: {  	_ =	shalt  }
0x70: {  	_ =	shalt  }
0x71: {  	_ =	shalt  }
0x72: {  	_ =	shalt  }
0x73: {  	_ =	shalt  }
0x74: {  	_ =	shalt  }
0x75: {  	_ =	shalt  }
0x76: {  	_ =	shalt  }
0x77: {  	_ =	shalt  }
0x78: {  	_ =	shalt  }
0x79: {  	_ =	shalt  }
0x7a: {  	_ =	shalt  }
0x7b: {  	_ =	shalt  }
0x7c: {  	_ =	shalt  }
0x7d: {  	_ =	shalt  }
0x7e: {  	_ =	shalt  }
0x7f: {  	_ =	shalt  }
0x80: {  	_ =	shalt  }
0x81: {  	_ =	shalt  }
0x82: {  	_ =	shalt  }
0x83: {  	_ =	shalt  }
0x84: {  	_ =	shalt  }
0x85: {  	_ =	shalt  }
0x86: {  	_ =	shalt  }
0x87: {  	_ =	shalt  }
.Lfunc_end0:
.L_simem_size_0:
called_computation_lowered:
.L_overlay_start_0:
0x88: {  	s2 =	sld [smem:$0x3FD9]  }
0x89: {  	s3 =	sld [smem:$0x3FFE];
	_ =	sdelay $0x1  }
0x8a: {  	s1 =	srdreg.scid  }
0x8b: {  	s0 =	sand.u32 $0x1, s1  }
0x8c: {  	s14 =	sshll.u32 s0, $0xA;
	s2 =	sadd.s32 s3, s2  }
0x8d: {  	s2 =	sadd.s32 s2, s14  }
0x8e: {  	[smem:$0x3FC3] =	sst s2  }
0x8f: {  	_ = 	snop  }
0x90: {  	s2 =	sld [smem:$0x3FD0];
	_ =	sdelay $0x2  }
0x91: {  	s15 =	simm.s32 $0xA;
	s4 =	simm.s32 $0x10  }
0x92: {  	[smem:s4], [sflag:s15] =	dma.local [hbm:s2], $0x1  }
0x93: {  	_ =	swait.eq [sflag:s15], $0x1  }
0x94: {  	[sflag:s15] =	ssyncset.done $0x0  }
0x95: {  	s16 =	sld [smem:$0x10];
	[sflag:s15] =	ssyncadd.s32 $0xFFFFFFFF  }
0x96: {  	s17 =	sld [smem:$0x11];
	(tm) =	ssettm $0x1  }
0x97: {  	s18 =	sld [smem:$0x3FFB];
	_ =	sdelay $0x3  }
0x98: {  	_ =	strace s18  }
0x99: {  	s4 =	sld [smem:$0x3FFC];
	_ =	sdelay $0x3  }
0x9a: {  	_ =	strace s4  }
0x9b: {  	s4 =	sld [smem:$0x3FFD];
	_ =	sdelay $0x3  }
0x9c: {  	_ =	strace s4  }
0x9d: {  	_ =	strace $0x8FFFFFFF  }
0x9e: {  	s19 =	sld [smem:$0x3FDB];
	_ =	sdelay $0x1  }
0x9f: {  	s5 =	simm.s32 $_scs_section_size  }
0xa0: {  	s6 =	simm.s32 $_size__tile_overlayer_lowered;
	s7 =	simm.s32 $_tile_overlayer_lowered  }
0xa1: {  	s22 =	simm.s32 $0x1BFF;
	s21 =	sshll.u32 s7, $0x1;
	s4 =	sadd.s32 s5, s19  }
0xa2: {  	s8 =	simm.s32 $0x0;
	s20 =	sshll.u32 s6, $0x1;
	s6 =	sadd.s32 s21, s4  }
0xa3: {  	[timem:s8], [sflag:s22] =	dma.local [hbm:s6], s20  }
0xa4: {  	_ =	swait.ge [sflag:s22], s20  }
0xa5: {  	s5 =	ssub.s32 $0x0, s20;
	[sflag:s22] =	ssyncset.done $0x0  }
0xa6: {  	[sflag:s22] =	ssyncadd.s32 s5;
	_ =	sdelay $0x1  }
0xa7: {  	s23 =	simm.s32 $0x1B8B  }
0xa8: {  	_ =	swait.ge [sflag:s23], $0x1  }
0xa9: {  	[sflag:s23] =	ssyncset.done $0x0  }
0xaa: {  	s25 =	simm.s32 $0x1B8E;
	s24 =	sld [smem:$0x3FFE];
	[sflag:s23] =	ssyncadd.s32 $0xFFFFFFFF  }
0xab: {  	s26 =	simm.s32 $execute0_lowered;
	[smem:$0x3FD2] =	sst s25  }
0xac: {  	s6 =	sshll.u32 s26, $0x1;
	_ =	strace $0x80000046;
	[dreg:$0x1] =	wrdreg $0xFFFFFFFF  }
0xad: {  	s28 =	simm.s32 $_size_execute0_lowered;
	s4 =	sadd.s32 s4, s6;
	[dreg:$0x0] =	wrdreg $0x0  }
0xae: {  	s6 =	sshll.u32 s28, $0x1;
	[dreg:$0x2] =	wrdreg s4  }
0xaf: {  	[dreg:$0x3] =	wrdreg s6  }
0xb0: {  	[dreg:$0x4] =	wrdreg $0xC0  }
0xb1: {  	_ =	task [dreg:s8], $0x5FFFF  }
0xb2: {  	[dreg:$0x1] =	wrdreg $0xFFFFFFFF  }
0xb3: {  	[dreg:$0x0] =	wrdreg $0x60  }
0xb4: {  	[dreg:$0x2] =	wrdreg s16  }
0xb5: {  	[dreg:$0x3] =	wrdreg s17  }
0xb6: {  	[dreg:$0x4] =	wrdreg s24  }
0xb7: {  	[dreg:$0x5] =	wrdreg $0x9  }
0xb8: {  	_ =	task.clear_ibuf [dreg:s8], $0x6FFFF;
	_ =	strace $0x90000046  }
0xb9: {  	s29 =	simm.s32 $0x9;
	_ =	strace $0x80000048  }
0xba: {  	_ =	swait.ge [sflag:s29], $0x1  }
0xbb: {  	[sflag:s29] =	ssyncadd.s32 $0xFFFFFFFF  }
0xbc: {  	_ =	strace $0x90000048  }
0xbd: {  	_ =	sfence  }
0xbe: {  	s30 =	sld [smem:$0x0];
	_ =	sdelay $0x2  }
0xbf: {  	s31 =	sshll.u32 s1, $0xD;
	s1 =	sshrl.u32 s1, $0x2  }
0xc0: {  	s3 =	sand.u32 $0x4000, s31;
	s1 =	sadd.s32 s1, s30  }
0xc1: {  	s0 =	sor.u32 s3, s0;
	s1 =	sshll.u32 s1, $0x11  }
0xc2: {  	s0 =	sor.u32 s1, s0  }
0xc3: {  	s0 =	sadd.s32 $0x8F2B, s0  }
0xc4: {  	[sflag:s0] =	ssyncadd.remote.s32 $0x1  }
0xc5: {  	_ =	sfence.sel $0xFFFF  }
0xc6: {  	[dreg:$0x0] =	wrdreg $0xFFFFFFFF;
	(pc) =	sbr.abs _section_cstart, $3  }
0xc7: {  	[dreg:$0x1] =	wrdreg $0xFFFFFFFF  }
0xc8: {  	_ =	task.clear_ibuf [dreg:s8], $0x2FFFF;
	_ =	strace $0x9FFFFFFF  }
0xc9: {  	(tm) =	ssettm $0x7FFFFFFF  }
tec
execute0_lowered:
.L_overlay_start_1:
0x0: {  	(tag) =	ssettag $0x1  }
0x1: {  	s1 =	rddreg [dreg:$0x0]  }
0x2: {  	s4 =	rddreg [dreg:$0x1];
	s2 =	srdreg.scid  }
0x3: {  	s0 =	stileid.u32;
	s5 =	rddreg [dreg:$0x2]  }
0x4: {  	s9 =	simm.s32 $0x2C80;
	s6 =	sand.u32 $0x1, s2;
	s3 =	sshll.u32 s0, $0x1  }
0x5: {  	s7 =	sor.u32 s6, s3;
	s3 =	simm.s32 $0x0;
	s6 =	ssub.s32 $0x2, s6  }
0x6: {  	s7 =	smul.u32 $0xA0, s7;
	[smem:$0x7FF] =	sst s3;
	s8 =	sshrl.u32 s6, $0x1  }
0x7: {  	s2 =	rddreg [dreg:$0x3];
	_ =	strace $0x80000047;
	s6 =	ssub.s32 s6, s8  }
0x8: {  	s8 =	simm.s32 $0x2780;
	s5 =	sadd.s32 s7, s5;
	s4 =	sadd.s32 s4, s7  }
0x9: {  	s6 =	smax.u32 s6, $0x1;
	s7 =	simm.s32 $0x1;
	s5 =	sadd.s32 $0x1200, s5  }
.LBB2_1:
0xa: {  	[tilespmem:s3], [sflag:$0x1] =	stream.linear.gather [hbm4b:s1+s3], $0x2780, $0x38;
	[tilespmem:$0x3180] =	vst v63  }
0xb: {  	_ =	swait.ge [sflag:s7], $0x2780  }
0xc: {  	[sflag:s7] =	ssyncset.done $0x0  }
0xd: {  	[sflag:s7] =	ssyncadd.s32 $0xFFFFD880  }
0xe: {  	[tilespmem:s8], [sflag:$0x1] =	stream.linear.gather [hbm4b:s4+s3], $0x500, $0x38;
	[tilespmem:$0x3180] =	vst v63  }
0xf: {  	_ =	swait.ge [sflag:s7], $0x500  }
0x10: {  	[sflag:s7] =	ssyncset.done $0x0  }
0x11: {  	[sflag:s7] =	ssyncadd.s32 $0xFFFFFB00  }
0x12: {  	v0 =	vld [tilespmem:$0x2780];
	_ =	sdelay $0x5  }
0x13: {  	v1 =	vld [tilespmem:$0x2790];
	_ =	sdelay $0x1  }
0x14: {  	v0 =	vld.idx.msk [tilespmem:v0+s3+$0x0], $0xffff;
	_ =	sdelay $0x3  }
0x15: {  	v2 =	vld [tilespmem:$0x27A0]  }
0x16: {  	[tilespmem:$0x2C80] =	vst v0  }
0x17: {  	v0 =	vld.idx.msk [tilespmem:v1+s3+$0x0], $0xffff;
	_ =	sdelay $0x3  }
0x18: {  	v47 =	vld [tilespmem:$0x27B0]  }
0x19: {  	[tilespmem:$0x2C90] =	vst v0  }
0x1a: {  	v0 =	vld.idx.msk [tilespmem:v2+s3+$0x0], $0xffff;
	_ =	sdelay $0x3  }
0x1b: {  	v48 =	vld [tilespmem:$0x27C0]  }
0x1c: {  	[tilespmem:$0x2CA0] =	vst v0  }
0x1d: {  	v0 =	vld.idx.msk [tilespmem:v47+s3+$0x0], $0xffff;
	_ =	sdelay $0x3  }
0x1e: {  	v49 =	vld [tilespmem:$0x27D0]  }
0x1f: {  	[tilespmem:$0x2CB0] =	vst v0  }
0x20: {  	v0 =	vld.idx.msk [tilespmem:v48+s3+$0x0], $0xffff;
	_ =	sdelay $0x3  }
0x21: {  	v50 =	vld [tilespmem:$0x27E0]  }
0x22: {  	[tilespmem:$0x2CC0] =	vst v0  }
0x23: {  	v0 =	vld.idx.msk [tilespmem:v49+s3+$0x0], $0xffff;
	_ =	sdelay $0x3  }
0x24: {  	v51 =	vld [tilespmem:$0x27F0]  }
0x25: {  	[tilespmem:$0x2CD0] =	vst v0  }
0x26: {  	v0 =	vld.idx.msk [tilespmem:v50+s3+$0x0], $0xffff;
	_ =	sdelay $0x3  }
0x27: {  	v52 =	vld [tilespmem:$0x2800]  }
0x28: {  	[tilespmem:$0x2CE0] =	vst v0  }
0x29: {  	v0 =	vld.idx.msk [tilespmem:v51+s3+$0x0], $0xffff;
	_ =	sdelay $0x3  }
0x2a: {  	v53 =	vld [tilespmem:$0x2810]  }
0x2b: {  	[tilespmem:$0x2CF0] =	vst v0  }
0x2c: {  	v0 =	vld.idx.msk [tilespmem:v52+s3+$0x0], $0xffff;
	_ =	sdelay $0x3  }
0x2d: {  	v54 =	vld [tilespmem:$0x2820]  }
0x2e: {  	[tilespmem:$0x2D00] =	vst v0  }
0x2f: {  	v0 =	vld.idx.msk [tilespmem:v53+s3+$0x0], $0xffff;
	_ =	sdelay $0x3  }
0x30: {  	v55 =	vld [tilespmem:$0x2830]  }
0x31: {  	[tilespmem:$0x2D10] =	vst v0  }
0x32: {  	v0 =	vld.idx.msk [tilespmem:v54+s3+$0x0], $0xffff;
	_ =	sdelay $0x3  }
0x33: {  	v56 =	vld [tilespmem:$0x2840]  }
0x34: {  	[tilespmem:$0x2D20] =	vst v0  }
0x35: {  	v0 =	vld.idx.msk [tilespmem:v55+s3+$0x0], $0xffff;
	_ =	sdelay $0x3  }
0x36: {  	v57 =	vld [tilespmem:$0x2850]  }
0x37: {  	[tilespmem:$0x2D30] =	vst v0  }
0x38: {  	v0 =	vld.idx.msk [tilespmem:v56+s3+$0x0], $0xffff;
	_ =	sdelay $0x3  }
0x39: {  	v58 =	vld [tilespmem:$0x2860]  }
0x3a: {  	[tilespmem:$0x2D40] =	vst v0  }
0x3b: {  	v0 =	vld.idx.msk [tilespmem:v57+s3+$0x0], $0xffff;
	_ =	sdelay $0x3  }
0x3c: {  	v59 =	vld [tilespmem:$0x2870]  }
0x3d: {  	[tilespmem:$0x2D50] =	vst v0  }
0x3e: {  	v0 =	vld.idx.msk [tilespmem:v58+s3+$0x0], $0xffff;
	_ =	sdelay $0x3  }
0x3f: {  	v60 =	vld [tilespmem:$0x2880]  }
0x40: {  	[tilespmem:$0x2D60] =	vst v0  }
0x41: {  	v0 =	vld.idx.msk [tilespmem:v59+s3+$0x0], $0xffff;
	_ =	sdelay $0x3  }
0x42: {  	v61 =	vld [tilespmem:$0x2890]  }
0x43: {  	[tilespmem:$0x2D70] =	vst v0  }
0x44: {  	v0 =	vld.idx.msk [tilespmem:v60+s3+$0x0], $0xffff;
	_ =	sdelay $0x3  }
0x45: {  	v62 =	vld [tilespmem:$0x28A0]  }
0x46: {  	[tilespmem:$0x2D80] =	vst v0  }
0x47: {  	v0 =	vld.idx.msk [tilespmem:v61+s3+$0x0], $0xffff;
	_ =	sdelay $0x3  }
0x48: {  	v63 =	vld [tilespmem:$0x28B0]  }
0x49: {  	[tilespmem:$0x2D90] =	vst v0  }
0x4a: {  	v0 =	vld.idx.msk [tilespmem:v62+s3+$0x0], $0xffff;
	_ =	sdelay $0x3  }
0x4b: {  	v4 =	vld [tilespmem:$0x28C0]  }
0x4c: {  	[tilespmem:$0x2DA0] =	vst v0  }
0x4d: {  	v0 =	vld.idx.msk [tilespmem:v63+s3+$0x0], $0xffff;
	_ =	sdelay $0x3  }
0x4e: {  	v5 =	vld [tilespmem:$0x28D0]  }
0x4f: {  	[tilespmem:$0x2DB0] =	vst v0  }
0x50: {  	v0 =	vld.idx.msk [tilespmem:v4+s3+$0x0], $0xffff;
	_ =	sdelay $0x3  }
0x51: {  	v6 =	vld [tilespmem:$0x28E0]  }
0x52: {  	[tilespmem:$0x2DC0] =	vst v0  }
0x53: {  	v0 =	vld.idx.msk [tilespmem:v5+s3+$0x0], $0xffff;
	_ =	sdelay $0x3  }
0x54: {  	v7 =	vld [tilespmem:$0x28F0]  }
0x55: {  	[tilespmem:$0x2DD0] =	vst v0  }
0x56: {  	v0 =	vld.idx.msk [tilespmem:v6+s3+$0x0], $0xffff;
	_ =	sdelay $0x3  }
0x57: {  	v8 =	vld [tilespmem:$0x2900]  }
0x58: {  	[tilespmem:$0x2DE0] =	vst v0  }
0x59: {  	v0 =	vld.idx.msk [tilespmem:v7+s3+$0x0], $0xffff;
	_ =	sdelay $0x3  }
0x5a: {  	v9 =	vld [tilespmem:$0x2910]  }
0x5b: {  	[tilespmem:$0x2DF0] =	vst v0  }
0x5c: {  	v0 =	vld.idx.msk [tilespmem:v8+s3+$0x0], $0xffff;
	_ =	sdelay $0x3  }
0x5d: {  	v10 =	vld [tilespmem:$0x2920]  }
0x5e: {  	[tilespmem:$0x2E00] =	vst v0  }
0x5f: {  	v0 =	vld.idx.msk [tilespmem:v9+s3+$0x0], $0xffff;
	_ =	sdelay $0x3  }
0x60: {  	v11 =	vld [tilespmem:$0x2930]  }
0x61: {  	[tilespmem:$0x2E10] =	vst v0  }
0x62: {  	v0 =	vld.idx.msk [tilespmem:v10+s3+$0x0], $0xffff;
	_ =	sdelay $0x3  }
0x63: {  	v12 =	vld [tilespmem:$0x2940]  }
0x64: {  	[tilespmem:$0x2E20] =	vst v0  }
0x65: {  	v0 =	vld.idx.msk [tilespmem:v11+s3+$0x0], $0xffff;
	_ =	sdelay $0x3  }
0x66: {  	v13 =	vld [tilespmem:$0x2950]  }
0x67: {  	[tilespmem:$0x2E30] =	vst v0  }
0x68: {  	v0 =	vld.idx.msk [tilespmem:v12+s3+$0x0], $0xffff;
	_ =	sdelay $0x3  }
0x69: {  	v14 =	vld [tilespmem:$0x2960]  }
0x6a: {  	[tilespmem:$0x2E40] =	vst v0  }
0x6b: {  	v0 =	vld.idx.msk [tilespmem:v13+s3+$0x0], $0xffff;
	_ =	sdelay $0x3  }
0x6c: {  	v15 =	vld [tilespmem:$0x2970]  }
0x6d: {  	[tilespmem:$0x2E50] =	vst v0  }
0x6e: {  	v0 =	vld.idx.msk [tilespmem:v14+s3+$0x0], $0xffff;
	_ =	sdelay $0x3  }
0x6f: {  	v16 =	vld [tilespmem:$0x2980]  }
0x70: {  	[tilespmem:$0x2E60] =	vst v0  }
0x71: {  	v0 =	vld.idx.msk [tilespmem:v15+s3+$0x0], $0xffff;
	_ =	sdelay $0x3  }
0x72: {  	v17 =	vld [tilespmem:$0x2990]  }
0x73: {  	[tilespmem:$0x2E70] =	vst v0  }
0x74: {  	v0 =	vld.idx.msk [tilespmem:v16+s3+$0x0], $0xffff;
	_ =	sdelay $0x3  }
0x75: {  	v18 =	vld [tilespmem:$0x29A0]  }
0x76: {  	[tilespmem:$0x2E80] =	vst v0  }
0x77: {  	v0 =	vld.idx.msk [tilespmem:v17+s3+$0x0], $0xffff;
	_ =	sdelay $0x3  }
0x78: {  	v19 =	vld [tilespmem:$0x29B0]  }
0x79: {  	[tilespmem:$0x2E90] =	vst v0  }
0x7a: {  	v0 =	vld.idx.msk [tilespmem:v18+s3+$0x0], $0xffff;
	_ =	sdelay $0x3  }
0x7b: {  	v20 =	vld [tilespmem:$0x29C0]  }
0x7c: {  	[tilespmem:$0x2EA0] =	vst v0  }
0x7d: {  	v0 =	vld.idx.msk [tilespmem:v19+s3+$0x0], $0xffff;
	_ =	sdelay $0x3  }
0x7e: {  	v21 =	vld [tilespmem:$0x29D0]  }
0x7f: {  	[tilespmem:$0x2EB0] =	vst v0  }
0x80: {  	v0 =	vld.idx.msk [tilespmem:v20+s3+$0x0], $0xffff;
	_ =	sdelay $0x3  }
0x81: {  	v22 =	vld [tilespmem:$0x29E0]  }
0x82: {  	[tilespmem:$0x2EC0] =	vst v0  }
0x83: {  	v0 =	vld.idx.msk [tilespmem:v21+s3+$0x0], $0xffff;
	_ =	sdelay $0x3  }
0x84: {  	v23 =	vld [tilespmem:$0x29F0]  }
0x85: {  	[tilespmem:$0x2ED0] =	vst v0  }
0x86: {  	v0 =	vld.idx.msk [tilespmem:v22+s3+$0x0], $0xffff;
	_ =	sdelay $0x3  }
0x87: {  	v24 =	vld [tilespmem:$0x2A00]  }
0x88: {  	[tilespmem:$0x2EE0] =	vst v0  }
0x89: {  	v0 =	vld.idx.msk [tilespmem:v23+s3+$0x0], $0xffff;
	_ =	sdelay $0x3  }
0x8a: {  	v25 =	vld [tilespmem:$0x2A10]  }
0x8b: {  	[tilespmem:$0x2EF0] =	vst v0  }
0x8c: {  	v0 =	vld.idx.msk [tilespmem:v24+s3+$0x0], $0xffff;
	_ =	sdelay $0x3  }
0x8d: {  	v26 =	vld [tilespmem:$0x2A20]  }
0x8e: {  	[tilespmem:$0x2F00] =	vst v0  }
0x8f: {  	v0 =	vld.idx.msk [tilespmem:v25+s3+$0x0], $0xffff;
	_ =	sdelay $0x3  }
0x90: {  	v27 =	vld [tilespmem:$0x2A30]  }
0x91: {  	[tilespmem:$0x2F10] =	vst v0  }
0x92: {  	v0 =	vld.idx.msk [tilespmem:v26+s3+$0x0], $0xffff;
	_ =	sdelay $0x3  }
0x93: {  	v28 =	vld [tilespmem:$0x2A40]  }
0x94: {  	[tilespmem:$0x2F20] =	vst v0  }
0x95: {  	v0 =	vld.idx.msk [tilespmem:v27+s3+$0x0], $0xffff;
	_ =	sdelay $0x3  }
0x96: {  	v29 =	vld [tilespmem:$0x2A50]  }
0x97: {  	[tilespmem:$0x2F30] =	vst v0  }
0x98: {  	v0 =	vld.idx.msk [tilespmem:v28+s3+$0x0], $0xffff;
	_ =	sdelay $0x3  }
0x99: {  	v30 =	vld [tilespmem:$0x2A60]  }
0x9a: {  	[tilespmem:$0x2F40] =	vst v0  }
0x9b: {  	v0 =	vld.idx.msk [tilespmem:v29+s3+$0x0], $0xffff;
	_ =	sdelay $0x3  }
0x9c: {  	v31 =	vld [tilespmem:$0x2A70]  }
0x9d: {  	[tilespmem:$0x2F50] =	vst v0  }
0x9e: {  	v0 =	vld.idx.msk [tilespmem:v30+s3+$0x0], $0xffff;
	_ =	sdelay $0x3  }
0x9f: {  	v32 =	vld [tilespmem:$0x2A80]  }
0xa0: {  	[tilespmem:$0x2F60] =	vst v0  }
0xa1: {  	v0 =	vld.idx.msk [tilespmem:v31+s3+$0x0], $0xffff;
	_ =	sdelay $0x3  }
0xa2: {  	v33 =	vld [tilespmem:$0x2A90]  }
0xa3: {  	[tilespmem:$0x2F70] =	vst v0  }
0xa4: {  	v0 =	vld.idx.msk [tilespmem:v32+s3+$0x0], $0xffff;
	_ =	sdelay $0x3  }
0xa5: {  	v34 =	vld [tilespmem:$0x2AA0]  }
0xa6: {  	[tilespmem:$0x2F80] =	vst v0  }
0xa7: {  	v0 =	vld.idx.msk [tilespmem:v33+s3+$0x0], $0xffff;
	_ =	sdelay $0x3  }
0xa8: {  	v35 =	vld [tilespmem:$0x2AB0]  }
0xa9: {  	[tilespmem:$0x2F90] =	vst v0  }
0xaa: {  	v0 =	vld.idx.msk [tilespmem:v34+s3+$0x0], $0xffff;
	_ =	sdelay $0x3  }
0xab: {  	v36 =	vld [tilespmem:$0x2AC0]  }
0xac: {  	[tilespmem:$0x2FA0] =	vst v0  }
0xad: {  	v0 =	vld.idx.msk [tilespmem:v35+s3+$0x0], $0xffff;
	_ =	sdelay $0x3  }
0xae: {  	v37 =	vld [tilespmem:$0x2AD0]  }
0xaf: {  	[tilespmem:$0x2FB0] =	vst v0  }
0xb0: {  	v0 =	vld.idx.msk [tilespmem:v36+s3+$0x0], $0xffff;
	_ =	sdelay $0x3  }
0xb1: {  	v38 =	vld [tilespmem:$0x2AE0]  }
0xb2: {  	[tilespmem:$0x2FC0] =	vst v0  }
0xb3: {  	v0 =	vld.idx.msk [tilespmem:v37+s3+$0x0], $0xffff;
	_ =	sdelay $0x3  }
0xb4: {  	v39 =	vld [tilespmem:$0x2AF0]  }
0xb5: {  	[tilespmem:$0x2FD0] =	vst v0  }
0xb6: {  	v0 =	vld.idx.msk [tilespmem:v38+s3+$0x0], $0xffff;
	_ =	sdelay $0x3  }
0xb7: {  	v40 =	vld [tilespmem:$0x2B00]  }
0xb8: {  	[tilespmem:$0x2FE0] =	vst v0  }
0xb9: {  	v0 =	vld.idx.msk [tilespmem:v39+s3+$0x0], $0xffff;
	_ =	sdelay $0x3  }
0xba: {  	v41 =	vld [tilespmem:$0x2B10]  }
0xbb: {  	[tilespmem:$0x2FF0] =	vst v0  }
0xbc: {  	v0 =	vld.idx.msk [tilespmem:v40+s3+$0x0], $0xffff;
	_ =	sdelay $0x3  }
0xbd: {  	v42 =	vld [tilespmem:$0x2B20]  }
0xbe: {  	[tilespmem:$0x3000] =	vst v0  }
0xbf: {  	v0 =	vld.idx.msk [tilespmem:v41+s3+$0x0], $0xffff;
	_ =	sdelay $0x3  }
0xc0: {  	v43 =	vld [tilespmem:$0x2B30]  }
0xc1: {  	[tilespmem:$0x3010] =	vst v0  }
0xc2: {  	v0 =	vld.idx.msk [tilespmem:v42+s3+$0x0], $0xffff;
	_ =	sdelay $0x3  }
0xc3: {  	v44 =	vld [tilespmem:$0x2B40]  }
0xc4: {  	[tilespmem:$0x3020] =	vst v0  }
0xc5: {  	v0 =	vld.idx.msk [tilespmem:v43+s3+$0x0], $0xffff;
	_ =	sdelay $0x3  }
0xc6: {  	v45 =	vld [tilespmem:$0x2B50]  }
0xc7: {  	[tilespmem:$0x3030] =	vst v0  }
0xc8: {  	v0 =	vld.idx.msk [tilespmem:v44+s3+$0x0], $0xffff;
	_ =	sdelay $0x3  }
0xc9: {  	v46 =	vld [tilespmem:$0x2B60]  }
0xca: {  	[tilespmem:$0x3040] =	vst v0  }
0xcb: {  	v0 =	vld.idx.msk [tilespmem:v45+s3+$0x0], $0xffff;
	_ =	sdelay $0x3  }
0xcc: {  	v47 =	vld [tilespmem:$0x2B70]  }
0xcd: {  	[tilespmem:$0x3050] =	vst v0  }
0xce: {  	v0 =	vld.idx.msk [tilespmem:v46+s3+$0x0], $0xffff;
	_ =	sdelay $0x3  }
0xcf: {  	v48 =	vld [tilespmem:$0x2B80]  }
0xd0: {  	[tilespmem:$0x3060] =	vst v0  }
0xd1: {  	v0 =	vld.idx.msk [tilespmem:v47+s3+$0x0], $0xffff;
	_ =	sdelay $0x3  }
0xd2: {  	v49 =	vld [tilespmem:$0x2B90]  }
0xd3: {  	[tilespmem:$0x3070] =	vst v0  }
0xd4: {  	v0 =	vld.idx.msk [tilespmem:v48+s3+$0x0], $0xffff;
	_ =	sdelay $0x3  }
0xd5: {  	v50 =	vld [tilespmem:$0x2BA0]  }
0xd6: {  	[tilespmem:$0x3080] =	vst v0  }
0xd7: {  	v0 =	vld.idx.msk [tilespmem:v49+s3+$0x0], $0xffff;
	_ =	sdelay $0x3  }
0xd8: {  	v51 =	vld [tilespmem:$0x2BB0]  }
0xd9: {  	[tilespmem:$0x3090] =	vst v0  }
0xda: {  	v0 =	vld.idx.msk [tilespmem:v50+s3+$0x0], $0xffff;
	_ =	sdelay $0x3  }
0xdb: {  	v52 =	vld [tilespmem:$0x2BC0]  }
0xdc: {  	[tilespmem:$0x30A0] =	vst v0  }
0xdd: {  	v0 =	vld.idx.msk [tilespmem:v51+s3+$0x0], $0xffff;
	_ =	sdelay $0x3  }
0xde: {  	v53 =	vld [tilespmem:$0x2BD0]  }
0xdf: {  	[tilespmem:$0x30B0] =	vst v0  }
0xe0: {  	v0 =	vld.idx.msk [tilespmem:v52+s3+$0x0], $0xffff;
	_ =	sdelay $0x3  }
0xe1: {  	v54 =	vld [tilespmem:$0x2BE0]  }
0xe2: {  	[tilespmem:$0x30C0] =	vst v0  }
0xe3: {  	v0 =	vld.idx.msk [tilespmem:v53+s3+$0x0], $0xffff;
	_ =	sdelay $0x3  }
0xe4: {  	v55 =	vld [tilespmem:$0x2BF0]  }
0xe5: {  	[tilespmem:$0x30D0] =	vst v0  }
0xe6: {  	v0 =	vld.idx.msk [tilespmem:v54+s3+$0x0], $0xffff;
	_ =	sdelay $0x3  }
0xe7: {  	v56 =	vld [tilespmem:$0x2C00]  }
0xe8: {  	[tilespmem:$0x30E0] =	vst v0  }
0xe9: {  	v0 =	vld.idx.msk [tilespmem:v55+s3+$0x0], $0xffff;
	_ =	sdelay $0x3  }
0xea: {  	v57 =	vld [tilespmem:$0x2C10]  }
0xeb: {  	[tilespmem:$0x30F0] =	vst v0  }
0xec: {  	v0 =	vld.idx.msk [tilespmem:v56+s3+$0x0], $0xffff;
	_ =	sdelay $0x3  }
0xed: {  	v58 =	vld [tilespmem:$0x2C20]  }
0xee: {  	[tilespmem:$0x3100] =	vst v0  }
0xef: {  	v0 =	vld.idx.msk [tilespmem:v57+s3+$0x0], $0xffff;
	_ =	sdelay $0x3  }
0xf0: {  	v59 =	vld [tilespmem:$0x2C30]  }
0xf1: {  	[tilespmem:$0x3110] =	vst v0  }
0xf2: {  	v0 =	vld.idx.msk [tilespmem:v58+s3+$0x0], $0xffff;
	_ =	sdelay $0x3  }
0xf3: {  	v60 =	vld [tilespmem:$0x2C40]  }
0xf4: {  	[tilespmem:$0x3120] =	vst v0  }
0xf5: {  	v0 =	vld.idx.msk [tilespmem:v59+s3+$0x0], $0xffff;
	_ =	sdelay $0x3  }
0xf6: {  	v61 =	vld [tilespmem:$0x2C50]  }
0xf7: {  	[tilespmem:$0x3130] =	vst v0  }
0xf8: {  	v0 =	vld.idx.msk [tilespmem:v60+s3+$0x0], $0xffff;
	_ =	sdelay $0x3  }
0xf9: {  	v62 =	vld [tilespmem:$0x2C60]  }
0xfa: {  	[tilespmem:$0x3140] =	vst v0  }
0xfb: {  	v0 =	vld.idx.msk [tilespmem:v61+s3+$0x0], $0xffff;
	_ =	sdelay $0x3  }
0xfc: {  	v63 =	vld [tilespmem:$0x2C70]  }
0xfd: {  	[tilespmem:$0x3150] =	vst v0  }
0xfe: {  	v0 =	vld.idx.msk [tilespmem:v62+s3+$0x0], $0xffff;
	_ =	sdelay $0x4  }
0xff: {  	[tilespmem:$0x3160] =	vst v0  }
0x100: {  	v0 =	vld.idx.msk [tilespmem:v63+s3+$0x0], $0xffff;
	_ =	sdelay $0x3  }
0x101: {  	p0 =	sne.s32 s6, $0x1  }
.Ltmp0:
0x102: {  	[tilespmem:$0x3170] =	vst v0;
	(pc) =	sbr.rel @p0 .LBB2_1-.Ltmp0, $4  }
0x103: {  	[hbm4b:s5+s3] =	stream.linear.scatter [tilespmem:s9], [sflag:$0x1], $0x500, $0x38;
	[tilespmem:$0x3180] =	vst v63  }
0x104: {  	_ =	swait.ge [sflag:s7], $0x500  }
0x105: {  	[sflag:s7] =	ssyncset.done $0x0  }
0x106: {  	s6 =	sadd.s32 $0xFFFFFFFF, s6;
	[sflag:s7] =	ssyncadd.s32 $0xFFFFFB00  }
0x107: {  	_ =	sfence.sel $0x180000  }
0x108: {  	[bflag:$0x0] =	sbarrier.arrive $0xFFFF  }
0x109: {  	p0 =	sne.s32 s0, $0x0;
	_ =	strace $0x90000047  }
0x10a: {  	s0 =	sadd.s32 @!p0 $0x100000, s2;
	[bflag:$0x2] =	sbarrier.arrive $0xFFFF  }
0x10b: {  	[sflag:s0] =	ssyncadd.tile.s32 @!p0 $0x1;
	_ =	shalt  }
.Lfunc_end2:
_tile_overlayer_lowered:
.L_overlay_start_2:
0x10c: {  	(tag) =	ssettag $0x2  }
0x10d: {  	s0 =	rddreg [dreg:$0x0];
	s2 =	stileid.u32  }
0x10e: {  	s1 =	rddreg [dreg:$0x1];
	p0 =	sne.s32 s2, $0x0  }
0x10f: {  	s3 =	rddreg [dreg:$0x2];
	[bflag:$0x3] =	sbarrier.arrive $0xFFFF;
	s2 =	simm.s32 @!p0 $0x1C01  }
0x110: {  	[timem:s3], [sflag:s2] =	dma.local @!p0 [hbm:s0], s1  }
0x111: {  	s0 =	simm.s32 @!p0 $0x1  }
0x112: {  	_ =	swait.ge @!p0 [sflag:s0], s1  }
0x113: {  	s1 =	ssub.s32 @!p0 $0x0, s1;
	[sflag:s0] =	ssyncset.done @!p0 $0x0  }
0x114: {  	[sflag:s0] =	ssyncadd.s32 @!p0 s1  }
0x115: {  	[bflag:$0x3] =	sbarrier.arrive $0xFFFF  }
0x116: {  	_ =	shalt  }

</sc_bundles>
